<compile_context>
chip_gen: v7x
topology: tpu7x:2x2x1
jax: 0.10.2.dev20260603
libtpu: 0.0.44.dev20260713+nightly
codegen_flags: <defaults>
</compile_context>

<pallas_src>
import functools

import jax
import jax.numpy as jnp
from jax import lax
from jax.experimental import pallas as pl
from jax.experimental.pallas import tpu as pltpu
from jax.experimental.pallas import tpu_sc as plsc

N = 327680
D_MODEL = 256
POS_MAX = 128
D = D_MODEL // 4

NC, NS = 2, 16
NW = NC * NS
OUT_PER_W = N // NW

NRUN = N * 2
RUN_PER_W = NRUN // NW
CHUNK = 128
NCHUNK = RUN_PER_W // CHUNK

NBUF = 2
RUNS_PER_BUF = CHUNK
ROUNDS = NCHUNK // NBUF


def _body(pe_hbm, idx_hbm, out_hbm, pe_sh, raw_v, lists_v, rows_v, *sems):
    gsem = sems[:NBUF]
    osem = sems[NBUF:]
    sid = lax.axis_index("s")
    wid = sid * NC + lax.axis_index("c")

    @pl.when(sid == 0)
    def _stage_table():
        tbl_v = rows_v.at[0].at[0]
        pltpu.sync_copy(pe_hbm, tbl_v)
        pltpu.sync_copy(tbl_v, pe_sh)

    run0 = wid * RUN_PER_W
    lane = lax.iota(jnp.int32, 16)
    sub = lane & 7
    colh = [2 * (lane >> 3) + h for h in range(2)]
    QROWS = 20
    QCHUNK = NCHUNK // 4

    for q in range(4):
        pltpu.sync_copy(idx_hbm.at[pl.ds(80 * wid + QROWS * q, QROWS)], raw_v)

        def build_chunk(jj, _, q=q):
            for k in range(8):
                for h in range(2):
                    f = (256 * jj + 32 * k) + (4 * sub + colh[h])
                    v = plsc.load_gather(raw_v, [f >> 9, f & 511])
                    lists_v[h, QCHUNK * q + jj, pl.ds(16 * k, 16)] = v
            return _

        lax.fori_loop(0, QCHUNK, build_chunk, 0, unroll=False)
    plsc.subcore_barrier()

    def fire(r, b):
        j = r * NBUF + b
        for h in range(2):
            pltpu.async_copy(
                pe_sh.at[lists_v.at[h].at[j]],
                rows_v.at[h].at[b],
                gsem[b],
            )

    def drain(r, b):
        j = r * NBUF + b
        for h in range(2):
            pltpu.make_async_copy(
                pe_sh.at[lists_v.at[h].at[j]],
                rows_v.at[h].at[b],
                gsem[b],
            ).wait()

    def out_slice(r, b, h):
        start = run0 + (r * NBUF + b) * RUNS_PER_BUF
        return out_hbm.at[pl.ds(start, RUNS_PER_BUF), pl.ds(h * D, D)]

    def scatter_start(r, b):
        for h in range(2):
            pltpu.async_copy(rows_v.at[h].at[b], out_slice(r, b, h), osem[b])

    def scatter_wait(r, b):
        for h in range(2):
            pltpu.make_async_copy(
                rows_v.at[h].at[b], out_slice(r, b, h), osem[b]
            ).wait()

    for b in range(NBUF):
        fire(0, b)
        drain(0, b)
        scatter_start(0, b)

    def round_body(r, _):
        for b in range(NBUF):
            scatter_wait(r - 1, b)
            fire(r, b)
            drain(r, b)
            scatter_start(r, b)
        return _

    lax.fori_loop(1, ROUNDS, round_body, 0, unroll=False)

    for b in range(NBUF):
        scatter_wait(ROUNDS - 1, b)


@jax.jit
def _gather_all(pe, idx):
    mesh = plsc.VectorSubcoreMesh(
        core_axis_name="c", subcore_axis_name="s", num_cores=NC, num_subcores=NS
    )
    scratch = [
        pltpu.VMEM_SHARED((POS_MAX, D), jnp.float32),
        pltpu.VMEM((20, 512), jnp.int32),
        pltpu.VMEM((2, NCHUNK, CHUNK), jnp.int32),
        pltpu.VMEM((2, NBUF, RUNS_PER_BUF, D), jnp.float32),
    ] + [pltpu.SemaphoreType.DMA] * (2 * NBUF)
    return pl.kernel(
        _body,
        out_type=jax.ShapeDtypeStruct((NRUN, 2 * D), jnp.float32),
        mesh=mesh,
        scratch_types=scratch,
        compiler_params=pltpu.CompilerParams(
            use_tc_tiling_on_sc=False, needs_layout_passes=False
        ),
    )(pe, idx)


def kernel(pos_enc, pe):
    res = _gather_all(pe, pos_enc.astype(jnp.int32).reshape(2560, 512))
    return res.reshape(N // 8, 2, 8, 2 * D).transpose(0, 2, 1, 3).reshape(N, D_MODEL)

# --- scband reference (transcript-rebuilt; emitter-appended) ---
"""Pipeline reference for scband-sinusoidal-positional-encoding-89472758711060 (READ-ONLY COPY).

The authoritative reference and input builder live on the scoring server;
editing this copy changes nothing except your own understanding.
"""

import math
import jax, jax.numpy as jnp
import numpy as np

D_MODEL = 256
POS_MAX = 128
N = 327680

def _build_pe():
    dm = D_MODEL // 4
    pe = np.zeros((POS_MAX, dm), dtype=np.float32)
    position = np.arange(0, POS_MAX, dtype=np.float32)[:, None]
    div_term = np.exp(np.arange(0, dm, 2, dtype=np.float32) * -(math.log(10000.0) / dm))
    pe[:, 0::2] = np.sin(position * div_term)
    pe[:, 1::2] = np.cos(position * div_term)
    return jnp.asarray(pe)

def setup_inputs(seed: int = 0) -> dict:
    key = jax.random.key(seed)
    pos_enc = jax.random.randint(key, (N, 4), 0, POS_MAX, dtype=jnp.int64) if jax.config.jax_enable_x64 else jax.random.randint(key, (N, 4), 0, POS_MAX, dtype=jnp.int32)
    pe = _build_pe()
    return {"pos_enc": pos_enc, "pe": pe}

def reference(pos_enc, pe):
    l = pos_enc[:, 0]
    r = pos_enc[:, 1]
    t = pos_enc[:, 2]
    b = pos_enc[:, 3]
    l_emb = jnp.take(pe, l, axis=0)
    r_emb = jnp.take(pe, r, axis=0)
    t_emb = jnp.take(pe, t, axis=0)
    b_emb = jnp.take(pe, b, axis=0)
    pos_emb = jnp.concatenate([l_emb, r_emb, t_emb, b_emb], axis=1)
    return pos_emb

if __name__ == "__main__":
    import jax
    _d = setup_inputs()
    print(jax.jit(kernel)(*tuple(_d.values())))

</pallas_src>

<mosaic_0001>
#map = affine_map<(d0, d1) -> (0, 0)>
module attributes {stable_mosaic.version = 14 : i64} {
  func.func @_body(%arg0: i32, %arg1: i32, %arg2: memref<128x64xf32, #tpu.memory_space<hbm>>, %arg3: memref<2560x512xi32, #tpu.memory_space<hbm>>, %arg4: memref<655360x128xf32, #tpu.memory_space<hbm>>, %arg5: memref<128x64xf32, #tpu.memory_space<vmem_shared>>, %arg6: memref<20x512xi32, #tpu.memory_space<vmem>>, %arg7: memref<2x160x128xi32, #tpu.memory_space<vmem>>, %arg8: memref<2x2x128x64xf32, #tpu.memory_space<vmem>>, %arg9: memref<!tpu.dma_semaphore, #tpu.memory_space<semaphore_mem>>, %arg10: memref<!tpu.dma_semaphore, #tpu.memory_space<semaphore_mem>>, %arg11: memref<!tpu.dma_semaphore, #tpu.memory_space<semaphore_mem>>, %arg12: memref<!tpu.dma_semaphore, #tpu.memory_space<semaphore_mem>>) attributes {dimension_semantics = [#tpu.dimension_semantics<core_parallel>, #tpu.dimension_semantics<subcore_parallel>], iteration_bounds = array<i64: 2, 16>, scalar_prefetch = 0 : i64, scratch_operands = 8 : i64, tpu.core_type = #tpu.core_type<sc_vector_subcore>, window_params = [{transform_indices = #map}, {transform_indices = #map}, {transform_indices = #map}]} {
    %mul3A = arith.constant 2 : i32
    %mul3A_0 = arith.muli %arg1, %mul3A : i32
    %add3A = arith.addi %mul3A_0, %arg0 : i32
    %eq3A = arith.constant 0 : i32
    %eq3A_1 = arith.cmpi eq, %arg1, %eq3A : i32
    %convert_element_type3A = arith.extui %eq3A_1 : i1 to i32
    %cond3A = arith.constant 0 : i32
    %cond3A_2 = arith.cmpi ne, %convert_element_type3A, %cond3A : i32
    scf.if %cond3A_2 {
      %run_scoped3A = arith.constant 0 : i32
      %run_scoped3A_459 = arith.constant 0 : i32
      "tpu.region"() ({
        %run_scoped3A_462 = tpu.sem_alloc : memref<!tpu.dma_semaphore, #tpu.memory_space<semaphore_mem>>
        %dma_start3A_463 = arith.constant 0 : i32
        %dma_start3A_464 = arith.constant 0 : i32
        %dma_start3A_465 = arith.constant 0 : i32
        %dma_start3A_466 = tpu.memref_slice %arg8[%run_scoped3A, %dma_start3A_463, %dma_start3A_464, %dma_start3A_465] : memref<2x2x128x64xf32, #tpu.memory_space<vmem>> -> memref<1x2x128x64xf32, #tpu.memory_space<vmem>>
        %dma_start3A_467 = tpu.memref_squeeze %dma_start3A_466 : memref<1x2x128x64xf32, #tpu.memory_space<vmem>> -> memref<2x128x64xf32, #tpu.memory_space<vmem>>
        %dma_start3A_468 = arith.constant 0 : i32
        %dma_start3A_469 = arith.constant 0 : i32
        %dma_start3A_470 = tpu.memref_slice %dma_start3A_467[%run_scoped3A_459, %dma_start3A_468, %dma_start3A_469] : memref<2x128x64xf32, #tpu.memory_space<vmem>> -> memref<1x128x64xf32, #tpu.memory_space<vmem>>
        %dma_start3A_471 = tpu.memref_squeeze %dma_start3A_470 : memref<1x128x64xf32, #tpu.memory_space<vmem>> -> memref<128x64xf32, #tpu.memory_space<vmem>>
        %dma_start3A_472 = arith.constant 0 : i32
        %dma_start3A_473 = arith.constant 0 : i32
        %dma_start3A_474 = arith.constant 0 : i32
        %dma_start3A_475 = tpu.memref_slice %arg8[%run_scoped3A, %dma_start3A_472, %dma_start3A_473, %dma_start3A_474] : memref<2x2x128x64xf32, #tpu.memory_space<vmem>> -> memref<1x2x128x64xf32, #tpu.memory_space<vmem>>
        %dma_start3A_476 = tpu.memref_squeeze %dma_start3A_475 : memref<1x2x128x64xf32, #tpu.memory_space<vmem>> -> memref<2x128x64xf32, #tpu.memory_space<vmem>>
        %dma_start3A_477 = arith.constant 0 : i32
        %dma_start3A_478 = arith.constant 0 : i32
        %dma_start3A_479 = tpu.memref_slice %dma_start3A_476[%run_scoped3A_459, %dma_start3A_477, %dma_start3A_478] : memref<2x128x64xf32, #tpu.memory_space<vmem>> -> memref<1x128x64xf32, #tpu.memory_space<vmem>>
        %dma_start3A_480 = tpu.memref_squeeze %dma_start3A_479 : memref<1x128x64xf32, #tpu.memory_space<vmem>> -> memref<128x64xf32, #tpu.memory_space<vmem>>
        tpu.enqueue_dma source(%arg2 : memref<128x64xf32, #tpu.memory_space<hbm>>) target(%dma_start3A_480 : memref<128x64xf32, #tpu.memory_space<vmem>>) target_semaphore(%run_scoped3A_462 : memref<!tpu.dma_semaphore, #tpu.memory_space<semaphore_mem>>)
        %dma_wait3A_481 = arith.constant 0 : i32
        %dma_wait3A_482 = arith.constant 0 : i32
        %dma_wait3A_483 = arith.constant 0 : i32
        %dma_wait3A_484 = tpu.memref_slice %arg8[%run_scoped3A, %dma_wait3A_481, %dma_wait3A_482, %dma_wait3A_483] : memref<2x2x128x64xf32, #tpu.memory_space<vmem>> -> memref<1x2x128x64xf32, #tpu.memory_space<vmem>>
        %dma_wait3A_485 = tpu.memref_squeeze %dma_wait3A_484 : memref<1x2x128x64xf32, #tpu.memory_space<vmem>> -> memref<2x128x64xf32, #tpu.memory_space<vmem>>
        %dma_wait3A_486 = arith.constant 0 : i32
        %dma_wait3A_487 = arith.constant 0 : i32
        %dma_wait3A_488 = tpu.memref_slice %dma_wait3A_485[%run_scoped3A_459, %dma_wait3A_486, %dma_wait3A_487] : memref<2x128x64xf32, #tpu.memory_space<vmem>> -> memref<1x128x64xf32, #tpu.memory_space<vmem>>
        %dma_wait3A_489 = tpu.memref_squeeze %dma_wait3A_488 : memref<1x128x64xf32, #tpu.memory_space<vmem>> -> memref<128x64xf32, #tpu.memory_space<vmem>>
        %dma_wait3A_490 = arith.constant 0 : i32
        %dma_wait3A_491 = arith.constant 0 : i32
        %dma_wait3A_492 = arith.constant 0 : i32
        %dma_wait3A_493 = tpu.memref_slice %arg8[%run_scoped3A, %dma_wait3A_490, %dma_wait3A_491, %dma_wait3A_492] : memref<2x2x128x64xf32, #tpu.memory_space<vmem>> -> memref<1x2x128x64xf32, #tpu.memory_space<vmem>>
        %dma_wait3A_494 = tpu.memref_squeeze %dma_wait3A_493 : memref<1x2x128x64xf32, #tpu.memory_space<vmem>> -> memref<2x128x64xf32, #tpu.memory_space<vmem>>
        %dma_wait3A_495 = arith.constant 0 : i32
        %dma_wait3A_496 = arith.constant 0 : i32
        %dma_wait3A_497 = tpu.memref_slice %dma_wait3A_494[%run_scoped3A_459, %dma_wait3A_495, %dma_wait3A_496] : memref<2x128x64xf32, #tpu.memory_space<vmem>> -> memref<1x128x64xf32, #tpu.memory_space<vmem>>
        %dma_wait3A_498 = tpu.memref_squeeze %dma_wait3A_497 : memref<1x128x64xf32, #tpu.memory_space<vmem>> -> memref<128x64xf32, #tpu.memory_space<vmem>>
        tpu.wait_dma2 semaphore(%run_scoped3A_462 : memref<!tpu.dma_semaphore, #tpu.memory_space<semaphore_mem>>) src(%arg2 : memref<128x64xf32, #tpu.memory_space<hbm>>) dst(%dma_wait3A_498 : memref<128x64xf32, #tpu.memory_space<vmem>>)
        tpu.yield
      }) : () -> ()
      %run_scoped3A_460 = arith.constant 0 : i32
      %run_scoped3A_461 = arith.constant 0 : i32
      "tpu.region"() ({
        %run_scoped3A_462 = tpu.sem_alloc : memref<!tpu.dma_semaphore, #tpu.memory_space<semaphore_mem>>
        %dma_start3A_463 = arith.constant 0 : i32
        %dma_start3A_464 = arith.constant 0 : i32
        %dma_start3A_465 = arith.constant 0 : i32
        %dma_start3A_466 = tpu.memref_slice %arg8[%run_scoped3A_460, %dma_start3A_463, %dma_start3A_464, %dma_start3A_465] : memref<2x2x128x64xf32, #tpu.memory_space<vmem>> -> memref<1x2x128x64xf32, #tpu.memory_space<vmem>>
        %dma_start3A_467 = tpu.memref_squeeze %dma_start3A_466 : memref<1x2x128x64xf32, #tpu.memory_space<vmem>> -> memref<2x128x64xf32, #tpu.memory_space<vmem>>
        %dma_start3A_468 = arith.constant 0 : i32
        %dma_start3A_469 = arith.constant 0 : i32
        %dma_start3A_470 = tpu.memref_slice %dma_start3A_467[%run_scoped3A_461, %dma_start3A_468, %dma_start3A_469] : memref<2x128x64xf32, #tpu.memory_space<vmem>> -> memref<1x128x64xf32, #tpu.memory_space<vmem>>
        %dma_start3A_471 = tpu.memref_squeeze %dma_start3A_470 : memref<1x128x64xf32, #tpu.memory_space<vmem>> -> memref<128x64xf32, #tpu.memory_space<vmem>>
        %dma_start3A_472 = arith.constant 0 : i32
        %dma_start3A_473 = arith.constant 0 : i32
        %dma_start3A_474 = arith.constant 0 : i32
        %dma_start3A_475 = tpu.memref_slice %arg8[%run_scoped3A_460, %dma_start3A_472, %dma_start3A_473, %dma_start3A_474] : memref<2x2x128x64xf32, #tpu.memory_space<vmem>> -> memref<1x2x128x64xf32, #tpu.memory_space<vmem>>
        %dma_start3A_476 = tpu.memref_squeeze %dma_start3A_475 : memref<1x2x128x64xf32, #tpu.memory_space<vmem>> -> memref<2x128x64xf32, #tpu.memory_space<vmem>>
        %dma_start3A_477 = arith.constant 0 : i32
        %dma_start3A_478 = arith.constant 0 : i32
        %dma_start3A_479 = tpu.memref_slice %dma_start3A_476[%run_scoped3A_461, %dma_start3A_477, %dma_start3A_478] : memref<2x128x64xf32, #tpu.memory_space<vmem>> -> memref<1x128x64xf32, #tpu.memory_space<vmem>>
        %dma_start3A_480 = tpu.memref_squeeze %dma_start3A_479 : memref<1x128x64xf32, #tpu.memory_space<vmem>> -> memref<128x64xf32, #tpu.memory_space<vmem>>
        tpu.enqueue_dma source(%dma_start3A_480 : memref<128x64xf32, #tpu.memory_space<vmem>>) target(%arg5 : memref<128x64xf32, #tpu.memory_space<vmem_shared>>) target_semaphore(%run_scoped3A_462 : memref<!tpu.dma_semaphore, #tpu.memory_space<semaphore_mem>>)
        %dma_wait3A_481 = arith.constant 0 : i32
        %dma_wait3A_482 = arith.constant 0 : i32
        %dma_wait3A_483 = arith.constant 0 : i32
        %dma_wait3A_484 = tpu.memref_slice %arg8[%run_scoped3A_460, %dma_wait3A_481, %dma_wait3A_482, %dma_wait3A_483] : memref<2x2x128x64xf32, #tpu.memory_space<vmem>> -> memref<1x2x128x64xf32, #tpu.memory_space<vmem>>
        %dma_wait3A_485 = tpu.memref_squeeze %dma_wait3A_484 : memref<1x2x128x64xf32, #tpu.memory_space<vmem>> -> memref<2x128x64xf32, #tpu.memory_space<vmem>>
        %dma_wait3A_486 = arith.constant 0 : i32
        %dma_wait3A_487 = arith.constant 0 : i32
        %dma_wait3A_488 = tpu.memref_slice %dma_wait3A_485[%run_scoped3A_461, %dma_wait3A_486, %dma_wait3A_487] : memref<2x128x64xf32, #tpu.memory_space<vmem>> -> memref<1x128x64xf32, #tpu.memory_space<vmem>>
        %dma_wait3A_489 = tpu.memref_squeeze %dma_wait3A_488 : memref<1x128x64xf32, #tpu.memory_space<vmem>> -> memref<128x64xf32, #tpu.memory_space<vmem>>
        %dma_wait3A_490 = arith.constant 0 : i32
        %dma_wait3A_491 = arith.constant 0 : i32
        %dma_wait3A_492 = arith.constant 0 : i32
        %dma_wait3A_493 = tpu.memref_slice %arg8[%run_scoped3A_460, %dma_wait3A_490, %dma_wait3A_491, %dma_wait3A_492] : memref<2x2x128x64xf32, #tpu.memory_space<vmem>> -> memref<1x2x128x64xf32, #tpu.memory_space<vmem>>
        %dma_wait3A_494 = tpu.memref_squeeze %dma_wait3A_493 : memref<1x2x128x64xf32, #tpu.memory_space<vmem>> -> memref<2x128x64xf32, #tpu.memory_space<vmem>>
        %dma_wait3A_495 = arith.constant 0 : i32
        %dma_wait3A_496 = arith.constant 0 : i32
        %dma_wait3A_497 = tpu.memref_slice %dma_wait3A_494[%run_scoped3A_461, %dma_wait3A_495, %dma_wait3A_496] : memref<2x128x64xf32, #tpu.memory_space<vmem>> -> memref<1x128x64xf32, #tpu.memory_space<vmem>>
        %dma_wait3A_498 = tpu.memref_squeeze %dma_wait3A_497 : memref<1x128x64xf32, #tpu.memory_space<vmem>> -> memref<128x64xf32, #tpu.memory_space<vmem>>
        tpu.wait_dma2 semaphore(%run_scoped3A_462 : memref<!tpu.dma_semaphore, #tpu.memory_space<semaphore_mem>>) src(%dma_wait3A_498 : memref<128x64xf32, #tpu.memory_space<vmem>>) dst(%arg5 : memref<128x64xf32, #tpu.memory_space<vmem_shared>>)
        tpu.yield
      }) : () -> ()
    } else {
    }
    %mul3A_3 = arith.constant 20480 : i32
    %mul3A_4 = arith.muli %add3A, %mul3A_3 : i32
    %iota3A = tpu.iota {dimensions = array<i32: 0>} : vector<16xi32>
    %and3A = arith.constant 7 : i32
    %and3A_5 = vector.broadcast %and3A : i32 to vector<16xi32>
    %and3A_6 = arith.andi %iota3A, %and3A_5 : vector<16xi32>
    %shift_right_arithmetic3A = arith.constant 3 : i32
    %shift_right_arithmetic3A_7 = vector.broadcast %shift_right_arithmetic3A : i32 to vector<16xi32>
    %shift_right_arithmetic3A_8 = arith.shrsi %iota3A, %shift_right_arithmetic3A_7 : vector<16xi32>
    %mul3A_9 = arith.constant 2 : i32
    %mul3A_10 = vector.broadcast %mul3A_9 : i32 to vector<16xi32>
    %mul3A_11 = arith.muli %mul3A_10, %shift_right_arithmetic3A_8 : vector<16xi32>
    %add3A_12 = arith.constant 0 : i32
    %add3A_13 = vector.broadcast %add3A_12 : i32 to vector<16xi32>
    %add3A_14 = arith.addi %mul3A_11, %add3A_13 : vector<16xi32>
    %shift_right_arithmetic3A_15 = arith.constant 3 : i32
    %shift_right_arithmetic3A_16 = vector.broadcast %shift_right_arithmetic3A_15 : i32 to vector<16xi32>
    %shift_right_arithmetic3A_17 = arith.shrsi %iota3A, %shift_right_arithmetic3A_16 : vector<16xi32>
    %mul3A_18 = arith.constant 2 : i32
    %mul3A_19 = vector.broadcast %mul3A_18 : i32 to vector<16xi32>
    %mul3A_20 = arith.muli %mul3A_19, %shift_right_arithmetic3A_17 : vector<16xi32>
    %add3A_21 = arith.constant 1 : i32
    %add3A_22 = vector.broadcast %add3A_21 : i32 to vector<16xi32>
    %add3A_23 = arith.addi %mul3A_20, %add3A_22 : vector<16xi32>
    %mul3A_24 = arith.constant 80 : i32
    %mul3A_25 = arith.muli %mul3A_24, %add3A : i32
    %add3A_26 = arith.constant 0 : i32
    %add3A_27 = arith.addi %mul3A_25, %add3A_26 : i32
    "tpu.region"() ({
      %run_scoped3A = tpu.sem_alloc : memref<!tpu.dma_semaphore, #tpu.memory_space<semaphore_mem>>
      %dma_start3A_459 = arith.constant 0 : i32
      %dma_start3A_460 = tpu.memref_slice %arg3[%add3A_27, %dma_start3A_459] : memref<2560x512xi32, #tpu.memory_space<hbm>> -> memref<20x512xi32, #tpu.memory_space<hbm>>
      %dma_start3A_461 = arith.constant 0 : i32
      %dma_start3A_462 = tpu.memref_slice %arg3[%add3A_27, %dma_start3A_461] : memref<2560x512xi32, #tpu.memory_space<hbm>> -> memref<20x512xi32, #tpu.memory_space<hbm>>
      tpu.enqueue_dma source(%dma_start3A_462 : memref<20x512xi32, #tpu.memory_space<hbm>>) target(%arg6 : memref<20x512xi32, #tpu.memory_space<vmem>>) target_semaphore(%run_scoped3A : memref<!tpu.dma_semaphore, #tpu.memory_space<semaphore_mem>>)
      %dma_wait3A_463 = arith.constant 0 : i32
      %dma_wait3A_464 = tpu.memref_slice %arg3[%add3A_27, %dma_wait3A_463] : memref<2560x512xi32, #tpu.memory_space<hbm>> -> memref<20x512xi32, #tpu.memory_space<hbm>>
      %dma_wait3A_465 = arith.constant 0 : i32
      %dma_wait3A_466 = tpu.memref_slice %arg3[%add3A_27, %dma_wait3A_465] : memref<2560x512xi32, #tpu.memory_space<hbm>> -> memref<20x512xi32, #tpu.memory_space<hbm>>
      tpu.wait_dma2 semaphore(%run_scoped3A : memref<!tpu.dma_semaphore, #tpu.memory_space<semaphore_mem>>) src(%dma_wait3A_466 : memref<20x512xi32, #tpu.memory_space<hbm>>) dst(%arg6 : memref<20x512xi32, #tpu.memory_space<vmem>>)
      tpu.yield
    }) : () -> ()
    %scan3A = arith.constant 0 : i32
    %scan3A_28 = arith.constant 0 : i32
    %scan3A_29 = arith.constant 40 : i32
    %scan3A_30 = arith.addi %scan3A_28, %scan3A_29 : i32
    %scan3A_31 = arith.constant 1 : i32
    scf.for %scan3A_459 = %scan3A_28 to %scan3A_30 step %scan3A_31  : i32 {
      %mul3A_460 = arith.constant 256 : i32
      %mul3A_461 = arith.muli %mul3A_460, %scan3A_459 : i32
      %add3A_462 = arith.constant 0 : i32
      %add3A_463 = arith.addi %mul3A_461, %add3A_462 : i32
      %mul3A_464 = arith.constant 4 : i32
      %mul3A_465 = vector.broadcast %mul3A_464 : i32 to vector<16xi32>
      %mul3A_466 = arith.muli %mul3A_465, %and3A_6 : vector<16xi32>
      %add3A_467 = arith.addi %mul3A_466, %add3A_14 : vector<16xi32>
      %add3A_468 = vector.broadcast %add3A_463 : i32 to vector<16xi32>
      %add3A_469 = arith.addi %add3A_468, %add3A_467 : vector<16xi32>
      %shift_right_arithmetic3A_470 = arith.constant 9 : i32
      %shift_right_arithmetic3A_471 = vector.broadcast %shift_right_arithmetic3A_470 : i32 to vector<16xi32>
      %shift_right_arithmetic3A_472 = arith.shrsi %add3A_469, %shift_right_arithmetic3A_471 : vector<16xi32>
      %and3A_473 = arith.constant 511 : i32
      %and3A_474 = vector.broadcast %and3A_473 : i32 to vector<16xi32>
      %and3A_475 = arith.andi %add3A_469, %and3A_474 : vector<16xi32>
      %gather3A = tpu.vector_load_idx %arg6[%shift_right_arithmetic3A_472, %and3A_475] : memref<20x512xi32, #tpu.memory_space<vmem>>[vector<16xi32>, vector<16xi32>], vector<16xi32>,
      %add3A_476 = arith.constant 0 : i32
      %add3A_477 = arith.addi %add3A_476, %scan3A_459 : i32
      %swap3A = arith.constant 0 : i32
      %swap3A_478 = arith.index_cast %swap3A : i32 to index
      %swap3A_479 = arith.index_cast %add3A_477 : i32 to index
      %swap3A_480 = arith.constant 0 : index
      %swap3A_481 = tpu.vector_load %arg7[%swap3A_478, %swap3A_479, %swap3A_480] {strides = array<i32>} : memref<2x160x128xi32, #tpu.memory_space<vmem>>, vector<16xi32>,
      tpu.vector_store %arg7[%swap3A_478, %swap3A_479, %swap3A_480], %gather3A {strides = array<i32>} : memref<2x160x128xi32, #tpu.memory_space<vmem>>, vector<16xi32>,
      %mul3A_482 = arith.constant 256 : i32
      %mul3A_483 = arith.muli %mul3A_482, %scan3A_459 : i32
      %add3A_484 = arith.constant 0 : i32
      %add3A_485 = arith.addi %mul3A_483, %add3A_484 : i32
      %mul3A_486 = arith.constant 4 : i32
      %mul3A_487 = vector.broadcast %mul3A_486 : i32 to vector<16xi32>
      %mul3A_488 = arith.muli %mul3A_487, %and3A_6 : vector<16xi32>
      %add3A_489 = arith.addi %mul3A_488, %add3A_23 : vector<16xi32>
      %add3A_490 = vector.broadcast %add3A_485 : i32 to vector<16xi32>
      %add3A_491 = arith.addi %add3A_490, %add3A_489 : vector<16xi32>
      %shift_right_arithmetic3A_492 = arith.constant 9 : i32
      %shift_right_arithmetic3A_493 = vector.broadcast %shift_right_arithmetic3A_492 : i32 to vector<16xi32>
      %shift_right_arithmetic3A_494 = arith.shrsi %add3A_491, %shift_right_arithmetic3A_493 : vector<16xi32>
      %and3A_495 = arith.constant 511 : i32
      %and3A_496 = vector.broadcast %and3A_495 : i32 to vector<16xi32>
      %and3A_497 = arith.andi %add3A_491, %and3A_496 : vector<16xi32>
      %gather3A_498 = tpu.vector_load_idx %arg6[%shift_right_arithmetic3A_494, %and3A_497] : memref<20x512xi32, #tpu.memory_space<vmem>>[vector<16xi32>, vector<16xi32>], vector<16xi32>,
      %add3A_499 = arith.constant 0 : i32
      %add3A_500 = arith.addi %add3A_499, %scan3A_459 : i32
      %swap3A_501 = arith.constant 1 : i32
      %swap3A_502 = arith.index_cast %swap3A_501 : i32 to index
      %swap3A_503 = arith.index_cast %add3A_500 : i32 to index
      %swap3A_504 = arith.constant 0 : index
      %swap3A_505 = tpu.vector_load %arg7[%swap3A_502, %swap3A_503, %swap3A_504] {strides = array<i32>} : memref<2x160x128xi32, #tpu.memory_space<vmem>>, vector<16xi32>,
      tpu.vector_store %arg7[%swap3A_502, %swap3A_503, %swap3A_504], %gather3A_498 {strides = array<i32>} : memref<2x160x128xi32, #tpu.memory_space<vmem>>, vector<16xi32>,
      %mul3A_506 = arith.constant 256 : i32
      %mul3A_507 = arith.muli %mul3A_506, %scan3A_459 : i32
      %add3A_508 = arith.constant 32 : i32
      %add3A_509 = arith.addi %mul3A_507, %add3A_508 : i32
      %mul3A_510 = arith.constant 4 : i32
      %mul3A_511 = vector.broadcast %mul3A_510 : i32 to vector<16xi32>
      %mul3A_512 = arith.muli %mul3A_511, %and3A_6 : vector<16xi32>
      %add3A_513 = arith.addi %mul3A_512, %add3A_14 : vector<16xi32>
      %add3A_514 = vector.broadcast %add3A_509 : i32 to vector<16xi32>
      %add3A_515 = arith.addi %add3A_514, %add3A_513 : vector<16xi32>
      %shift_right_arithmetic3A_516 = arith.constant 9 : i32
      %shift_right_arithmetic3A_517 = vector.broadcast %shift_right_arithmetic3A_516 : i32 to vector<16xi32>
      %shift_right_arithmetic3A_518 = arith.shrsi %add3A_515, %shift_right_arithmetic3A_517 : vector<16xi32>
      %and3A_519 = arith.constant 511 : i32
      %and3A_520 = vector.broadcast %and3A_519 : i32 to vector<16xi32>
      %and3A_521 = arith.andi %add3A_515, %and3A_520 : vector<16xi32>
      %gather3A_522 = tpu.vector_load_idx %arg6[%shift_right_arithmetic3A_518, %and3A_521] : memref<20x512xi32, #tpu.memory_space<vmem>>[vector<16xi32>, vector<16xi32>], vector<16xi32>,
      %add3A_523 = arith.constant 0 : i32
      %add3A_524 = arith.addi %add3A_523, %scan3A_459 : i32
      %swap3A_525 = arith.constant 0 : i32
      %swap3A_526 = arith.index_cast %swap3A_525 : i32 to index
      %swap3A_527 = arith.index_cast %add3A_524 : i32 to index
      %swap3A_528 = arith.constant 16 : index
      %swap3A_529 = tpu.vector_load %arg7[%swap3A_526, %swap3A_527, %swap3A_528] {strides = array<i32>} : memref<2x160x128xi32, #tpu.memory_space<vmem>>, vector<16xi32>,
      tpu.vector_store %arg7[%swap3A_526, %swap3A_527, %swap3A_528], %gather3A_522 {strides = array<i32>} : memref<2x160x128xi32, #tpu.memory_space<vmem>>, vector<16xi32>,
      %mul3A_530 = arith.constant 256 : i32
      %mul3A_531 = arith.muli %mul3A_530, %scan3A_459 : i32
      %add3A_532 = arith.constant 32 : i32
      %add3A_533 = arith.addi %mul3A_531, %add3A_532 : i32
      %mul3A_534 = arith.constant 4 : i32
      %mul3A_535 = vector.broadcast %mul3A_534 : i32 to vector<16xi32>
      %mul3A_536 = arith.muli %mul3A_535, %and3A_6 : vector<16xi32>
      %add3A_537 = arith.addi %mul3A_536, %add3A_23 : vector<16xi32>
      %add3A_538 = vector.broadcast %add3A_533 : i32 to vector<16xi32>
      %add3A_539 = arith.addi %add3A_538, %add3A_537 : vector<16xi32>
      %shift_right_arithmetic3A_540 = arith.constant 9 : i32
      %shift_right_arithmetic3A_541 = vector.broadcast %shift_right_arithmetic3A_540 : i32 to vector<16xi32>
      %shift_right_arithmetic3A_542 = arith.shrsi %add3A_539, %shift_right_arithmetic3A_541 : vector<16xi32>
      %and3A_543 = arith.constant 511 : i32
      %and3A_544 = vector.broadcast %and3A_543 : i32 to vector<16xi32>
      %and3A_545 = arith.andi %add3A_539, %and3A_544 : vector<16xi32>
      %gather3A_546 = tpu.vector_load_idx %arg6[%shift_right_arithmetic3A_542, %and3A_545] : memref<20x512xi32, #tpu.memory_space<vmem>>[vector<16xi32>, vector<16xi32>], vector<16xi32>,
      %add3A_547 = arith.constant 0 : i32
      %add3A_548 = arith.addi %add3A_547, %scan3A_459 : i32
      %swap3A_549 = arith.constant 1 : i32
      %swap3A_550 = arith.index_cast %swap3A_549 : i32 to index
      %swap3A_551 = arith.index_cast %add3A_548 : i32 to index
      %swap3A_552 = arith.constant 16 : index
      %swap3A_553 = tpu.vector_load %arg7[%swap3A_550, %swap3A_551, %swap3A_552] {strides = array<i32>} : memref<2x160x128xi32, #tpu.memory_space<vmem>>, vector<16xi32>,
      tpu.vector_store %arg7[%swap3A_550, %swap3A_551, %swap3A_552], %gather3A_546 {strides = array<i32>} : memref<2x160x128xi32, #tpu.memory_space<vmem>>, vector<16xi32>,
      %mul3A_554 = arith.constant 256 : i32
      %mul3A_555 = arith.muli %mul3A_554, %scan3A_459 : i32
      %add3A_556 = arith.constant 64 : i32
      %add3A_557 = arith.addi %mul3A_555, %add3A_556 : i32
      %mul3A_558 = arith.constant 4 : i32
      %mul3A_559 = vector.broadcast %mul3A_558 : i32 to vector<16xi32>
      %mul3A_560 = arith.muli %mul3A_559, %and3A_6 : vector<16xi32>
      %add3A_561 = arith.addi %mul3A_560, %add3A_14 : vector<16xi32>
      %add3A_562 = vector.broadcast %add3A_557 : i32 to vector<16xi32>
      %add3A_563 = arith.addi %add3A_562, %add3A_561 : vector<16xi32>
      %shift_right_arithmetic3A_564 = arith.constant 9 : i32
      %shift_right_arithmetic3A_565 = vector.broadcast %shift_right_arithmetic3A_564 : i32 to vector<16xi32>
      %shift_right_arithmetic3A_566 = arith.shrsi %add3A_563, %shift_right_arithmetic3A_565 : vector<16xi32>
      %and3A_567 = arith.constant 511 : i32
      %and3A_568 = vector.broadcast %and3A_567 : i32 to vector<16xi32>
      %and3A_569 = arith.andi %add3A_563, %and3A_568 : vector<16xi32>
      %gather3A_570 = tpu.vector_load_idx %arg6[%shift_right_arithmetic3A_566, %and3A_569] : memref<20x512xi32, #tpu.memory_space<vmem>>[vector<16xi32>, vector<16xi32>], vector<16xi32>,
      %add3A_571 = arith.constant 0 : i32
      %add3A_572 = arith.addi %add3A_571, %scan3A_459 : i32
      %swap3A_573 = arith.constant 0 : i32
      %swap3A_574 = arith.index_cast %swap3A_573 : i32 to index
      %swap3A_575 = arith.index_cast %add3A_572 : i32 to index
      %swap3A_576 = arith.constant 32 : index
      %swap3A_577 = tpu.vector_load %arg7[%swap3A_574, %swap3A_575, %swap3A_576] {strides = array<i32>} : memref<2x160x128xi32, #tpu.memory_space<vmem>>, vector<16xi32>,
      tpu.vector_store %arg7[%swap3A_574, %swap3A_575, %swap3A_576], %gather3A_570 {strides = array<i32>} : memref<2x160x128xi32, #tpu.memory_space<vmem>>, vector<16xi32>,
      %mul3A_578 = arith.constant 256 : i32
      %mul3A_579 = arith.muli %mul3A_578, %scan3A_459 : i32
      %add3A_580 = arith.constant 64 : i32
      %add3A_581 = arith.addi %mul3A_579, %add3A_580 : i32
      %mul3A_582 = arith.constant 4 : i32
      %mul3A_583 = vector.broadcast %mul3A_582 : i32 to vector<16xi32>
      %mul3A_584 = arith.muli %mul3A_583, %and3A_6 : vector<16xi32>
      %add3A_585 = arith.addi %mul3A_584, %add3A_23 : vector<16xi32>
      %add3A_586 = vector.broadcast %add3A_581 : i32 to vector<16xi32>
      %add3A_587 = arith.addi %add3A_586, %add3A_585 : vector<16xi32>
      %shift_right_arithmetic3A_588 = arith.constant 9 : i32
      %shift_right_arithmetic3A_589 = vector.broadcast %shift_right_arithmetic3A_588 : i32 to vector<16xi32>
      %shift_right_arithmetic3A_590 = arith.shrsi %add3A_587, %shift_right_arithmetic3A_589 : vector<16xi32>
      %and3A_591 = arith.constant 511 : i32
      %and3A_592 = vector.broadcast %and3A_591 : i32 to vector<16xi32>
      %and3A_593 = arith.andi %add3A_587, %and3A_592 : vector<16xi32>
      %gather3A_594 = tpu.vector_load_idx %arg6[%shift_right_arithmetic3A_590, %and3A_593] : memref<20x512xi32, #tpu.memory_space<vmem>>[vector<16xi32>, vector<16xi32>], vector<16xi32>,
      %add3A_595 = arith.constant 0 : i32
      %add3A_596 = arith.addi %add3A_595, %scan3A_459 : i32
      %swap3A_597 = arith.constant 1 : i32
      %swap3A_598 = arith.index_cast %swap3A_597 : i32 to index
      %swap3A_599 = arith.index_cast %add3A_596 : i32 to index
      %swap3A_600 = arith.constant 32 : index
      %swap3A_601 = tpu.vector_load %arg7[%swap3A_598, %swap3A_599, %swap3A_600] {strides = array<i32>} : memref<2x160x128xi32, #tpu.memory_space<vmem>>, vector<16xi32>,
      tpu.vector_store %arg7[%swap3A_598, %swap3A_599, %swap3A_600], %gather3A_594 {strides = array<i32>} : memref<2x160x128xi32, #tpu.memory_space<vmem>>, vector<16xi32>,
      %mul3A_602 = arith.constant 256 : i32
      %mul3A_603 = arith.muli %mul3A_602, %scan3A_459 : i32
      %add3A_604 = arith.constant 96 : i32
      %add3A_605 = arith.addi %mul3A_603, %add3A_604 : i32
      %mul3A_606 = arith.constant 4 : i32
      %mul3A_607 = vector.broadcast %mul3A_606 : i32 to vector<16xi32>
      %mul3A_608 = arith.muli %mul3A_607, %and3A_6 : vector<16xi32>
      %add3A_609 = arith.addi %mul3A_608, %add3A_14 : vector<16xi32>
      %add3A_610 = vector.broadcast %add3A_605 : i32 to vector<16xi32>
      %add3A_611 = arith.addi %add3A_610, %add3A_609 : vector<16xi32>
      %shift_right_arithmetic3A_612 = arith.constant 9 : i32
      %shift_right_arithmetic3A_613 = vector.broadcast %shift_right_arithmetic3A_612 : i32 to vector<16xi32>
      %shift_right_arithmetic3A_614 = arith.shrsi %add3A_611, %shift_right_arithmetic3A_613 : vector<16xi32>
      %and3A_615 = arith.constant 511 : i32
      %and3A_616 = vector.broadcast %and3A_615 : i32 to vector<16xi32>
      %and3A_617 = arith.andi %add3A_611, %and3A_616 : vector<16xi32>
      %gather3A_618 = tpu.vector_load_idx %arg6[%shift_right_arithmetic3A_614, %and3A_617] : memref<20x512xi32, #tpu.memory_space<vmem>>[vector<16xi32>, vector<16xi32>], vector<16xi32>,
      %add3A_619 = arith.constant 0 : i32
      %add3A_620 = arith.addi %add3A_619, %scan3A_459 : i32
      %swap3A_621 = arith.constant 0 : i32
      %swap3A_622 = arith.index_cast %swap3A_621 : i32 to index
      %swap3A_623 = arith.index_cast %add3A_620 : i32 to index
      %swap3A_624 = arith.constant 48 : index
      %swap3A_625 = tpu.vector_load %arg7[%swap3A_622, %swap3A_623, %swap3A_624] {strides = array<i32>} : memref<2x160x128xi32, #tpu.memory_space<vmem>>, vector<16xi32>,
      tpu.vector_store %arg7[%swap3A_622, %swap3A_623, %swap3A_624], %gather3A_618 {strides = array<i32>} : memref<2x160x128xi32, #tpu.memory_space<vmem>>, vector<16xi32>,
      %mul3A_626 = arith.constant 256 : i32
      %mul3A_627 = arith.muli %mul3A_626, %scan3A_459 : i32
      %add3A_628 = arith.constant 96 : i32
      %add3A_629 = arith.addi %mul3A_627, %add3A_628 : i32
      %mul3A_630 = arith.constant 4 : i32
      %mul3A_631 = vector.broadcast %mul3A_630 : i32 to vector<16xi32>
      %mul3A_632 = arith.muli %mul3A_631, %and3A_6 : vector<16xi32>
      %add3A_633 = arith.addi %mul3A_632, %add3A_23 : vector<16xi32>
      %add3A_634 = vector.broadcast %add3A_629 : i32 to vector<16xi32>
      %add3A_635 = arith.addi %add3A_634, %add3A_633 : vector<16xi32>
      %shift_right_arithmetic3A_636 = arith.constant 9 : i32
      %shift_right_arithmetic3A_637 = vector.broadcast %shift_right_arithmetic3A_636 : i32 to vector<16xi32>
      %shift_right_arithmetic3A_638 = arith.shrsi %add3A_635, %shift_right_arithmetic3A_637 : vector<16xi32>
      %and3A_639 = arith.constant 511 : i32
      %and3A_640 = vector.broadcast %and3A_639 : i32 to vector<16xi32>
      %and3A_641 = arith.andi %add3A_635, %and3A_640 : vector<16xi32>
      %gather3A_642 = tpu.vector_load_idx %arg6[%shift_right_arithmetic3A_638, %and3A_641] : memref<20x512xi32, #tpu.memory_space<vmem>>[vector<16xi32>, vector<16xi32>], vector<16xi32>,
      %add3A_643 = arith.constant 0 : i32
      %add3A_644 = arith.addi %add3A_643, %scan3A_459 : i32
      %swap3A_645 = arith.constant 1 : i32
      %swap3A_646 = arith.index_cast %swap3A_645 : i32 to index
      %swap3A_647 = arith.index_cast %add3A_644 : i32 to index
      %swap3A_648 = arith.constant 48 : index
      %swap3A_649 = tpu.vector_load %arg7[%swap3A_646, %swap3A_647, %swap3A_648] {strides = array<i32>} : memref<2x160x128xi32, #tpu.memory_space<vmem>>, vector<16xi32>,
      tpu.vector_store %arg7[%swap3A_646, %swap3A_647, %swap3A_648], %gather3A_642 {strides = array<i32>} : memref<2x160x128xi32, #tpu.memory_space<vmem>>, vector<16xi32>,
      %mul3A_650 = arith.constant 256 : i32
      %mul3A_651 = arith.muli %mul3A_650, %scan3A_459 : i32
      %add3A_652 = arith.constant 128 : i32
      %add3A_653 = arith.addi %mul3A_651, %add3A_652 : i32
      %mul3A_654 = arith.constant 4 : i32
      %mul3A_655 = vector.broadcast %mul3A_654 : i32 to vector<16xi32>
      %mul3A_656 = arith.muli %mul3A_655, %and3A_6 : vector<16xi32>
      %add3A_657 = arith.addi %mul3A_656, %add3A_14 : vector<16xi32>
      %add3A_658 = vector.broadcast %add3A_653 : i32 to vector<16xi32>
      %add3A_659 = arith.addi %add3A_658, %add3A_657 : vector<16xi32>
      %shift_right_arithmetic3A_660 = arith.constant 9 : i32
      %shift_right_arithmetic3A_661 = vector.broadcast %shift_right_arithmetic3A_660 : i32 to vector<16xi32>
      %shift_right_arithmetic3A_662 = arith.shrsi %add3A_659, %shift_right_arithmetic3A_661 : vector<16xi32>
      %and3A_663 = arith.constant 511 : i32
      %and3A_664 = vector.broadcast %and3A_663 : i32 to vector<16xi32>
      %and3A_665 = arith.andi %add3A_659, %and3A_664 : vector<16xi32>
      %gather3A_666 = tpu.vector_load_idx %arg6[%shift_right_arithmetic3A_662, %and3A_665] : memref<20x512xi32, #tpu.memory_space<vmem>>[vector<16xi32>, vector<16xi32>], vector<16xi32>,
      %add3A_667 = arith.constant 0 : i32
      %add3A_668 = arith.addi %add3A_667, %scan3A_459 : i32
      %swap3A_669 = arith.constant 0 : i32
      %swap3A_670 = arith.index_cast %swap3A_669 : i32 to index
      %swap3A_671 = arith.index_cast %add3A_668 : i32 to index
      %swap3A_672 = arith.constant 64 : index
      %swap3A_673 = tpu.vector_load %arg7[%swap3A_670, %swap3A_671, %swap3A_672] {strides = array<i32>} : memref<2x160x128xi32, #tpu.memory_space<vmem>>, vector<16xi32>,
      tpu.vector_store %arg7[%swap3A_670, %swap3A_671, %swap3A_672], %gather3A_666 {strides = array<i32>} : memref<2x160x128xi32, #tpu.memory_space<vmem>>, vector<16xi32>,
      %mul3A_674 = arith.constant 256 : i32
      %mul3A_675 = arith.muli %mul3A_674, %scan3A_459 : i32
      %add3A_676 = arith.constant 128 : i32
      %add3A_677 = arith.addi %mul3A_675, %add3A_676 : i32
      %mul3A_678 = arith.constant 4 : i32
      %mul3A_679 = vector.broadcast %mul3A_678 : i32 to vector<16xi32>
      %mul3A_680 = arith.muli %mul3A_679, %and3A_6 : vector<16xi32>
      %add3A_681 = arith.addi %mul3A_680, %add3A_23 : vector<16xi32>
      %add3A_682 = vector.broadcast %add3A_677 : i32 to vector<16xi32>
      %add3A_683 = arith.addi %add3A_682, %add3A_681 : vector<16xi32>
      %shift_right_arithmetic3A_684 = arith.constant 9 : i32
      %shift_right_arithmetic3A_685 = vector.broadcast %shift_right_arithmetic3A_684 : i32 to vector<16xi32>
      %shift_right_arithmetic3A_686 = arith.shrsi %add3A_683, %shift_right_arithmetic3A_685 : vector<16xi32>
      %and3A_687 = arith.constant 511 : i32
      %and3A_688 = vector.broadcast %and3A_687 : i32 to vector<16xi32>
      %and3A_689 = arith.andi %add3A_683, %and3A_688 : vector<16xi32>
      %gather3A_690 = tpu.vector_load_idx %arg6[%shift_right_arithmetic3A_686, %and3A_689] : memref<20x512xi32, #tpu.memory_space<vmem>>[vector<16xi32>, vector<16xi32>], vector<16xi32>,
      %add3A_691 = arith.constant 0 : i32
      %add3A_692 = arith.addi %add3A_691, %scan3A_459 : i32
      %swap3A_693 = arith.constant 1 : i32
      %swap3A_694 = arith.index_cast %swap3A_693 : i32 to index
      %swap3A_695 = arith.index_cast %add3A_692 : i32 to index
      %swap3A_696 = arith.constant 64 : index
      %swap3A_697 = tpu.vector_load %arg7[%swap3A_694, %swap3A_695, %swap3A_696] {strides = array<i32>} : memref<2x160x128xi32, #tpu.memory_space<vmem>>, vector<16xi32>,
      tpu.vector_store %arg7[%swap3A_694, %swap3A_695, %swap3A_696], %gather3A_690 {strides = array<i32>} : memref<2x160x128xi32, #tpu.memory_space<vmem>>, vector<16xi32>,
      %mul3A_698 = arith.constant 256 : i32
      %mul3A_699 = arith.muli %mul3A_698, %scan3A_459 : i32
      %add3A_700 = arith.constant 160 : i32
      %add3A_701 = arith.addi %mul3A_699, %add3A_700 : i32
      %mul3A_702 = arith.constant 4 : i32
      %mul3A_703 = vector.broadcast %mul3A_702 : i32 to vector<16xi32>
      %mul3A_704 = arith.muli %mul3A_703, %and3A_6 : vector<16xi32>
      %add3A_705 = arith.addi %mul3A_704, %add3A_14 : vector<16xi32>
      %add3A_706 = vector.broadcast %add3A_701 : i32 to vector<16xi32>
      %add3A_707 = arith.addi %add3A_706, %add3A_705 : vector<16xi32>
      %shift_right_arithmetic3A_708 = arith.constant 9 : i32
      %shift_right_arithmetic3A_709 = vector.broadcast %shift_right_arithmetic3A_708 : i32 to vector<16xi32>
      %shift_right_arithmetic3A_710 = arith.shrsi %add3A_707, %shift_right_arithmetic3A_709 : vector<16xi32>
      %and3A_711 = arith.constant 511 : i32
      %and3A_712 = vector.broadcast %and3A_711 : i32 to vector<16xi32>
      %and3A_713 = arith.andi %add3A_707, %and3A_712 : vector<16xi32>
      %gather3A_714 = tpu.vector_load_idx %arg6[%shift_right_arithmetic3A_710, %and3A_713] : memref<20x512xi32, #tpu.memory_space<vmem>>[vector<16xi32>, vector<16xi32>], vector<16xi32>,
      %add3A_715 = arith.constant 0 : i32
      %add3A_716 = arith.addi %add3A_715, %scan3A_459 : i32
      %swap3A_717 = arith.constant 0 : i32
      %swap3A_718 = arith.index_cast %swap3A_717 : i32 to index
      %swap3A_719 = arith.index_cast %add3A_716 : i32 to index
      %swap3A_720 = arith.constant 80 : index
      %swap3A_721 = tpu.vector_load %arg7[%swap3A_718, %swap3A_719, %swap3A_720] {strides = array<i32>} : memref<2x160x128xi32, #tpu.memory_space<vmem>>, vector<16xi32>,
      tpu.vector_store %arg7[%swap3A_718, %swap3A_719, %swap3A_720], %gather3A_714 {strides = array<i32>} : memref<2x160x128xi32, #tpu.memory_space<vmem>>, vector<16xi32>,
      %mul3A_722 = arith.constant 256 : i32
      %mul3A_723 = arith.muli %mul3A_722, %scan3A_459 : i32
      %add3A_724 = arith.constant 160 : i32
      %add3A_725 = arith.addi %mul3A_723, %add3A_724 : i32
      %mul3A_726 = arith.constant 4 : i32
      %mul3A_727 = vector.broadcast %mul3A_726 : i32 to vector<16xi32>
      %mul3A_728 = arith.muli %mul3A_727, %and3A_6 : vector<16xi32>
      %add3A_729 = arith.addi %mul3A_728, %add3A_23 : vector<16xi32>
      %add3A_730 = vector.broadcast %add3A_725 : i32 to vector<16xi32>
      %add3A_731 = arith.addi %add3A_730, %add3A_729 : vector<16xi32>
      %shift_right_arithmetic3A_732 = arith.constant 9 : i32
      %shift_right_arithmetic3A_733 = vector.broadcast %shift_right_arithmetic3A_732 : i32 to vector<16xi32>
      %shift_right_arithmetic3A_734 = arith.shrsi %add3A_731, %shift_right_arithmetic3A_733 : vector<16xi32>
      %and3A_735 = arith.constant 511 : i32
      %and3A_736 = vector.broadcast %and3A_735 : i32 to vector<16xi32>
      %and3A_737 = arith.andi %add3A_731, %and3A_736 : vector<16xi32>
      %gather3A_738 = tpu.vector_load_idx %arg6[%shift_right_arithmetic3A_734, %and3A_737] : memref<20x512xi32, #tpu.memory_space<vmem>>[vector<16xi32>, vector<16xi32>], vector<16xi32>,
      %add3A_739 = arith.constant 0 : i32
      %add3A_740 = arith.addi %add3A_739, %scan3A_459 : i32
      %swap3A_741 = arith.constant 1 : i32
      %swap3A_742 = arith.index_cast %swap3A_741 : i32 to index
      %swap3A_743 = arith.index_cast %add3A_740 : i32 to index
      %swap3A_744 = arith.constant 80 : index
      %swap3A_745 = tpu.vector_load %arg7[%swap3A_742, %swap3A_743, %swap3A_744] {strides = array<i32>} : memref<2x160x128xi32, #tpu.memory_space<vmem>>, vector<16xi32>,
      tpu.vector_store %arg7[%swap3A_742, %swap3A_743, %swap3A_744], %gather3A_738 {strides = array<i32>} : memref<2x160x128xi32, #tpu.memory_space<vmem>>, vector<16xi32>,
      %mul3A_746 = arith.constant 256 : i32
      %mul3A_747 = arith.muli %mul3A_746, %scan3A_459 : i32
      %add3A_748 = arith.constant 192 : i32
      %add3A_749 = arith.addi %mul3A_747, %add3A_748 : i32
      %mul3A_750 = arith.constant 4 : i32
      %mul3A_751 = vector.broadcast %mul3A_750 : i32 to vector<16xi32>
      %mul3A_752 = arith.muli %mul3A_751, %and3A_6 : vector<16xi32>
      %add3A_753 = arith.addi %mul3A_752, %add3A_14 : vector<16xi32>
      %add3A_754 = vector.broadcast %add3A_749 : i32 to vector<16xi32>
      %add3A_755 = arith.addi %add3A_754, %add3A_753 : vector<16xi32>
      %shift_right_arithmetic3A_756 = arith.constant 9 : i32
      %shift_right_arithmetic3A_757 = vector.broadcast %shift_right_arithmetic3A_756 : i32 to vector<16xi32>
      %shift_right_arithmetic3A_758 = arith.shrsi %add3A_755, %shift_right_arithmetic3A_757 : vector<16xi32>
      %and3A_759 = arith.constant 511 : i32
      %and3A_760 = vector.broadcast %and3A_759 : i32 to vector<16xi32>
      %and3A_761 = arith.andi %add3A_755, %and3A_760 : vector<16xi32>
      %gather3A_762 = tpu.vector_load_idx %arg6[%shift_right_arithmetic3A_758, %and3A_761] : memref<20x512xi32, #tpu.memory_space<vmem>>[vector<16xi32>, vector<16xi32>], vector<16xi32>,
      %add3A_763 = arith.constant 0 : i32
      %add3A_764 = arith.addi %add3A_763, %scan3A_459 : i32
      %swap3A_765 = arith.constant 0 : i32
      %swap3A_766 = arith.index_cast %swap3A_765 : i32 to index
      %swap3A_767 = arith.index_cast %add3A_764 : i32 to index
      %swap3A_768 = arith.constant 96 : index
      %swap3A_769 = tpu.vector_load %arg7[%swap3A_766, %swap3A_767, %swap3A_768] {strides = array<i32>} : memref<2x160x128xi32, #tpu.memory_space<vmem>>, vector<16xi32>,
      tpu.vector_store %arg7[%swap3A_766, %swap3A_767, %swap3A_768], %gather3A_762 {strides = array<i32>} : memref<2x160x128xi32, #tpu.memory_space<vmem>>, vector<16xi32>,
      %mul3A_770 = arith.constant 256 : i32
      %mul3A_771 = arith.muli %mul3A_770, %scan3A_459 : i32
      %add3A_772 = arith.constant 192 : i32
      %add3A_773 = arith.addi %mul3A_771, %add3A_772 : i32
      %mul3A_774 = arith.constant 4 : i32
      %mul3A_775 = vector.broadcast %mul3A_774 : i32 to vector<16xi32>
      %mul3A_776 = arith.muli %mul3A_775, %and3A_6 : vector<16xi32>
      %add3A_777 = arith.addi %mul3A_776, %add3A_23 : vector<16xi32>
      %add3A_778 = vector.broadcast %add3A_773 : i32 to vector<16xi32>
      %add3A_779 = arith.addi %add3A_778, %add3A_777 : vector<16xi32>
      %shift_right_arithmetic3A_780 = arith.constant 9 : i32
      %shift_right_arithmetic3A_781 = vector.broadcast %shift_right_arithmetic3A_780 : i32 to vector<16xi32>
      %shift_right_arithmetic3A_782 = arith.shrsi %add3A_779, %shift_right_arithmetic3A_781 : vector<16xi32>
      %and3A_783 = arith.constant 511 : i32
      %and3A_784 = vector.broadcast %and3A_783 : i32 to vector<16xi32>
      %and3A_785 = arith.andi %add3A_779, %and3A_784 : vector<16xi32>
      %gather3A_786 = tpu.vector_load_idx %arg6[%shift_right_arithmetic3A_782, %and3A_785] : memref<20x512xi32, #tpu.memory_space<vmem>>[vector<16xi32>, vector<16xi32>], vector<16xi32>,
      %add3A_787 = arith.constant 0 : i32
      %add3A_788 = arith.addi %add3A_787, %scan3A_459 : i32
      %swap3A_789 = arith.constant 1 : i32
      %swap3A_790 = arith.index_cast %swap3A_789 : i32 to index
      %swap3A_791 = arith.index_cast %add3A_788 : i32 to index
      %swap3A_792 = arith.constant 96 : index
      %swap3A_793 = tpu.vector_load %arg7[%swap3A_790, %swap3A_791, %swap3A_792] {strides = array<i32>} : memref<2x160x128xi32, #tpu.memory_space<vmem>>, vector<16xi32>,
      tpu.vector_store %arg7[%swap3A_790, %swap3A_791, %swap3A_792], %gather3A_786 {strides = array<i32>} : memref<2x160x128xi32, #tpu.memory_space<vmem>>, vector<16xi32>,
      %mul3A_794 = arith.constant 256 : i32
      %mul3A_795 = arith.muli %mul3A_794, %scan3A_459 : i32
      %add3A_796 = arith.constant 224 : i32
      %add3A_797 = arith.addi %mul3A_795, %add3A_796 : i32
      %mul3A_798 = arith.constant 4 : i32
      %mul3A_799 = vector.broadcast %mul3A_798 : i32 to vector<16xi32>
      %mul3A_800 = arith.muli %mul3A_799, %and3A_6 : vector<16xi32>
      %add3A_801 = arith.addi %mul3A_800, %add3A_14 : vector<16xi32>
      %add3A_802 = vector.broadcast %add3A_797 : i32 to vector<16xi32>
      %add3A_803 = arith.addi %add3A_802, %add3A_801 : vector<16xi32>
      %shift_right_arithmetic3A_804 = arith.constant 9 : i32
      %shift_right_arithmetic3A_805 = vector.broadcast %shift_right_arithmetic3A_804 : i32 to vector<16xi32>
      %shift_right_arithmetic3A_806 = arith.shrsi %add3A_803, %shift_right_arithmetic3A_805 : vector<16xi32>
      %and3A_807 = arith.constant 511 : i32
      %and3A_808 = vector.broadcast %and3A_807 : i32 to vector<16xi32>
      %and3A_809 = arith.andi %add3A_803, %and3A_808 : vector<16xi32>
      %gather3A_810 = tpu.vector_load_idx %arg6[%shift_right_arithmetic3A_806, %and3A_809] : memref<20x512xi32, #tpu.memory_space<vmem>>[vector<16xi32>, vector<16xi32>], vector<16xi32>,
      %add3A_811 = arith.constant 0 : i32
      %add3A_812 = arith.addi %add3A_811, %scan3A_459 : i32
      %swap3A_813 = arith.constant 0 : i32
      %swap3A_814 = arith.index_cast %swap3A_813 : i32 to index
      %swap3A_815 = arith.index_cast %add3A_812 : i32 to index
      %swap3A_816 = arith.constant 112 : index
      %swap3A_817 = tpu.vector_load %arg7[%swap3A_814, %swap3A_815, %swap3A_816] {strides = array<i32>} : memref<2x160x128xi32, #tpu.memory_space<vmem>>, vector<16xi32>,
      tpu.vector_store %arg7[%swap3A_814, %swap3A_815, %swap3A_816], %gather3A_810 {strides = array<i32>} : memref<2x160x128xi32, #tpu.memory_space<vmem>>, vector<16xi32>,
      %mul3A_818 = arith.constant 256 : i32
      %mul3A_819 = arith.muli %mul3A_818, %scan3A_459 : i32
      %add3A_820 = arith.constant 224 : i32
      %add3A_821 = arith.addi %mul3A_819, %add3A_820 : i32
      %mul3A_822 = arith.constant 4 : i32
      %mul3A_823 = vector.broadcast %mul3A_822 : i32 to vector<16xi32>
      %mul3A_824 = arith.muli %mul3A_823, %and3A_6 : vector<16xi32>
      %add3A_825 = arith.addi %mul3A_824, %add3A_23 : vector<16xi32>
      %add3A_826 = vector.broadcast %add3A_821 : i32 to vector<16xi32>
      %add3A_827 = arith.addi %add3A_826, %add3A_825 : vector<16xi32>
      %shift_right_arithmetic3A_828 = arith.constant 9 : i32
      %shift_right_arithmetic3A_829 = vector.broadcast %shift_right_arithmetic3A_828 : i32 to vector<16xi32>
      %shift_right_arithmetic3A_830 = arith.shrsi %add3A_827, %shift_right_arithmetic3A_829 : vector<16xi32>
      %and3A_831 = arith.constant 511 : i32
      %and3A_832 = vector.broadcast %and3A_831 : i32 to vector<16xi32>
      %and3A_833 = arith.andi %add3A_827, %and3A_832 : vector<16xi32>
      %gather3A_834 = tpu.vector_load_idx %arg6[%shift_right_arithmetic3A_830, %and3A_833] : memref<20x512xi32, #tpu.memory_space<vmem>>[vector<16xi32>, vector<16xi32>], vector<16xi32>,
      %add3A_835 = arith.constant 0 : i32
      %add3A_836 = arith.addi %add3A_835, %scan3A_459 : i32
      %swap3A_837 = arith.constant 1 : i32
      %swap3A_838 = arith.index_cast %swap3A_837 : i32 to index
      %swap3A_839 = arith.index_cast %add3A_836 : i32 to index
      %swap3A_840 = arith.constant 112 : index
      %swap3A_841 = tpu.vector_load %arg7[%swap3A_838, %swap3A_839, %swap3A_840] {strides = array<i32>} : memref<2x160x128xi32, #tpu.memory_space<vmem>>, vector<16xi32>,
      tpu.vector_store %arg7[%swap3A_838, %swap3A_839, %swap3A_840], %gather3A_834 {strides = array<i32>} : memref<2x160x128xi32, #tpu.memory_space<vmem>>, vector<16xi32>,
    }
    %scan3A_32 = arith.constant 40 : i32
    %mul3A_33 = arith.constant 80 : i32
    %mul3A_34 = arith.muli %mul3A_33, %add3A : i32
    %add3A_35 = arith.constant 20 : i32
    %add3A_36 = arith.addi %mul3A_34, %add3A_35 : i32
    "tpu.region"() ({
      %run_scoped3A = tpu.sem_alloc : memref<!tpu.dma_semaphore, #tpu.memory_space<semaphore_mem>>
      %dma_start3A_459 = arith.constant 0 : i32
      %dma_start3A_460 = tpu.memref_slice %arg3[%add3A_36, %dma_start3A_459] : memref<2560x512xi32, #tpu.memory_space<hbm>> -> memref<20x512xi32, #tpu.memory_space<hbm>>
      %dma_start3A_461 = arith.constant 0 : i32
      %dma_start3A_462 = tpu.memref_slice %arg3[%add3A_36, %dma_start3A_461] : memref<2560x512xi32, #tpu.memory_space<hbm>> -> memref<20x512xi32, #tpu.memory_space<hbm>>
      tpu.enqueue_dma source(%dma_start3A_462 : memref<20x512xi32, #tpu.memory_space<hbm>>) target(%arg6 : memref<20x512xi32, #tpu.memory_space<vmem>>) target_semaphore(%run_scoped3A : memref<!tpu.dma_semaphore, #tpu.memory_space<semaphore_mem>>)
      %dma_wait3A_463 = arith.constant 0 : i32
      %dma_wait3A_464 = tpu.memref_slice %arg3[%add3A_36, %dma_wait3A_463] : memref<2560x512xi32, #tpu.memory_space<hbm>> -> memref<20x512xi32, #tpu.memory_space<hbm>>
      %dma_wait3A_465 = arith.constant 0 : i32
      %dma_wait3A_466 = tpu.memref_slice %arg3[%add3A_36, %dma_wait3A_465] : memref<2560x512xi32, #tpu.memory_space<hbm>> -> memref<20x512xi32, #tpu.memory_space<hbm>>
      tpu.wait_dma2 semaphore(%run_scoped3A : memref<!tpu.dma_semaphore, #tpu.memory_space<semaphore_mem>>) src(%dma_wait3A_466 : memref<20x512xi32, #tpu.memory_space<hbm>>) dst(%arg6 : memref<20x512xi32, #tpu.memory_space<vmem>>)
      tpu.yield
    }) : () -> ()
    %scan3A_37 = arith.constant 0 : i32
    %scan3A_38 = arith.constant 0 : i32
    %scan3A_39 = arith.constant 40 : i32
    %scan3A_40 = arith.addi %scan3A_38, %scan3A_39 : i32
    %scan3A_41 = arith.constant 1 : i32
    scf.for %scan3A_459 = %scan3A_38 to %scan3A_40 step %scan3A_41  : i32 {
      %mul3A_460 = arith.constant 256 : i32
      %mul3A_461 = arith.muli %mul3A_460, %scan3A_459 : i32
      %add3A_462 = arith.constant 0 : i32
      %add3A_463 = arith.addi %mul3A_461, %add3A_462 : i32
      %mul3A_464 = arith.constant 4 : i32
      %mul3A_465 = vector.broadcast %mul3A_464 : i32 to vector<16xi32>
      %mul3A_466 = arith.muli %mul3A_465, %and3A_6 : vector<16xi32>
      %add3A_467 = arith.addi %mul3A_466, %add3A_14 : vector<16xi32>
      %add3A_468 = vector.broadcast %add3A_463 : i32 to vector<16xi32>
      %add3A_469 = arith.addi %add3A_468, %add3A_467 : vector<16xi32>
      %shift_right_arithmetic3A_470 = arith.constant 9 : i32
      %shift_right_arithmetic3A_471 = vector.broadcast %shift_right_arithmetic3A_470 : i32 to vector<16xi32>
      %shift_right_arithmetic3A_472 = arith.shrsi %add3A_469, %shift_right_arithmetic3A_471 : vector<16xi32>
      %and3A_473 = arith.constant 511 : i32
      %and3A_474 = vector.broadcast %and3A_473 : i32 to vector<16xi32>
      %and3A_475 = arith.andi %add3A_469, %and3A_474 : vector<16xi32>
      %gather3A = tpu.vector_load_idx %arg6[%shift_right_arithmetic3A_472, %and3A_475] : memref<20x512xi32, #tpu.memory_space<vmem>>[vector<16xi32>, vector<16xi32>], vector<16xi32>,
      %add3A_476 = arith.constant 40 : i32
      %add3A_477 = arith.addi %add3A_476, %scan3A_459 : i32
      %swap3A = arith.constant 0 : i32
      %swap3A_478 = arith.index_cast %swap3A : i32 to index
      %swap3A_479 = arith.index_cast %add3A_477 : i32 to index
      %swap3A_480 = arith.constant 0 : index
      %swap3A_481 = tpu.vector_load %arg7[%swap3A_478, %swap3A_479, %swap3A_480] {strides = array<i32>} : memref<2x160x128xi32, #tpu.memory_space<vmem>>, vector<16xi32>,
      tpu.vector_store %arg7[%swap3A_478, %swap3A_479, %swap3A_480], %gather3A {strides = array<i32>} : memref<2x160x128xi32, #tpu.memory_space<vmem>>, vector<16xi32>,
      %mul3A_482 = arith.constant 256 : i32
      %mul3A_483 = arith.muli %mul3A_482, %scan3A_459 : i32
      %add3A_484 = arith.constant 0 : i32
      %add3A_485 = arith.addi %mul3A_483, %add3A_484 : i32
      %mul3A_486 = arith.constant 4 : i32
      %mul3A_487 = vector.broadcast %mul3A_486 : i32 to vector<16xi32>
      %mul3A_488 = arith.muli %mul3A_487, %and3A_6 : vector<16xi32>
      %add3A_489 = arith.addi %mul3A_488, %add3A_23 : vector<16xi32>
      %add3A_490 = vector.broadcast %add3A_485 : i32 to vector<16xi32>
      %add3A_491 = arith.addi %add3A_490, %add3A_489 : vector<16xi32>
      %shift_right_arithmetic3A_492 = arith.constant 9 : i32
      %shift_right_arithmetic3A_493 = vector.broadcast %shift_right_arithmetic3A_492 : i32 to vector<16xi32>
      %shift_right_arithmetic3A_494 = arith.shrsi %add3A_491, %shift_right_arithmetic3A_493 : vector<16xi32>
      %and3A_495 = arith.constant 511 : i32
      %and3A_496 = vector.broadcast %and3A_495 : i32 to vector<16xi32>
      %and3A_497 = arith.andi %add3A_491, %and3A_496 : vector<16xi32>
      %gather3A_498 = tpu.vector_load_idx %arg6[%shift_right_arithmetic3A_494, %and3A_497] : memref<20x512xi32, #tpu.memory_space<vmem>>[vector<16xi32>, vector<16xi32>], vector<16xi32>,
      %add3A_499 = arith.constant 40 : i32
      %add3A_500 = arith.addi %add3A_499, %scan3A_459 : i32
      %swap3A_501 = arith.constant 1 : i32
      %swap3A_502 = arith.index_cast %swap3A_501 : i32 to index
      %swap3A_503 = arith.index_cast %add3A_500 : i32 to index
      %swap3A_504 = arith.constant 0 : index
      %swap3A_505 = tpu.vector_load %arg7[%swap3A_502, %swap3A_503, %swap3A_504] {strides = array<i32>} : memref<2x160x128xi32, #tpu.memory_space<vmem>>, vector<16xi32>,
      tpu.vector_store %arg7[%swap3A_502, %swap3A_503, %swap3A_504], %gather3A_498 {strides = array<i32>} : memref<2x160x128xi32, #tpu.memory_space<vmem>>, vector<16xi32>,
      %mul3A_506 = arith.constant 256 : i32
      %mul3A_507 = arith.muli %mul3A_506, %scan3A_459 : i32
      %add3A_508 = arith.constant 32 : i32
      %add3A_509 = arith.addi %mul3A_507, %add3A_508 : i32
      %mul3A_510 = arith.constant 4 : i32
      %mul3A_511 = vector.broadcast %mul3A_510 : i32 to vector<16xi32>
      %mul3A_512 = arith.muli %mul3A_511, %and3A_6 : vector<16xi32>
      %add3A_513 = arith.addi %mul3A_512, %add3A_14 : vector<16xi32>
      %add3A_514 = vector.broadcast %add3A_509 : i32 to vector<16xi32>
      %add3A_515 = arith.addi %add3A_514, %add3A_513 : vector<16xi32>
      %shift_right_arithmetic3A_516 = arith.constant 9 : i32
      %shift_right_arithmetic3A_517 = vector.broadcast %shift_right_arithmetic3A_516 : i32 to vector<16xi32>
      %shift_right_arithmetic3A_518 = arith.shrsi %add3A_515, %shift_right_arithmetic3A_517 : vector<16xi32>
      %and3A_519 = arith.constant 511 : i32
      %and3A_520 = vector.broadcast %and3A_519 : i32 to vector<16xi32>
      %and3A_521 = arith.andi %add3A_515, %and3A_520 : vector<16xi32>
      %gather3A_522 = tpu.vector_load_idx %arg6[%shift_right_arithmetic3A_518, %and3A_521] : memref<20x512xi32, #tpu.memory_space<vmem>>[vector<16xi32>, vector<16xi32>], vector<16xi32>,
      %add3A_523 = arith.constant 40 : i32
      %add3A_524 = arith.addi %add3A_523, %scan3A_459 : i32
      %swap3A_525 = arith.constant 0 : i32
      %swap3A_526 = arith.index_cast %swap3A_525 : i32 to index
      %swap3A_527 = arith.index_cast %add3A_524 : i32 to index
      %swap3A_528 = arith.constant 16 : index
      %swap3A_529 = tpu.vector_load %arg7[%swap3A_526, %swap3A_527, %swap3A_528] {strides = array<i32>} : memref<2x160x128xi32, #tpu.memory_space<vmem>>, vector<16xi32>,
      tpu.vector_store %arg7[%swap3A_526, %swap3A_527, %swap3A_528], %gather3A_522 {strides = array<i32>} : memref<2x160x128xi32, #tpu.memory_space<vmem>>, vector<16xi32>,
      %mul3A_530 = arith.constant 256 : i32
      %mul3A_531 = arith.muli %mul3A_530, %scan3A_459 : i32
      %add3A_532 = arith.constant 32 : i32
      %add3A_533 = arith.addi %mul3A_531, %add3A_532 : i32
      %mul3A_534 = arith.constant 4 : i32
      %mul3A_535 = vector.broadcast %mul3A_534 : i32 to vector<16xi32>
      %mul3A_536 = arith.muli %mul3A_535, %and3A_6 : vector<16xi32>
      %add3A_537 = arith.addi %mul3A_536, %add3A_23 : vector<16xi32>
      %add3A_538 = vector.broadcast %add3A_533 : i32 to vector<16xi32>
      %add3A_539 = arith.addi %add3A_538, %add3A_537 : vector<16xi32>
      %shift_right_arithmetic3A_540 = arith.constant 9 : i32
      %shift_right_arithmetic3A_541 = vector.broadcast %shift_right_arithmetic3A_540 : i32 to vector<16xi32>
      %shift_right_arithmetic3A_542 = arith.shrsi %add3A_539, %shift_right_arithmetic3A_541 : vector<16xi32>
      %and3A_543 = arith.constant 511 : i32
      %and3A_544 = vector.broadcast %and3A_543 : i32 to vector<16xi32>
      %and3A_545 = arith.andi %add3A_539, %and3A_544 : vector<16xi32>
      %gather3A_546 = tpu.vector_load_idx %arg6[%shift_right_arithmetic3A_542, %and3A_545] : memref<20x512xi32, #tpu.memory_space<vmem>>[vector<16xi32>, vector<16xi32>], vector<16xi32>,
      %add3A_547 = arith.constant 40 : i32
      %add3A_548 = arith.addi %add3A_547, %scan3A_459 : i32
      %swap3A_549 = arith.constant 1 : i32
      %swap3A_550 = arith.index_cast %swap3A_549 : i32 to index
      %swap3A_551 = arith.index_cast %add3A_548 : i32 to index
      %swap3A_552 = arith.constant 16 : index
      %swap3A_553 = tpu.vector_load %arg7[%swap3A_550, %swap3A_551, %swap3A_552] {strides = array<i32>} : memref<2x160x128xi32, #tpu.memory_space<vmem>>, vector<16xi32>,
      tpu.vector_store %arg7[%swap3A_550, %swap3A_551, %swap3A_552], %gather3A_546 {strides = array<i32>} : memref<2x160x128xi32, #tpu.memory_space<vmem>>, vector<16xi32>,
      %mul3A_554 = arith.constant 256 : i32
      %mul3A_555 = arith.muli %mul3A_554, %scan3A_459 : i32
      %add3A_556 = arith.constant 64 : i32
      %add3A_557 = arith.addi %mul3A_555, %add3A_556 : i32
      %mul3A_558 = arith.constant 4 : i32
      %mul3A_559 = vector.broadcast %mul3A_558 : i32 to vector<16xi32>
      %mul3A_560 = arith.muli %mul3A_559, %and3A_6 : vector<16xi32>
      %add3A_561 = arith.addi %mul3A_560, %add3A_14 : vector<16xi32>
      %add3A_562 = vector.broadcast %add3A_557 : i32 to vector<16xi32>
      %add3A_563 = arith.addi %add3A_562, %add3A_561 : vector<16xi32>
      %shift_right_arithmetic3A_564 = arith.constant 9 : i32
      %shift_right_arithmetic3A_565 = vector.broadcast %shift_right_arithmetic3A_564 : i32 to vector<16xi32>
      %shift_right_arithmetic3A_566 = arith.shrsi %add3A_563, %shift_right_arithmetic3A_565 : vector<16xi32>
      %and3A_567 = arith.constant 511 : i32
      %and3A_568 = vector.broadcast %and3A_567 : i32 to vector<16xi32>
      %and3A_569 = arith.andi %add3A_563, %and3A_568 : vector<16xi32>
      %gather3A_570 = tpu.vector_load_idx %arg6[%shift_right_arithmetic3A_566, %and3A_569] : memref<20x512xi32, #tpu.memory_space<vmem>>[vector<16xi32>, vector<16xi32>], vector<16xi32>,
      %add3A_571 = arith.constant 40 : i32
      %add3A_572 = arith.addi %add3A_571, %scan3A_459 : i32
      %swap3A_573 = arith.constant 0 : i32
      %swap3A_574 = arith.index_cast %swap3A_573 : i32 to index
      %swap3A_575 = arith.index_cast %add3A_572 : i32 to index
      %swap3A_576 = arith.constant 32 : index
      %swap3A_577 = tpu.vector_load %arg7[%swap3A_574, %swap3A_575, %swap3A_576] {strides = array<i32>} : memref<2x160x128xi32, #tpu.memory_space<vmem>>, vector<16xi32>,
      tpu.vector_store %arg7[%swap3A_574, %swap3A_575, %swap3A_576], %gather3A_570 {strides = array<i32>} : memref<2x160x128xi32, #tpu.memory_space<vmem>>, vector<16xi32>,
      %mul3A_578 = arith.constant 256 : i32
      %mul3A_579 = arith.muli %mul3A_578, %scan3A_459 : i32
      %add3A_580 = arith.constant 64 : i32
      %add3A_581 = arith.addi %mul3A_579, %add3A_580 : i32
      %mul3A_582 = arith.constant 4 : i32
      %mul3A_583 = vector.broadcast %mul3A_582 : i32 to vector<16xi32>
      %mul3A_584 = arith.muli %mul3A_583, %and3A_6 : vector<16xi32>
      %add3A_585 = arith.addi %mul3A_584, %add3A_23 : vector<16xi32>
      %add3A_586 = vector.broadcast %add3A_581 : i32 to vector<16xi32>
      %add3A_587 = arith.addi %add3A_586, %add3A_585 : vector<16xi32>
      %shift_right_arithmetic3A_588 = arith.constant 9 : i32
      %shift_right_arithmetic3A_589 = vector.broadcast %shift_right_arithmetic3A_588 : i32 to vector<16xi32>
      %shift_right_arithmetic3A_590 = arith.shrsi %add3A_587, %shift_right_arithmetic3A_589 : vector<16xi32>
      %and3A_591 = arith.constant 511 : i32
      %and3A_592 = vector.broadcast %and3A_591 : i32 to vector<16xi32>
      %and3A_593 = arith.andi %add3A_587, %and3A_592 : vector<16xi32>
      %gather3A_594 = tpu.vector_load_idx %arg6[%shift_right_arithmetic3A_590, %and3A_593] : memref<20x512xi32, #tpu.memory_space<vmem>>[vector<16xi32>, vector<16xi32>], vector<16xi32>,
      %add3A_595 = arith.constant 40 : i32
      %add3A_596 = arith.addi %add3A_595, %scan3A_459 : i32
      %swap3A_597 = arith.constant 1 : i32
      %swap3A_598 = arith.index_cast %swap3A_597 : i32 to index
      %swap3A_599 = arith.index_cast %add3A_596 : i32 to index
      %swap3A_600 = arith.constant 32 : index
      %swap3A_601 = tpu.vector_load %arg7[%swap3A_598, %swap3A_599, %swap3A_600] {strides = array<i32>} : memref<2x160x128xi32, #tpu.memory_space<vmem>>, vector<16xi32>,
      tpu.vector_store %arg7[%swap3A_598, %swap3A_599, %swap3A_600], %gather3A_594 {strides = array<i32>} : memref<2x160x128xi32, #tpu.memory_space<vmem>>, vector<16xi32>,
      %mul3A_602 = arith.constant 256 : i32
      %mul3A_603 = arith.muli %mul3A_602, %scan3A_459 : i32
      %add3A_604 = arith.constant 96 : i32
      %add3A_605 = arith.addi %mul3A_603, %add3A_604 : i32
      %mul3A_606 = arith.constant 4 : i32
      %mul3A_607 = vector.broadcast %mul3A_606 : i32 to vector<16xi32>
      %mul3A_608 = arith.muli %mul3A_607, %and3A_6 : vector<16xi32>
      %add3A_609 = arith.addi %mul3A_608, %add3A_14 : vector<16xi32>
      %add3A_610 = vector.broadcast %add3A_605 : i32 to vector<16xi32>
      %add3A_611 = arith.addi %add3A_610, %add3A_609 : vector<16xi32>
      %shift_right_arithmetic3A_612 = arith.constant 9 : i32
      %shift_right_arithmetic3A_613 = vector.broadcast %shift_right_arithmetic3A_612 : i32 to vector<16xi32>
      %shift_right_arithmetic3A_614 = arith.shrsi %add3A_611, %shift_right_arithmetic3A_613 : vector<16xi32>
      %and3A_615 = arith.constant 511 : i32
      %and3A_616 = vector.broadcast %and3A_615 : i32 to vector<16xi32>
      %and3A_617 = arith.andi %add3A_611, %and3A_616 : vector<16xi32>
      %gather3A_618 = tpu.vector_load_idx %arg6[%shift_right_arithmetic3A_614, %and3A_617] : memref<20x512xi32, #tpu.memory_space<vmem>>[vector<16xi32>, vector<16xi32>], vector<16xi32>,
      %add3A_619 = arith.constant 40 : i32
      %add3A_620 = arith.addi %add3A_619, %scan3A_459 : i32
      %swap3A_621 = arith.constant 0 : i32
      %swap3A_622 = arith.index_cast %swap3A_621 : i32 to index
      %swap3A_623 = arith.index_cast %add3A_620 : i32 to index
      %swap3A_624 = arith.constant 48 : index
      %swap3A_625 = tpu.vector_load %arg7[%swap3A_622, %swap3A_623, %swap3A_624] {strides = array<i32>} : memref<2x160x128xi32, #tpu.memory_space<vmem>>, vector<16xi32>,
      tpu.vector_store %arg7[%swap3A_622, %swap3A_623, %swap3A_624], %gather3A_618 {strides = array<i32>} : memref<2x160x128xi32, #tpu.memory_space<vmem>>, vector<16xi32>,
      %mul3A_626 = arith.constant 256 : i32
      %mul3A_627 = arith.muli %mul3A_626, %scan3A_459 : i32
      %add3A_628 = arith.constant 96 : i32
      %add3A_629 = arith.addi %mul3A_627, %add3A_628 : i32
      %mul3A_630 = arith.constant 4 : i32
      %mul3A_631 = vector.broadcast %mul3A_630 : i32 to vector<16xi32>
      %mul3A_632 = arith.muli %mul3A_631, %and3A_6 : vector<16xi32>
      %add3A_633 = arith.addi %mul3A_632, %add3A_23 : vector<16xi32>
      %add3A_634 = vector.broadcast %add3A_629 : i32 to vector<16xi32>
      %add3A_635 = arith.addi %add3A_634, %add3A_633 : vector<16xi32>
      %shift_right_arithmetic3A_636 = arith.constant 9 : i32
      %shift_right_arithmetic3A_637 = vector.broadcast %shift_right_arithmetic3A_636 : i32 to vector<16xi32>
      %shift_right_arithmetic3A_638 = arith.shrsi %add3A_635, %shift_right_arithmetic3A_637 : vector<16xi32>
      %and3A_639 = arith.constant 511 : i32
      %and3A_640 = vector.broadcast %and3A_639 : i32 to vector<16xi32>
      %and3A_641 = arith.andi %add3A_635, %and3A_640 : vector<16xi32>
      %gather3A_642 = tpu.vector_load_idx %arg6[%shift_right_arithmetic3A_638, %and3A_641] : memref<20x512xi32, #tpu.memory_space<vmem>>[vector<16xi32>, vector<16xi32>], vector<16xi32>,
      %add3A_643 = arith.constant 40 : i32
      %add3A_644 = arith.addi %add3A_643, %scan3A_459 : i32
      %swap3A_645 = arith.constant 1 : i32
      %swap3A_646 = arith.index_cast %swap3A_645 : i32 to index
      %swap3A_647 = arith.index_cast %add3A_644 : i32 to index
      %swap3A_648 = arith.constant 48 : index
      %swap3A_649 = tpu.vector_load %arg7[%swap3A_646, %swap3A_647, %swap3A_648] {strides = array<i32>} : memref<2x160x128xi32, #tpu.memory_space<vmem>>, vector<16xi32>,
      tpu.vector_store %arg7[%swap3A_646, %swap3A_647, %swap3A_648], %gather3A_642 {strides = array<i32>} : memref<2x160x128xi32, #tpu.memory_space<vmem>>, vector<16xi32>,
      %mul3A_650 = arith.constant 256 : i32
      %mul3A_651 = arith.muli %mul3A_650, %scan3A_459 : i32
      %add3A_652 = arith.constant 128 : i32
      %add3A_653 = arith.addi %mul3A_651, %add3A_652 : i32
      %mul3A_654 = arith.constant 4 : i32
      %mul3A_655 = vector.broadcast %mul3A_654 : i32 to vector<16xi32>
      %mul3A_656 = arith.muli %mul3A_655, %and3A_6 : vector<16xi32>
      %add3A_657 = arith.addi %mul3A_656, %add3A_14 : vector<16xi32>
      %add3A_658 = vector.broadcast %add3A_653 : i32 to vector<16xi32>
      %add3A_659 = arith.addi %add3A_658, %add3A_657 : vector<16xi32>
      %shift_right_arithmetic3A_660 = arith.constant 9 : i32
      %shift_right_arithmetic3A_661 = vector.broadcast %shift_right_arithmetic3A_660 : i32 to vector<16xi32>
      %shift_right_arithmetic3A_662 = arith.shrsi %add3A_659, %shift_right_arithmetic3A_661 : vector<16xi32>
      %and3A_663 = arith.constant 511 : i32
      %and3A_664 = vector.broadcast %and3A_663 : i32 to vector<16xi32>
      %and3A_665 = arith.andi %add3A_659, %and3A_664 : vector<16xi32>
      %gather3A_666 = tpu.vector_load_idx %arg6[%shift_right_arithmetic3A_662, %and3A_665] : memref<20x512xi32, #tpu.memory_space<vmem>>[vector<16xi32>, vector<16xi32>], vector<16xi32>,
      %add3A_667 = arith.constant 40 : i32
      %add3A_668 = arith.addi %add3A_667, %scan3A_459 : i32
      %swap3A_669 = arith.constant 0 : i32
      %swap3A_670 = arith.index_cast %swap3A_669 : i32 to index
      %swap3A_671 = arith.index_cast %add3A_668 : i32 to index
      %swap3A_672 = arith.constant 64 : index
      %swap3A_673 = tpu.vector_load %arg7[%swap3A_670, %swap3A_671, %swap3A_672] {strides = array<i32>} : memref<2x160x128xi32, #tpu.memory_space<vmem>>, vector<16xi32>,
      tpu.vector_store %arg7[%swap3A_670, %swap3A_671, %swap3A_672], %gather3A_666 {strides = array<i32>} : memref<2x160x128xi32, #tpu.memory_space<vmem>>, vector<16xi32>,
      %mul3A_674 = arith.constant 256 : i32
      %mul3A_675 = arith.muli %mul3A_674, %scan3A_459 : i32
      %add3A_676 = arith.constant 128 : i32
      %add3A_677 = arith.addi %mul3A_675, %add3A_676 : i32
      %mul3A_678 = arith.constant 4 : i32
      %mul3A_679 = vector.broadcast %mul3A_678 : i32 to vector<16xi32>
      %mul3A_680 = arith.muli %mul3A_679, %and3A_6 : vector<16xi32>
      %add3A_681 = arith.addi %mul3A_680, %add3A_23 : vector<16xi32>
      %add3A_682 = vector.broadcast %add3A_677 : i32 to vector<16xi32>
      %add3A_683 = arith.addi %add3A_682, %add3A_681 : vector<16xi32>
      %shift_right_arithmetic3A_684 = arith.constant 9 : i32
      %shift_right_arithmetic3A_685 = vector.broadcast %shift_right_arithmetic3A_684 : i32 to vector<16xi32>
      %shift_right_arithmetic3A_686 = arith.shrsi %add3A_683, %shift_right_arithmetic3A_685 : vector<16xi32>
      %and3A_687 = arith.constant 511 : i32
      %and3A_688 = vector.broadcast %and3A_687 : i32 to vector<16xi32>
      %and3A_689 = arith.andi %add3A_683, %and3A_688 : vector<16xi32>
      %gather3A_690 = tpu.vector_load_idx %arg6[%shift_right_arithmetic3A_686, %and3A_689] : memref<20x512xi32, #tpu.memory_space<vmem>>[vector<16xi32>, vector<16xi32>], vector<16xi32>,
      %add3A_691 = arith.constant 40 : i32
      %add3A_692 = arith.addi %add3A_691, %scan3A_459 : i32
      %swap3A_693 = arith.constant 1 : i32
      %swap3A_694 = arith.index_cast %swap3A_693 : i32 to index
      %swap3A_695 = arith.index_cast %add3A_692 : i32 to index
      %swap3A_696 = arith.constant 64 : index
      %swap3A_697 = tpu.vector_load %arg7[%swap3A_694, %swap3A_695, %swap3A_696] {strides = array<i32>} : memref<2x160x128xi32, #tpu.memory_space<vmem>>, vector<16xi32>,
      tpu.vector_store %arg7[%swap3A_694, %swap3A_695, %swap3A_696], %gather3A_690 {strides = array<i32>} : memref<2x160x128xi32, #tpu.memory_space<vmem>>, vector<16xi32>,
      %mul3A_698 = arith.constant 256 : i32
      %mul3A_699 = arith.muli %mul3A_698, %scan3A_459 : i32
      %add3A_700 = arith.constant 160 : i32
      %add3A_701 = arith.addi %mul3A_699, %add3A_700 : i32
      %mul3A_702 = arith.constant 4 : i32
      %mul3A_703 = vector.broadcast %mul3A_702 : i32 to vector<16xi32>
      %mul3A_704 = arith.muli %mul3A_703, %and3A_6 : vector<16xi32>
      %add3A_705 = arith.addi %mul3A_704, %add3A_14 : vector<16xi32>
      %add3A_706 = vector.broadcast %add3A_701 : i32 to vector<16xi32>
      %add3A_707 = arith.addi %add3A_706, %add3A_705 : vector<16xi32>
      %shift_right_arithmetic3A_708 = arith.constant 9 : i32
      %shift_right_arithmetic3A_709 = vector.broadcast %shift_right_arithmetic3A_708 : i32 to vector<16xi32>
      %shift_right_arithmetic3A_710 = arith.shrsi %add3A_707, %shift_right_arithmetic3A_709 : vector<16xi32>
      %and3A_711 = arith.constant 511 : i32
      %and3A_712 = vector.broadcast %and3A_711 : i32 to vector<16xi32>
      %and3A_713 = arith.andi %add3A_707, %and3A_712 : vector<16xi32>
      %gather3A_714 = tpu.vector_load_idx %arg6[%shift_right_arithmetic3A_710, %and3A_713] : memref<20x512xi32, #tpu.memory_space<vmem>>[vector<16xi32>, vector<16xi32>], vector<16xi32>,
      %add3A_715 = arith.constant 40 : i32
      %add3A_716 = arith.addi %add3A_715, %scan3A_459 : i32
      %swap3A_717 = arith.constant 0 : i32
      %swap3A_718 = arith.index_cast %swap3A_717 : i32 to index
      %swap3A_719 = arith.index_cast %add3A_716 : i32 to index
      %swap3A_720 = arith.constant 80 : index
      %swap3A_721 = tpu.vector_load %arg7[%swap3A_718, %swap3A_719, %swap3A_720] {strides = array<i32>} : memref<2x160x128xi32, #tpu.memory_space<vmem>>, vector<16xi32>,
      tpu.vector_store %arg7[%swap3A_718, %swap3A_719, %swap3A_720], %gather3A_714 {strides = array<i32>} : memref<2x160x128xi32, #tpu.memory_space<vmem>>, vector<16xi32>,
      %mul3A_722 = arith.constant 256 : i32
      %mul3A_723 = arith.muli %mul3A_722, %scan3A_459 : i32
      %add3A_724 = arith.constant 160 : i32
      %add3A_725 = arith.addi %mul3A_723, %add3A_724 : i32
      %mul3A_726 = arith.constant 4 : i32
      %mul3A_727 = vector.broadcast %mul3A_726 : i32 to vector<16xi32>
      %mul3A_728 = arith.muli %mul3A_727, %and3A_6 : vector<16xi32>
      %add3A_729 = arith.addi %mul3A_728, %add3A_23 : vector<16xi32>
      %add3A_730 = vector.broadcast %add3A_725 : i32 to vector<16xi32>
      %add3A_731 = arith.addi %add3A_730, %add3A_729 : vector<16xi32>
      %shift_right_arithmetic3A_732 = arith.constant 9 : i32
      %shift_right_arithmetic3A_733 = vector.broadcast %shift_right_arithmetic3A_732 : i32 to vector<16xi32>
      %shift_right_arithmetic3A_734 = arith.shrsi %add3A_731, %shift_right_arithmetic3A_733 : vector<16xi32>
      %and3A_735 = arith.constant 511 : i32
      %and3A_736 = vector.broadcast %and3A_735 : i32 to vector<16xi32>
      %and3A_737 = arith.andi %add3A_731, %and3A_736 : vector<16xi32>
      %gather3A_738 = tpu.vector_load_idx %arg6[%shift_right_arithmetic3A_734, %and3A_737] : memref<20x512xi32, #tpu.memory_space<vmem>>[vector<16xi32>, vector<16xi32>], vector<16xi32>,
      %add3A_739 = arith.constant 40 : i32
      %add3A_740 = arith.addi %add3A_739, %scan3A_459 : i32
      %swap3A_741 = arith.constant 1 : i32
      %swap3A_742 = arith.index_cast %swap3A_741 : i32 to index
      %swap3A_743 = arith.index_cast %add3A_740 : i32 to index
      %swap3A_744 = arith.constant 80 : index
      %swap3A_745 = tpu.vector_load %arg7[%swap3A_742, %swap3A_743, %swap3A_744] {strides = array<i32>} : memref<2x160x128xi32, #tpu.memory_space<vmem>>, vector<16xi32>,
      tpu.vector_store %arg7[%swap3A_742, %swap3A_743, %swap3A_744], %gather3A_738 {strides = array<i32>} : memref<2x160x128xi32, #tpu.memory_space<vmem>>, vector<16xi32>,
      %mul3A_746 = arith.constant 256 : i32
      %mul3A_747 = arith.muli %mul3A_746, %scan3A_459 : i32
      %add3A_748 = arith.constant 192 : i32
      %add3A_749 = arith.addi %mul3A_747, %add3A_748 : i32
      %mul3A_750 = arith.constant 4 : i32
      %mul3A_751 = vector.broadcast %mul3A_750 : i32 to vector<16xi32>
      %mul3A_752 = arith.muli %mul3A_751, %and3A_6 : vector<16xi32>
      %add3A_753 = arith.addi %mul3A_752, %add3A_14 : vector<16xi32>
      %add3A_754 = vector.broadcast %add3A_749 : i32 to vector<16xi32>
      %add3A_755 = arith.addi %add3A_754, %add3A_753 : vector<16xi32>
      %shift_right_arithmetic3A_756 = arith.constant 9 : i32
      %shift_right_arithmetic3A_757 = vector.broadcast %shift_right_arithmetic3A_756 : i32 to vector<16xi32>
      %shift_right_arithmetic3A_758 = arith.shrsi %add3A_755, %shift_right_arithmetic3A_757 : vector<16xi32>
      %and3A_759 = arith.constant 511 : i32
      %and3A_760 = vector.broadcast %and3A_759 : i32 to vector<16xi32>
      %and3A_761 = arith.andi %add3A_755, %and3A_760 : vector<16xi32>
      %gather3A_762 = tpu.vector_load_idx %arg6[%shift_right_arithmetic3A_758, %and3A_761] : memref<20x512xi32, #tpu.memory_space<vmem>>[vector<16xi32>, vector<16xi32>], vector<16xi32>,
      %add3A_763 = arith.constant 40 : i32
      %add3A_764 = arith.addi %add3A_763, %scan3A_459 : i32
      %swap3A_765 = arith.constant 0 : i32
      %swap3A_766 = arith.index_cast %swap3A_765 : i32 to index
      %swap3A_767 = arith.index_cast %add3A_764 : i32 to index
      %swap3A_768 = arith.constant 96 : index
      %swap3A_769 = tpu.vector_load %arg7[%swap3A_766, %swap3A_767, %swap3A_768] {strides = array<i32>} : memref<2x160x128xi32, #tpu.memory_space<vmem>>, vector<16xi32>,
      tpu.vector_store %arg7[%swap3A_766, %swap3A_767, %swap3A_768], %gather3A_762 {strides = array<i32>} : memref<2x160x128xi32, #tpu.memory_space<vmem>>, vector<16xi32>,
      %mul3A_770 = arith.constant 256 : i32
      %mul3A_771 = arith.muli %mul3A_770, %scan3A_459 : i32
      %add3A_772 = arith.constant 192 : i32
      %add3A_773 = arith.addi %mul3A_771, %add3A_772 : i32
      %mul3A_774 = arith.constant 4 : i32
      %mul3A_775 = vector.broadcast %mul3A_774 : i32 to vector<16xi32>
      %mul3A_776 = arith.muli %mul3A_775, %and3A_6 : vector<16xi32>
      %add3A_777 = arith.addi %mul3A_776, %add3A_23 : vector<16xi32>
      %add3A_778 = vector.broadcast %add3A_773 : i32 to vector<16xi32>
      %add3A_779 = arith.addi %add3A_778, %add3A_777 : vector<16xi32>
      %shift_right_arithmetic3A_780 = arith.constant 9 : i32
      %shift_right_arithmetic3A_781 = vector.broadcast %shift_right_arithmetic3A_780 : i32 to vector<16xi32>
      %shift_right_arithmetic3A_782 = arith.shrsi %add3A_779, %shift_right_arithmetic3A_781 : vector<16xi32>
      %and3A_783 = arith.constant 511 : i32
      %and3A_784 = vector.broadcast %and3A_783 : i32 to vector<16xi32>
      %and3A_785 = arith.andi %add3A_779, %and3A_784 : vector<16xi32>
      %gather3A_786 = tpu.vector_load_idx %arg6[%shift_right_arithmetic3A_782, %and3A_785] : memref<20x512xi32, #tpu.memory_space<vmem>>[vector<16xi32>, vector<16xi32>], vector<16xi32>,
      %add3A_787 = arith.constant 40 : i32
      %add3A_788 = arith.addi %add3A_787, %scan3A_459 : i32
      %swap3A_789 = arith.constant 1 : i32
      %swap3A_790 = arith.index_cast %swap3A_789 : i32 to index
      %swap3A_791 = arith.index_cast %add3A_788 : i32 to index
      %swap3A_792 = arith.constant 96 : index
      %swap3A_793 = tpu.vector_load %arg7[%swap3A_790, %swap3A_791, %swap3A_792] {strides = array<i32>} : memref<2x160x128xi32, #tpu.memory_space<vmem>>, vector<16xi32>,
      tpu.vector_store %arg7[%swap3A_790, %swap3A_791, %swap3A_792], %gather3A_786 {strides = array<i32>} : memref<2x160x128xi32, #tpu.memory_space<vmem>>, vector<16xi32>,
      %mul3A_794 = arith.constant 256 : i32
      %mul3A_795 = arith.muli %mul3A_794, %scan3A_459 : i32
      %add3A_796 = arith.constant 224 : i32
      %add3A_797 = arith.addi %mul3A_795, %add3A_796 : i32
      %mul3A_798 = arith.constant 4 : i32
      %mul3A_799 = vector.broadcast %mul3A_798 : i32 to vector<16xi32>
      %mul3A_800 = arith.muli %mul3A_799, %and3A_6 : vector<16xi32>
      %add3A_801 = arith.addi %mul3A_800, %add3A_14 : vector<16xi32>
      %add3A_802 = vector.broadcast %add3A_797 : i32 to vector<16xi32>
      %add3A_803 = arith.addi %add3A_802, %add3A_801 : vector<16xi32>
      %shift_right_arithmetic3A_804 = arith.constant 9 : i32
      %shift_right_arithmetic3A_805 = vector.broadcast %shift_right_arithmetic3A_804 : i32 to vector<16xi32>
      %shift_right_arithmetic3A_806 = arith.shrsi %add3A_803, %shift_right_arithmetic3A_805 : vector<16xi32>
      %and3A_807 = arith.constant 511 : i32
      %and3A_808 = vector.broadcast %and3A_807 : i32 to vector<16xi32>
      %and3A_809 = arith.andi %add3A_803, %and3A_808 : vector<16xi32>
      %gather3A_810 = tpu.vector_load_idx %arg6[%shift_right_arithmetic3A_806, %and3A_809] : memref<20x512xi32, #tpu.memory_space<vmem>>[vector<16xi32>, vector<16xi32>], vector<16xi32>,
      %add3A_811 = arith.constant 40 : i32
      %add3A_812 = arith.addi %add3A_811, %scan3A_459 : i32
      %swap3A_813 = arith.constant 0 : i32
      %swap3A_814 = arith.index_cast %swap3A_813 : i32 to index
      %swap3A_815 = arith.index_cast %add3A_812 : i32 to index
      %swap3A_816 = arith.constant 112 : index
      %swap3A_817 = tpu.vector_load %arg7[%swap3A_814, %swap3A_815, %swap3A_816] {strides = array<i32>} : memref<2x160x128xi32, #tpu.memory_space<vmem>>, vector<16xi32>,
      tpu.vector_store %arg7[%swap3A_814, %swap3A_815, %swap3A_816], %gather3A_810 {strides = array<i32>} : memref<2x160x128xi32, #tpu.memory_space<vmem>>, vector<16xi32>,
      %mul3A_818 = arith.constant 256 : i32
      %mul3A_819 = arith.muli %mul3A_818, %scan3A_459 : i32
      %add3A_820 = arith.constant 224 : i32
      %add3A_821 = arith.addi %mul3A_819, %add3A_820 : i32
      %mul3A_822 = arith.constant 4 : i32
      %mul3A_823 = vector.broadcast %mul3A_822 : i32 to vector<16xi32>
      %mul3A_824 = arith.muli %mul3A_823, %and3A_6 : vector<16xi32>
      %add3A_825 = arith.addi %mul3A_824, %add3A_23 : vector<16xi32>
      %add3A_826 = vector.broadcast %add3A_821 : i32 to vector<16xi32>
      %add3A_827 = arith.addi %add3A_826, %add3A_825 : vector<16xi32>
      %shift_right_arithmetic3A_828 = arith.constant 9 : i32
      %shift_right_arithmetic3A_829 = vector.broadcast %shift_right_arithmetic3A_828 : i32 to vector<16xi32>
      %shift_right_arithmetic3A_830 = arith.shrsi %add3A_827, %shift_right_arithmetic3A_829 : vector<16xi32>
      %and3A_831 = arith.constant 511 : i32
      %and3A_832 = vector.broadcast %and3A_831 : i32 to vector<16xi32>
      %and3A_833 = arith.andi %add3A_827, %and3A_832 : vector<16xi32>
      %gather3A_834 = tpu.vector_load_idx %arg6[%shift_right_arithmetic3A_830, %and3A_833] : memref<20x512xi32, #tpu.memory_space<vmem>>[vector<16xi32>, vector<16xi32>], vector<16xi32>,
      %add3A_835 = arith.constant 40 : i32
      %add3A_836 = arith.addi %add3A_835, %scan3A_459 : i32
      %swap3A_837 = arith.constant 1 : i32
      %swap3A_838 = arith.index_cast %swap3A_837 : i32 to index
      %swap3A_839 = arith.index_cast %add3A_836 : i32 to index
      %swap3A_840 = arith.constant 112 : index
      %swap3A_841 = tpu.vector_load %arg7[%swap3A_838, %swap3A_839, %swap3A_840] {strides = array<i32>} : memref<2x160x128xi32, #tpu.memory_space<vmem>>, vector<16xi32>,
      tpu.vector_store %arg7[%swap3A_838, %swap3A_839, %swap3A_840], %gather3A_834 {strides = array<i32>} : memref<2x160x128xi32, #tpu.memory_space<vmem>>, vector<16xi32>,
    }
    %scan3A_42 = arith.constant 40 : i32
    %mul3A_43 = arith.constant 80 : i32
    %mul3A_44 = arith.muli %mul3A_43, %add3A : i32
    %add3A_45 = arith.constant 40 : i32
    %add3A_46 = arith.addi %mul3A_44, %add3A_45 : i32
    "tpu.region"() ({
      %run_scoped3A = tpu.sem_alloc : memref<!tpu.dma_semaphore, #tpu.memory_space<semaphore_mem>>
      %dma_start3A_459 = arith.constant 0 : i32
      %dma_start3A_460 = tpu.memref_slice %arg3[%add3A_46, %dma_start3A_459] : memref<2560x512xi32, #tpu.memory_space<hbm>> -> memref<20x512xi32, #tpu.memory_space<hbm>>
      %dma_start3A_461 = arith.constant 0 : i32
      %dma_start3A_462 = tpu.memref_slice %arg3[%add3A_46, %dma_start3A_461] : memref<2560x512xi32, #tpu.memory_space<hbm>> -> memref<20x512xi32, #tpu.memory_space<hbm>>
      tpu.enqueue_dma source(%dma_start3A_462 : memref<20x512xi32, #tpu.memory_space<hbm>>) target(%arg6 : memref<20x512xi32, #tpu.memory_space<vmem>>) target_semaphore(%run_scoped3A : memref<!tpu.dma_semaphore, #tpu.memory_space<semaphore_mem>>)
      %dma_wait3A_463 = arith.constant 0 : i32
      %dma_wait3A_464 = tpu.memref_slice %arg3[%add3A_46, %dma_wait3A_463] : memref<2560x512xi32, #tpu.memory_space<hbm>> -> memref<20x512xi32, #tpu.memory_space<hbm>>
      %dma_wait3A_465 = arith.constant 0 : i32
      %dma_wait3A_466 = tpu.memref_slice %arg3[%add3A_46, %dma_wait3A_465] : memref<2560x512xi32, #tpu.memory_space<hbm>> -> memref<20x512xi32, #tpu.memory_space<hbm>>
      tpu.wait_dma2 semaphore(%run_scoped3A : memref<!tpu.dma_semaphore, #tpu.memory_space<semaphore_mem>>) src(%dma_wait3A_466 : memref<20x512xi32, #tpu.memory_space<hbm>>) dst(%arg6 : memref<20x512xi32, #tpu.memory_space<vmem>>)
      tpu.yield
    }) : () -> ()
    %scan3A_47 = arith.constant 0 : i32
    %scan3A_48 = arith.constant 0 : i32
    %scan3A_49 = arith.constant 40 : i32
    %scan3A_50 = arith.addi %scan3A_48, %scan3A_49 : i32
    %scan3A_51 = arith.constant 1 : i32
    scf.for %scan3A_459 = %scan3A_48 to %scan3A_50 step %scan3A_51  : i32 {
      %mul3A_460 = arith.constant 256 : i32
      %mul3A_461 = arith.muli %mul3A_460, %scan3A_459 : i32
      %add3A_462 = arith.constant 0 : i32
      %add3A_463 = arith.addi %mul3A_461, %add3A_462 : i32
      %mul3A_464 = arith.constant 4 : i32
      %mul3A_465 = vector.broadcast %mul3A_464 : i32 to vector<16xi32>
      %mul3A_466 = arith.muli %mul3A_465, %and3A_6 : vector<16xi32>
      %add3A_467 = arith.addi %mul3A_466, %add3A_14 : vector<16xi32>
      %add3A_468 = vector.broadcast %add3A_463 : i32 to vector<16xi32>
      %add3A_469 = arith.addi %add3A_468, %add3A_467 : vector<16xi32>
      %shift_right_arithmetic3A_470 = arith.constant 9 : i32
      %shift_right_arithmetic3A_471 = vector.broadcast %shift_right_arithmetic3A_470 : i32 to vector<16xi32>
      %shift_right_arithmetic3A_472 = arith.shrsi %add3A_469, %shift_right_arithmetic3A_471 : vector<16xi32>
      %and3A_473 = arith.constant 511 : i32
      %and3A_474 = vector.broadcast %and3A_473 : i32 to vector<16xi32>
      %and3A_475 = arith.andi %add3A_469, %and3A_474 : vector<16xi32>
      %gather3A = tpu.vector_load_idx %arg6[%shift_right_arithmetic3A_472, %and3A_475] : memref<20x512xi32, #tpu.memory_space<vmem>>[vector<16xi32>, vector<16xi32>], vector<16xi32>,
      %add3A_476 = arith.constant 80 : i32
      %add3A_477 = arith.addi %add3A_476, %scan3A_459 : i32
      %swap3A = arith.constant 0 : i32
      %swap3A_478 = arith.index_cast %swap3A : i32 to index
      %swap3A_479 = arith.index_cast %add3A_477 : i32 to index
      %swap3A_480 = arith.constant 0 : index
      %swap3A_481 = tpu.vector_load %arg7[%swap3A_478, %swap3A_479, %swap3A_480] {strides = array<i32>} : memref<2x160x128xi32, #tpu.memory_space<vmem>>, vector<16xi32>,
      tpu.vector_store %arg7[%swap3A_478, %swap3A_479, %swap3A_480], %gather3A {strides = array<i32>} : memref<2x160x128xi32, #tpu.memory_space<vmem>>, vector<16xi32>,
      %mul3A_482 = arith.constant 256 : i32
      %mul3A_483 = arith.muli %mul3A_482, %scan3A_459 : i32
      %add3A_484 = arith.constant 0 : i32
      %add3A_485 = arith.addi %mul3A_483, %add3A_484 : i32
      %mul3A_486 = arith.constant 4 : i32
      %mul3A_487 = vector.broadcast %mul3A_486 : i32 to vector<16xi32>
      %mul3A_488 = arith.muli %mul3A_487, %and3A_6 : vector<16xi32>
      %add3A_489 = arith.addi %mul3A_488, %add3A_23 : vector<16xi32>
      %add3A_490 = vector.broadcast %add3A_485 : i32 to vector<16xi32>
      %add3A_491 = arith.addi %add3A_490, %add3A_489 : vector<16xi32>
      %shift_right_arithmetic3A_492 = arith.constant 9 : i32
      %shift_right_arithmetic3A_493 = vector.broadcast %shift_right_arithmetic3A_492 : i32 to vector<16xi32>
      %shift_right_arithmetic3A_494 = arith.shrsi %add3A_491, %shift_right_arithmetic3A_493 : vector<16xi32>
      %and3A_495 = arith.constant 511 : i32
      %and3A_496 = vector.broadcast %and3A_495 : i32 to vector<16xi32>
      %and3A_497 = arith.andi %add3A_491, %and3A_496 : vector<16xi32>
      %gather3A_498 = tpu.vector_load_idx %arg6[%shift_right_arithmetic3A_494, %and3A_497] : memref<20x512xi32, #tpu.memory_space<vmem>>[vector<16xi32>, vector<16xi32>], vector<16xi32>,
      %add3A_499 = arith.constant 80 : i32
      %add3A_500 = arith.addi %add3A_499, %scan3A_459 : i32
      %swap3A_501 = arith.constant 1 : i32
      %swap3A_502 = arith.index_cast %swap3A_501 : i32 to index
      %swap3A_503 = arith.index_cast %add3A_500 : i32 to index
      %swap3A_504 = arith.constant 0 : index
      %swap3A_505 = tpu.vector_load %arg7[%swap3A_502, %swap3A_503, %swap3A_504] {strides = array<i32>} : memref<2x160x128xi32, #tpu.memory_space<vmem>>, vector<16xi32>,
      tpu.vector_store %arg7[%swap3A_502, %swap3A_503, %swap3A_504], %gather3A_498 {strides = array<i32>} : memref<2x160x128xi32, #tpu.memory_space<vmem>>, vector<16xi32>,
      %mul3A_506 = arith.constant 256 : i32
      %mul3A_507 = arith.muli %mul3A_506, %scan3A_459 : i32
      %add3A_508 = arith.constant 32 : i32
      %add3A_509 = arith.addi %mul3A_507, %add3A_508 : i32
      %mul3A_510 = arith.constant 4 : i32
      %mul3A_511 = vector.broadcast %mul3A_510 : i32 to vector<16xi32>
      %mul3A_512 = arith.muli %mul3A_511, %and3A_6 : vector<16xi32>
      %add3A_513 = arith.addi %mul3A_512, %add3A_14 : vector<16xi32>
      %add3A_514 = vector.broadcast %add3A_509 : i32 to vector<16xi32>
      %add3A_515 = arith.addi %add3A_514, %add3A_513 : vector<16xi32>
      %shift_right_arithmetic3A_516 = arith.constant 9 : i32
      %shift_right_arithmetic3A_517 = vector.broadcast %shift_right_arithmetic3A_516 : i32 to vector<16xi32>
      %shift_right_arithmetic3A_518 = arith.shrsi %add3A_515, %shift_right_arithmetic3A_517 : vector<16xi32>
      %and3A_519 = arith.constant 511 : i32
      %and3A_520 = vector.broadcast %and3A_519 : i32 to vector<16xi32>
      %and3A_521 = arith.andi %add3A_515, %and3A_520 : vector<16xi32>
      %gather3A_522 = tpu.vector_load_idx %arg6[%shift_right_arithmetic3A_518, %and3A_521] : memref<20x512xi32, #tpu.memory_space<vmem>>[vector<16xi32>, vector<16xi32>], vector<16xi32>,
      %add3A_523 = arith.constant 80 : i32
      %add3A_524 = arith.addi %add3A_523, %scan3A_459 : i32
      %swap3A_525 = arith.constant 0 : i32
      %swap3A_526 = arith.index_cast %swap3A_525 : i32 to index
      %swap3A_527 = arith.index_cast %add3A_524 : i32 to index
      %swap3A_528 = arith.constant 16 : index
      %swap3A_529 = tpu.vector_load %arg7[%swap3A_526, %swap3A_527, %swap3A_528] {strides = array<i32>} : memref<2x160x128xi32, #tpu.memory_space<vmem>>, vector<16xi32>,
      tpu.vector_store %arg7[%swap3A_526, %swap3A_527, %swap3A_528], %gather3A_522 {strides = array<i32>} : memref<2x160x128xi32, #tpu.memory_space<vmem>>, vector<16xi32>,
      %mul3A_530 = arith.constant 256 : i32
      %mul3A_531 = arith.muli %mul3A_530, %scan3A_459 : i32
      %add3A_532 = arith.constant 32 : i32
      %add3A_533 = arith.addi %mul3A_531, %add3A_532 : i32
      %mul3A_534 = arith.constant 4 : i32
      %mul3A_535 = vector.broadcast %mul3A_534 : i32 to vector<16xi32>
      %mul3A_536 = arith.muli %mul3A_535, %and3A_6 : vector<16xi32>
      %add3A_537 = arith.addi %mul3A_536, %add3A_23 : vector<16xi32>
      %add3A_538 = vector.broadcast %add3A_533 : i32 to vector<16xi32>
      %add3A_539 = arith.addi %add3A_538, %add3A_537 : vector<16xi32>
      %shift_right_arithmetic3A_540 = arith.constant 9 : i32
      %shift_right_arithmetic3A_541 = vector.broadcast %shift_right_arithmetic3A_540 : i32 to vector<16xi32>
      %shift_right_arithmetic3A_542 = arith.shrsi %add3A_539, %shift_right_arithmetic3A_541 : vector<16xi32>
      %and3A_543 = arith.constant 511 : i32
      %and3A_544 = vector.broadcast %and3A_543 : i32 to vector<16xi32>
      %and3A_545 = arith.andi %add3A_539, %and3A_544 : vector<16xi32>
      %gather3A_546 = tpu.vector_load_idx %arg6[%shift_right_arithmetic3A_542, %and3A_545] : memref<20x512xi32, #tpu.memory_space<vmem>>[vector<16xi32>, vector<16xi32>], vector<16xi32>,
      %add3A_547 = arith.constant 80 : i32
      %add3A_548 = arith.addi %add3A_547, %scan3A_459 : i32
      %swap3A_549 = arith.constant 1 : i32
      %swap3A_550 = arith.index_cast %swap3A_549 : i32 to index
      %swap3A_551 = arith.index_cast %add3A_548 : i32 to index
      %swap3A_552 = arith.constant 16 : index
      %swap3A_553 = tpu.vector_load %arg7[%swap3A_550, %swap3A_551, %swap3A_552] {strides = array<i32>} : memref<2x160x128xi32, #tpu.memory_space<vmem>>, vector<16xi32>,
      tpu.vector_store %arg7[%swap3A_550, %swap3A_551, %swap3A_552], %gather3A_546 {strides = array<i32>} : memref<2x160x128xi32, #tpu.memory_space<vmem>>, vector<16xi32>,
      %mul3A_554 = arith.constant 256 : i32
      %mul3A_555 = arith.muli %mul3A_554, %scan3A_459 : i32
      %add3A_556 = arith.constant 64 : i32
      %add3A_557 = arith.addi %mul3A_555, %add3A_556 : i32
      %mul3A_558 = arith.constant 4 : i32
      %mul3A_559 = vector.broadcast %mul3A_558 : i32 to vector<16xi32>
      %mul3A_560 = arith.muli %mul3A_559, %and3A_6 : vector<16xi32>
      %add3A_561 = arith.addi %mul3A_560, %add3A_14 : vector<16xi32>
      %add3A_562 = vector.broadcast %add3A_557 : i32 to vector<16xi32>
      %add3A_563 = arith.addi %add3A_562, %add3A_561 : vector<16xi32>
      %shift_right_arithmetic3A_564 = arith.constant 9 : i32
      %shift_right_arithmetic3A_565 = vector.broadcast %shift_right_arithmetic3A_564 : i32 to vector<16xi32>
      %shift_right_arithmetic3A_566 = arith.shrsi %add3A_563, %shift_right_arithmetic3A_565 : vector<16xi32>
      %and3A_567 = arith.constant 511 : i32
      %and3A_568 = vector.broadcast %and3A_567 : i32 to vector<16xi32>
      %and3A_569 = arith.andi %add3A_563, %and3A_568 : vector<16xi32>
      %gather3A_570 = tpu.vector_load_idx %arg6[%shift_right_arithmetic3A_566, %and3A_569] : memref<20x512xi32, #tpu.memory_space<vmem>>[vector<16xi32>, vector<16xi32>], vector<16xi32>,
      %add3A_571 = arith.constant 80 : i32
      %add3A_572 = arith.addi %add3A_571, %scan3A_459 : i32
      %swap3A_573 = arith.constant 0 : i32
      %swap3A_574 = arith.index_cast %swap3A_573 : i32 to index
      %swap3A_575 = arith.index_cast %add3A_572 : i32 to index
      %swap3A_576 = arith.constant 32 : index
      %swap3A_577 = tpu.vector_load %arg7[%swap3A_574, %swap3A_575, %swap3A_576] {strides = array<i32>} : memref<2x160x128xi32, #tpu.memory_space<vmem>>, vector<16xi32>,
      tpu.vector_store %arg7[%swap3A_574, %swap3A_575, %swap3A_576], %gather3A_570 {strides = array<i32>} : memref<2x160x128xi32, #tpu.memory_space<vmem>>, vector<16xi32>,
      %mul3A_578 = arith.constant 256 : i32
      %mul3A_579 = arith.muli %mul3A_578, %scan3A_459 : i32
      %add3A_580 = arith.constant 64 : i32
      %add3A_581 = arith.addi %mul3A_579, %add3A_580 : i32
      %mul3A_582 = arith.constant 4 : i32
      %mul3A_583 = vector.broadcast %mul3A_582 : i32 to vector<16xi32>
      %mul3A_584 = arith.muli %mul3A_583, %and3A_6 : vector<16xi32>
      %add3A_585 = arith.addi %mul3A_584, %add3A_23 : vector<16xi32>
      %add3A_586 = vector.broadcast %add3A_581 : i32 to vector<16xi32>
      %add3A_587 = arith.addi %add3A_586, %add3A_585 : vector<16xi32>
      %shift_right_arithmetic3A_588 = arith.constant 9 : i32
      %shift_right_arithmetic3A_589 = vector.broadcast %shift_right_arithmetic3A_588 : i32 to vector<16xi32>
      %shift_right_arithmetic3A_590 = arith.shrsi %add3A_587, %shift_right_arithmetic3A_589 : vector<16xi32>
      %and3A_591 = arith.constant 511 : i32
      %and3A_592 = vector.broadcast %and3A_591 : i32 to vector<16xi32>
      %and3A_593 = arith.andi %add3A_587, %and3A_592 : vector<16xi32>
      %gather3A_594 = tpu.vector_load_idx %arg6[%shift_right_arithmetic3A_590, %and3A_593] : memref<20x512xi32, #tpu.memory_space<vmem>>[vector<16xi32>, vector<16xi32>], vector<16xi32>,
      %add3A_595 = arith.constant 80 : i32
      %add3A_596 = arith.addi %add3A_595, %scan3A_459 : i32
      %swap3A_597 = arith.constant 1 : i32
      %swap3A_598 = arith.index_cast %swap3A_597 : i32 to index
      %swap3A_599 = arith.index_cast %add3A_596 : i32 to index
      %swap3A_600 = arith.constant 32 : index
      %swap3A_601 = tpu.vector_load %arg7[%swap3A_598, %swap3A_599, %swap3A_600] {strides = array<i32>} : memref<2x160x128xi32, #tpu.memory_space<vmem>>, vector<16xi32>,
      tpu.vector_store %arg7[%swap3A_598, %swap3A_599, %swap3A_600], %gather3A_594 {strides = array<i32>} : memref<2x160x128xi32, #tpu.memory_space<vmem>>, vector<16xi32>,
      %mul3A_602 = arith.constant 256 : i32
      %mul3A_603 = arith.muli %mul3A_602, %scan3A_459 : i32
      %add3A_604 = arith.constant 96 : i32
      %add3A_605 = arith.addi %mul3A_603, %add3A_604 : i32
      %mul3A_606 = arith.constant 4 : i32
      %mul3A_607 = vector.broadcast %mul3A_606 : i32 to vector<16xi32>
      %mul3A_608 = arith.muli %mul3A_607, %and3A_6 : vector<16xi32>
      %add3A_609 = arith.addi %mul3A_608, %add3A_14 : vector<16xi32>
      %add3A_610 = vector.broadcast %add3A_605 : i32 to vector<16xi32>
      %add3A_611 = arith.addi %add3A_610, %add3A_609 : vector<16xi32>
      %shift_right_arithmetic3A_612 = arith.constant 9 : i32
      %shift_right_arithmetic3A_613 = vector.broadcast %shift_right_arithmetic3A_612 : i32 to vector<16xi32>
      %shift_right_arithmetic3A_614 = arith.shrsi %add3A_611, %shift_right_arithmetic3A_613 : vector<16xi32>
      %and3A_615 = arith.constant 511 : i32
      %and3A_616 = vector.broadcast %and3A_615 : i32 to vector<16xi32>
      %and3A_617 = arith.andi %add3A_611, %and3A_616 : vector<16xi32>
      %gather3A_618 = tpu.vector_load_idx %arg6[%shift_right_arithmetic3A_614, %and3A_617] : memref<20x512xi32, #tpu.memory_space<vmem>>[vector<16xi32>, vector<16xi32>], vector<16xi32>,
      %add3A_619 = arith.constant 80 : i32
      %add3A_620 = arith.addi %add3A_619, %scan3A_459 : i32
      %swap3A_621 = arith.constant 0 : i32
      %swap3A_622 = arith.index_cast %swap3A_621 : i32 to index
      %swap3A_623 = arith.index_cast %add3A_620 : i32 to index
      %swap3A_624 = arith.constant 48 : index
      %swap3A_625 = tpu.vector_load %arg7[%swap3A_622, %swap3A_623, %swap3A_624] {strides = array<i32>} : memref<2x160x128xi32, #tpu.memory_space<vmem>>, vector<16xi32>,
      tpu.vector_store %arg7[%swap3A_622, %swap3A_623, %swap3A_624], %gather3A_618 {strides = array<i32>} : memref<2x160x128xi32, #tpu.memory_space<vmem>>, vector<16xi32>,
      %mul3A_626 = arith.constant 256 : i32
      %mul3A_627 = arith.muli %mul3A_626, %scan3A_459 : i32
      %add3A_628 = arith.constant 96 : i32
      %add3A_629 = arith.addi %mul3A_627, %add3A_628 : i32
      %mul3A_630 = arith.constant 4 : i32
      %mul3A_631 = vector.broadcast %mul3A_630 : i32 to vector<16xi32>
      %mul3A_632 = arith.muli %mul3A_631, %and3A_6 : vector<16xi32>
      %add3A_633 = arith.addi %mul3A_632, %add3A_23 : vector<16xi32>
      %add3A_634 = vector.broadcast %add3A_629 : i32 to vector<16xi32>
      %add3A_635 = arith.addi %add3A_634, %add3A_633 : vector<16xi32>
      %shift_right_arithmetic3A_636 = arith.constant 9 : i32
      %shift_right_arithmetic3A_637 = vector.broadcast %shift_right_arithmetic3A_636 : i32 to vector<16xi32>
      %shift_right_arithmetic3A_638 = arith.shrsi %add3A_635, %shift_right_arithmetic3A_637 : vector<16xi32>
      %and3A_639 = arith.constant 511 : i32
      %and3A_640 = vector.broadcast %and3A_639 : i32 to vector<16xi32>
      %and3A_641 = arith.andi %add3A_635, %and3A_640 : vector<16xi32>
      %gather3A_642 = tpu.vector_load_idx %arg6[%shift_right_arithmetic3A_638, %and3A_641] : memref<20x512xi32, #tpu.memory_space<vmem>>[vector<16xi32>, vector<16xi32>], vector<16xi32>,
      %add3A_643 = arith.constant 80 : i32
      %add3A_644 = arith.addi %add3A_643, %scan3A_459 : i32
      %swap3A_645 = arith.constant 1 : i32
      %swap3A_646 = arith.index_cast %swap3A_645 : i32 to index
      %swap3A_647 = arith.index_cast %add3A_644 : i32 to index
      %swap3A_648 = arith.constant 48 : index
      %swap3A_649 = tpu.vector_load %arg7[%swap3A_646, %swap3A_647, %swap3A_648] {strides = array<i32>} : memref<2x160x128xi32, #tpu.memory_space<vmem>>, vector<16xi32>,
      tpu.vector_store %arg7[%swap3A_646, %swap3A_647, %swap3A_648], %gather3A_642 {strides = array<i32>} : memref<2x160x128xi32, #tpu.memory_space<vmem>>, vector<16xi32>,
      %mul3A_650 = arith.constant 256 : i32
      %mul3A_651 = arith.muli %mul3A_650, %scan3A_459 : i32
      %add3A_652 = arith.constant 128 : i32
      %add3A_653 = arith.addi %mul3A_651, %add3A_652 : i32
      %mul3A_654 = arith.constant 4 : i32
      %mul3A_655 = vector.broadcast %mul3A_654 : i32 to vector<16xi32>
      %mul3A_656 = arith.muli %mul3A_655, %and3A_6 : vector<16xi32>
      %add3A_657 = arith.addi %mul3A_656, %add3A_14 : vector<16xi32>
      %add3A_658 = vector.broadcast %add3A_653 : i32 to vector<16xi32>
      %add3A_659 = arith.addi %add3A_658, %add3A_657 : vector<16xi32>
      %shift_right_arithmetic3A_660 = arith.constant 9 : i32
      %shift_right_arithmetic3A_661 = vector.broadcast %shift_right_arithmetic3A_660 : i32 to vector<16xi32>
      %shift_right_arithmetic3A_662 = arith.shrsi %add3A_659, %shift_right_arithmetic3A_661 : vector<16xi32>
      %and3A_663 = arith.constant 511 : i32
      %and3A_664 = vector.broadcast %and3A_663 : i32 to vector<16xi32>
      %and3A_665 = arith.andi %add3A_659, %and3A_664 : vector<16xi32>
      %gather3A_666 = tpu.vector_load_idx %arg6[%shift_right_arithmetic3A_662, %and3A_665] : memref<20x512xi32, #tpu.memory_space<vmem>>[vector<16xi32>, vector<16xi32>], vector<16xi32>,
      %add3A_667 = arith.constant 80 : i32
      %add3A_668 = arith.addi %add3A_667, %scan3A_459 : i32
      %swap3A_669 = arith.constant 0 : i32
      %swap3A_670 = arith.index_cast %swap3A_669 : i32 to index
      %swap3A_671 = arith.index_cast %add3A_668 : i32 to index
      %swap3A_672 = arith.constant 64 : index
      %swap3A_673 = tpu.vector_load %arg7[%swap3A_670, %swap3A_671, %swap3A_672] {strides = array<i32>} : memref<2x160x128xi32, #tpu.memory_space<vmem>>, vector<16xi32>,
      tpu.vector_store %arg7[%swap3A_670, %swap3A_671, %swap3A_672], %gather3A_666 {strides = array<i32>} : memref<2x160x128xi32, #tpu.memory_space<vmem>>, vector<16xi32>,
      %mul3A_674 = arith.constant 256 : i32
      %mul3A_675 = arith.muli %mul3A_674, %scan3A_459 : i32
      %add3A_676 = arith.constant 128 : i32
      %add3A_677 = arith.addi %mul3A_675, %add3A_676 : i32
      %mul3A_678 = arith.constant 4 : i32
      %mul3A_679 = vector.broadcast %mul3A_678 : i32 to vector<16xi32>
      %mul3A_680 = arith.muli %mul3A_679, %and3A_6 : vector<16xi32>
      %add3A_681 = arith.addi %mul3A_680, %add3A_23 : vector<16xi32>
      %add3A_682 = vector.broadcast %add3A_677 : i32 to vector<16xi32>
      %add3A_683 = arith.addi %add3A_682, %add3A_681 : vector<16xi32>
      %shift_right_arithmetic3A_684 = arith.constant 9 : i32
      %shift_right_arithmetic3A_685 = vector.broadcast %shift_right_arithmetic3A_684 : i32 to vector<16xi32>
      %shift_right_arithmetic3A_686 = arith.shrsi %add3A_683, %shift_right_arithmetic3A_685 : vector<16xi32>
      %and3A_687 = arith.constant 511 : i32
      %and3A_688 = vector.broadcast %and3A_687 : i32 to vector<16xi32>
      %and3A_689 = arith.andi %add3A_683, %and3A_688 : vector<16xi32>
      %gather3A_690 = tpu.vector_load_idx %arg6[%shift_right_arithmetic3A_686, %and3A_689] : memref<20x512xi32, #tpu.memory_space<vmem>>[vector<16xi32>, vector<16xi32>], vector<16xi32>,
      %add3A_691 = arith.constant 80 : i32
      %add3A_692 = arith.addi %add3A_691, %scan3A_459 : i32
      %swap3A_693 = arith.constant 1 : i32
      %swap3A_694 = arith.index_cast %swap3A_693 : i32 to index
      %swap3A_695 = arith.index_cast %add3A_692 : i32 to index
      %swap3A_696 = arith.constant 64 : index
      %swap3A_697 = tpu.vector_load %arg7[%swap3A_694, %swap3A_695, %swap3A_696] {strides = array<i32>} : memref<2x160x128xi32, #tpu.memory_space<vmem>>, vector<16xi32>,
      tpu.vector_store %arg7[%swap3A_694, %swap3A_695, %swap3A_696], %gather3A_690 {strides = array<i32>} : memref<2x160x128xi32, #tpu.memory_space<vmem>>, vector<16xi32>,
      %mul3A_698 = arith.constant 256 : i32
      %mul3A_699 = arith.muli %mul3A_698, %scan3A_459 : i32
      %add3A_700 = arith.constant 160 : i32
      %add3A_701 = arith.addi %mul3A_699, %add3A_700 : i32
      %mul3A_702 = arith.constant 4 : i32
      %mul3A_703 = vector.broadcast %mul3A_702 : i32 to vector<16xi32>
      %mul3A_704 = arith.muli %mul3A_703, %and3A_6 : vector<16xi32>
      %add3A_705 = arith.addi %mul3A_704, %add3A_14 : vector<16xi32>
      %add3A_706 = vector.broadcast %add3A_701 : i32 to vector<16xi32>
      %add3A_707 = arith.addi %add3A_706, %add3A_705 : vector<16xi32>
      %shift_right_arithmetic3A_708 = arith.constant 9 : i32
      %shift_right_arithmetic3A_709 = vector.broadcast %shift_right_arithmetic3A_708 : i32 to vector<16xi32>
      %shift_right_arithmetic3A_710 = arith.shrsi %add3A_707, %shift_right_arithmetic3A_709 : vector<16xi32>
      %and3A_711 = arith.constant 511 : i32
      %and3A_712 = vector.broadcast %and3A_711 : i32 to vector<16xi32>
      %and3A_713 = arith.andi %add3A_707, %and3A_712 : vector<16xi32>
      %gather3A_714 = tpu.vector_load_idx %arg6[%shift_right_arithmetic3A_710, %and3A_713] : memref<20x512xi32, #tpu.memory_space<vmem>>[vector<16xi32>, vector<16xi32>], vector<16xi32>,
      %add3A_715 = arith.constant 80 : i32
      %add3A_716 = arith.addi %add3A_715, %scan3A_459 : i32
      %swap3A_717 = arith.constant 0 : i32
      %swap3A_718 = arith.index_cast %swap3A_717 : i32 to index
      %swap3A_719 = arith.index_cast %add3A_716 : i32 to index
      %swap3A_720 = arith.constant 80 : index
      %swap3A_721 = tpu.vector_load %arg7[%swap3A_718, %swap3A_719, %swap3A_720] {strides = array<i32>} : memref<2x160x128xi32, #tpu.memory_space<vmem>>, vector<16xi32>,
      tpu.vector_store %arg7[%swap3A_718, %swap3A_719, %swap3A_720], %gather3A_714 {strides = array<i32>} : memref<2x160x128xi32, #tpu.memory_space<vmem>>, vector<16xi32>,
      %mul3A_722 = arith.constant 256 : i32
      %mul3A_723 = arith.muli %mul3A_722, %scan3A_459 : i32
      %add3A_724 = arith.constant 160 : i32
      %add3A_725 = arith.addi %mul3A_723, %add3A_724 : i32
      %mul3A_726 = arith.constant 4 : i32
      %mul3A_727 = vector.broadcast %mul3A_726 : i32 to vector<16xi32>
      %mul3A_728 = arith.muli %mul3A_727, %and3A_6 : vector<16xi32>
      %add3A_729 = arith.addi %mul3A_728, %add3A_23 : vector<16xi32>
      %add3A_730 = vector.broadcast %add3A_725 : i32 to vector<16xi32>
      %add3A_731 = arith.addi %add3A_730, %add3A_729 : vector<16xi32>
      %shift_right_arithmetic3A_732 = arith.constant 9 : i32
      %shift_right_arithmetic3A_733 = vector.broadcast %shift_right_arithmetic3A_732 : i32 to vector<16xi32>
      %shift_right_arithmetic3A_734 = arith.shrsi %add3A_731, %shift_right_arithmetic3A_733 : vector<16xi32>
      %and3A_735 = arith.constant 511 : i32
      %and3A_736 = vector.broadcast %and3A_735 : i32 to vector<16xi32>
      %and3A_737 = arith.andi %add3A_731, %and3A_736 : vector<16xi32>
      %gather3A_738 = tpu.vector_load_idx %arg6[%shift_right_arithmetic3A_734, %and3A_737] : memref<20x512xi32, #tpu.memory_space<vmem>>[vector<16xi32>, vector<16xi32>], vector<16xi32>,
      %add3A_739 = arith.constant 80 : i32
      %add3A_740 = arith.addi %add3A_739, %scan3A_459 : i32
      %swap3A_741 = arith.constant 1 : i32
      %swap3A_742 = arith.index_cast %swap3A_741 : i32 to index
      %swap3A_743 = arith.index_cast %add3A_740 : i32 to index
      %swap3A_744 = arith.constant 80 : index
      %swap3A_745 = tpu.vector_load %arg7[%swap3A_742, %swap3A_743, %swap3A_744] {strides = array<i32>} : memref<2x160x128xi32, #tpu.memory_space<vmem>>, vector<16xi32>,
      tpu.vector_store %arg7[%swap3A_742, %swap3A_743, %swap3A_744], %gather3A_738 {strides = array<i32>} : memref<2x160x128xi32, #tpu.memory_space<vmem>>, vector<16xi32>,
      %mul3A_746 = arith.constant 256 : i32
      %mul3A_747 = arith.muli %mul3A_746, %scan3A_459 : i32
      %add3A_748 = arith.constant 192 : i32
      %add3A_749 = arith.addi %mul3A_747, %add3A_748 : i32
      %mul3A_750 = arith.constant 4 : i32
      %mul3A_751 = vector.broadcast %mul3A_750 : i32 to vector<16xi32>
      %mul3A_752 = arith.muli %mul3A_751, %and3A_6 : vector<16xi32>
      %add3A_753 = arith.addi %mul3A_752, %add3A_14 : vector<16xi32>
      %add3A_754 = vector.broadcast %add3A_749 : i32 to vector<16xi32>
      %add3A_755 = arith.addi %add3A_754, %add3A_753 : vector<16xi32>
      %shift_right_arithmetic3A_756 = arith.constant 9 : i32
      %shift_right_arithmetic3A_757 = vector.broadcast %shift_right_arithmetic3A_756 : i32 to vector<16xi32>
      %shift_right_arithmetic3A_758 = arith.shrsi %add3A_755, %shift_right_arithmetic3A_757 : vector<16xi32>
      %and3A_759 = arith.constant 511 : i32
      %and3A_760 = vector.broadcast %and3A_759 : i32 to vector<16xi32>
      %and3A_761 = arith.andi %add3A_755, %and3A_760 : vector<16xi32>
      %gather3A_762 = tpu.vector_load_idx %arg6[%shift_right_arithmetic3A_758, %and3A_761] : memref<20x512xi32, #tpu.memory_space<vmem>>[vector<16xi32>, vector<16xi32>], vector<16xi32>,
      %add3A_763 = arith.constant 80 : i32
      %add3A_764 = arith.addi %add3A_763, %scan3A_459 : i32
      %swap3A_765 = arith.constant 0 : i32
      %swap3A_766 = arith.index_cast %swap3A_765 : i32 to index
      %swap3A_767 = arith.index_cast %add3A_764 : i32 to index
      %swap3A_768 = arith.constant 96 : index
      %swap3A_769 = tpu.vector_load %arg7[%swap3A_766, %swap3A_767, %swap3A_768] {strides = array<i32>} : memref<2x160x128xi32, #tpu.memory_space<vmem>>, vector<16xi32>,
      tpu.vector_store %arg7[%swap3A_766, %swap3A_767, %swap3A_768], %gather3A_762 {strides = array<i32>} : memref<2x160x128xi32, #tpu.memory_space<vmem>>, vector<16xi32>,
      %mul3A_770 = arith.constant 256 : i32
      %mul3A_771 = arith.muli %mul3A_770, %scan3A_459 : i32
      %add3A_772 = arith.constant 192 : i32
      %add3A_773 = arith.addi %mul3A_771, %add3A_772 : i32
      %mul3A_774 = arith.constant 4 : i32
      %mul3A_775 = vector.broadcast %mul3A_774 : i32 to vector<16xi32>
      %mul3A_776 = arith.muli %mul3A_775, %and3A_6 : vector<16xi32>
      %add3A_777 = arith.addi %mul3A_776, %add3A_23 : vector<16xi32>
      %add3A_778 = vector.broadcast %add3A_773 : i32 to vector<16xi32>
      %add3A_779 = arith.addi %add3A_778, %add3A_777 : vector<16xi32>
      %shift_right_arithmetic3A_780 = arith.constant 9 : i32
      %shift_right_arithmetic3A_781 = vector.broadcast %shift_right_arithmetic3A_780 : i32 to vector<16xi32>
      %shift_right_arithmetic3A_782 = arith.shrsi %add3A_779, %shift_right_arithmetic3A_781 : vector<16xi32>
      %and3A_783 = arith.constant 511 : i32
      %and3A_784 = vector.broadcast %and3A_783 : i32 to vector<16xi32>
      %and3A_785 = arith.andi %add3A_779, %and3A_784 : vector<16xi32>
      %gather3A_786 = tpu.vector_load_idx %arg6[%shift_right_arithmetic3A_782, %and3A_785] : memref<20x512xi32, #tpu.memory_space<vmem>>[vector<16xi32>, vector<16xi32>], vector<16xi32>,
      %add3A_787 = arith.constant 80 : i32
      %add3A_788 = arith.addi %add3A_787, %scan3A_459 : i32
      %swap3A_789 = arith.constant 1 : i32
      %swap3A_790 = arith.index_cast %swap3A_789 : i32 to index
      %swap3A_791 = arith.index_cast %add3A_788 : i32 to index
      %swap3A_792 = arith.constant 96 : index
      %swap3A_793 = tpu.vector_load %arg7[%swap3A_790, %swap3A_791, %swap3A_792] {strides = array<i32>} : memref<2x160x128xi32, #tpu.memory_space<vmem>>, vector<16xi32>,
      tpu.vector_store %arg7[%swap3A_790, %swap3A_791, %swap3A_792], %gather3A_786 {strides = array<i32>} : memref<2x160x128xi32, #tpu.memory_space<vmem>>, vector<16xi32>,
      %mul3A_794 = arith.constant 256 : i32
      %mul3A_795 = arith.muli %mul3A_794, %scan3A_459 : i32
      %add3A_796 = arith.constant 224 : i32
      %add3A_797 = arith.addi %mul3A_795, %add3A_796 : i32
      %mul3A_798 = arith.constant 4 : i32
      %mul3A_799 = vector.broadcast %mul3A_798 : i32 to vector<16xi32>
      %mul3A_800 = arith.muli %mul3A_799, %and3A_6 : vector<16xi32>
      %add3A_801 = arith.addi %mul3A_800, %add3A_14 : vector<16xi32>
      %add3A_802 = vector.broadcast %add3A_797 : i32 to vector<16xi32>
      %add3A_803 = arith.addi %add3A_802, %add3A_801 : vector<16xi32>
      %shift_right_arithmetic3A_804 = arith.constant 9 : i32
      %shift_right_arithmetic3A_805 = vector.broadcast %shift_right_arithmetic3A_804 : i32 to vector<16xi32>
      %shift_right_arithmetic3A_806 = arith.shrsi %add3A_803, %shift_right_arithmetic3A_805 : vector<16xi32>
      %and3A_807 = arith.constant 511 : i32
      %and3A_808 = vector.broadcast %and3A_807 : i32 to vector<16xi32>
      %and3A_809 = arith.andi %add3A_803, %and3A_808 : vector<16xi32>
      %gather3A_810 = tpu.vector_load_idx %arg6[%shift_right_arithmetic3A_806, %and3A_809] : memref<20x512xi32, #tpu.memory_space<vmem>>[vector<16xi32>, vector<16xi32>], vector<16xi32>,
      %add3A_811 = arith.constant 80 : i32
      %add3A_812 = arith.addi %add3A_811, %scan3A_459 : i32
      %swap3A_813 = arith.constant 0 : i32
      %swap3A_814 = arith.index_cast %swap3A_813 : i32 to index
      %swap3A_815 = arith.index_cast %add3A_812 : i32 to index
      %swap3A_816 = arith.constant 112 : index
      %swap3A_817 = tpu.vector_load %arg7[%swap3A_814, %swap3A_815, %swap3A_816] {strides = array<i32>} : memref<2x160x128xi32, #tpu.memory_space<vmem>>, vector<16xi32>,
      tpu.vector_store %arg7[%swap3A_814, %swap3A_815, %swap3A_816], %gather3A_810 {strides = array<i32>} : memref<2x160x128xi32, #tpu.memory_space<vmem>>, vector<16xi32>,
      %mul3A_818 = arith.constant 256 : i32
      %mul3A_819 = arith.muli %mul3A_818, %scan3A_459 : i32
      %add3A_820 = arith.constant 224 : i32
      %add3A_821 = arith.addi %mul3A_819, %add3A_820 : i32
      %mul3A_822 = arith.constant 4 : i32
      %mul3A_823 = vector.broadcast %mul3A_822 : i32 to vector<16xi32>
      %mul3A_824 = arith.muli %mul3A_823, %and3A_6 : vector<16xi32>
      %add3A_825 = arith.addi %mul3A_824, %add3A_23 : vector<16xi32>
      %add3A_826 = vector.broadcast %add3A_821 : i32 to vector<16xi32>
      %add3A_827 = arith.addi %add3A_826, %add3A_825 : vector<16xi32>
      %shift_right_arithmetic3A_828 = arith.constant 9 : i32
      %shift_right_arithmetic3A_829 = vector.broadcast %shift_right_arithmetic3A_828 : i32 to vector<16xi32>
      %shift_right_arithmetic3A_830 = arith.shrsi %add3A_827, %shift_right_arithmetic3A_829 : vector<16xi32>
      %and3A_831 = arith.constant 511 : i32
      %and3A_832 = vector.broadcast %and3A_831 : i32 to vector<16xi32>
      %and3A_833 = arith.andi %add3A_827, %and3A_832 : vector<16xi32>
      %gather3A_834 = tpu.vector_load_idx %arg6[%shift_right_arithmetic3A_830, %and3A_833] : memref<20x512xi32, #tpu.memory_space<vmem>>[vector<16xi32>, vector<16xi32>], vector<16xi32>,
      %add3A_835 = arith.constant 80 : i32
      %add3A_836 = arith.addi %add3A_835, %scan3A_459 : i32
      %swap3A_837 = arith.constant 1 : i32
      %swap3A_838 = arith.index_cast %swap3A_837 : i32 to index
      %swap3A_839 = arith.index_cast %add3A_836 : i32 to index
      %swap3A_840 = arith.constant 112 : index
      %swap3A_841 = tpu.vector_load %arg7[%swap3A_838, %swap3A_839, %swap3A_840] {strides = array<i32>} : memref<2x160x128xi32, #tpu.memory_space<vmem>>, vector<16xi32>,
      tpu.vector_store %arg7[%swap3A_838, %swap3A_839, %swap3A_840], %gather3A_834 {strides = array<i32>} : memref<2x160x128xi32, #tpu.memory_space<vmem>>, vector<16xi32>,
    }
    %scan3A_52 = arith.constant 40 : i32
    %mul3A_53 = arith.constant 80 : i32
    %mul3A_54 = arith.muli %mul3A_53, %add3A : i32
    %add3A_55 = arith.constant 60 : i32
    %add3A_56 = arith.addi %mul3A_54, %add3A_55 : i32
    "tpu.region"() ({
      %run_scoped3A = tpu.sem_alloc : memref<!tpu.dma_semaphore, #tpu.memory_space<semaphore_mem>>
      %dma_start3A_459 = arith.constant 0 : i32
      %dma_start3A_460 = tpu.memref_slice %arg3[%add3A_56, %dma_start3A_459] : memref<2560x512xi32, #tpu.memory_space<hbm>> -> memref<20x512xi32, #tpu.memory_space<hbm>>
      %dma_start3A_461 = arith.constant 0 : i32
      %dma_start3A_462 = tpu.memref_slice %arg3[%add3A_56, %dma_start3A_461] : memref<2560x512xi32, #tpu.memory_space<hbm>> -> memref<20x512xi32, #tpu.memory_space<hbm>>
      tpu.enqueue_dma source(%dma_start3A_462 : memref<20x512xi32, #tpu.memory_space<hbm>>) target(%arg6 : memref<20x512xi32, #tpu.memory_space<vmem>>) target_semaphore(%run_scoped3A : memref<!tpu.dma_semaphore, #tpu.memory_space<semaphore_mem>>)
      %dma_wait3A_463 = arith.constant 0 : i32
      %dma_wait3A_464 = tpu.memref_slice %arg3[%add3A_56, %dma_wait3A_463] : memref<2560x512xi32, #tpu.memory_space<hbm>> -> memref<20x512xi32, #tpu.memory_space<hbm>>
      %dma_wait3A_465 = arith.constant 0 : i32
      %dma_wait3A_466 = tpu.memref_slice %arg3[%add3A_56, %dma_wait3A_465] : memref<2560x512xi32, #tpu.memory_space<hbm>> -> memref<20x512xi32, #tpu.memory_space<hbm>>
      tpu.wait_dma2 semaphore(%run_scoped3A : memref<!tpu.dma_semaphore, #tpu.memory_space<semaphore_mem>>) src(%dma_wait3A_466 : memref<20x512xi32, #tpu.memory_space<hbm>>) dst(%arg6 : memref<20x512xi32, #tpu.memory_space<vmem>>)
      tpu.yield
    }) : () -> ()
    %scan3A_57 = arith.constant 0 : i32
    %scan3A_58 = arith.constant 0 : i32
    %scan3A_59 = arith.constant 40 : i32
    %scan3A_60 = arith.addi %scan3A_58, %scan3A_59 : i32
    %scan3A_61 = arith.constant 1 : i32
    scf.for %scan3A_459 = %scan3A_58 to %scan3A_60 step %scan3A_61  : i32 {
      %mul3A_460 = arith.constant 256 : i32
      %mul3A_461 = arith.muli %mul3A_460, %scan3A_459 : i32
      %add3A_462 = arith.constant 0 : i32
      %add3A_463 = arith.addi %mul3A_461, %add3A_462 : i32
      %mul3A_464 = arith.constant 4 : i32
      %mul3A_465 = vector.broadcast %mul3A_464 : i32 to vector<16xi32>
      %mul3A_466 = arith.muli %mul3A_465, %and3A_6 : vector<16xi32>
      %add3A_467 = arith.addi %mul3A_466, %add3A_14 : vector<16xi32>
      %add3A_468 = vector.broadcast %add3A_463 : i32 to vector<16xi32>
      %add3A_469 = arith.addi %add3A_468, %add3A_467 : vector<16xi32>
      %shift_right_arithmetic3A_470 = arith.constant 9 : i32
      %shift_right_arithmetic3A_471 = vector.broadcast %shift_right_arithmetic3A_470 : i32 to vector<16xi32>
      %shift_right_arithmetic3A_472 = arith.shrsi %add3A_469, %shift_right_arithmetic3A_471 : vector<16xi32>
      %and3A_473 = arith.constant 511 : i32
      %and3A_474 = vector.broadcast %and3A_473 : i32 to vector<16xi32>
      %and3A_475 = arith.andi %add3A_469, %and3A_474 : vector<16xi32>
      %gather3A = tpu.vector_load_idx %arg6[%shift_right_arithmetic3A_472, %and3A_475] : memref<20x512xi32, #tpu.memory_space<vmem>>[vector<16xi32>, vector<16xi32>], vector<16xi32>,
      %add3A_476 = arith.constant 120 : i32
      %add3A_477 = arith.addi %add3A_476, %scan3A_459 : i32
      %swap3A = arith.constant 0 : i32
      %swap3A_478 = arith.index_cast %swap3A : i32 to index
      %swap3A_479 = arith.index_cast %add3A_477 : i32 to index
      %swap3A_480 = arith.constant 0 : index
      %swap3A_481 = tpu.vector_load %arg7[%swap3A_478, %swap3A_479, %swap3A_480] {strides = array<i32>} : memref<2x160x128xi32, #tpu.memory_space<vmem>>, vector<16xi32>,
      tpu.vector_store %arg7[%swap3A_478, %swap3A_479, %swap3A_480], %gather3A {strides = array<i32>} : memref<2x160x128xi32, #tpu.memory_space<vmem>>, vector<16xi32>,
      %mul3A_482 = arith.constant 256 : i32
      %mul3A_483 = arith.muli %mul3A_482, %scan3A_459 : i32
      %add3A_484 = arith.constant 0 : i32
      %add3A_485 = arith.addi %mul3A_483, %add3A_484 : i32
      %mul3A_486 = arith.constant 4 : i32
      %mul3A_487 = vector.broadcast %mul3A_486 : i32 to vector<16xi32>
      %mul3A_488 = arith.muli %mul3A_487, %and3A_6 : vector<16xi32>
      %add3A_489 = arith.addi %mul3A_488, %add3A_23 : vector<16xi32>
      %add3A_490 = vector.broadcast %add3A_485 : i32 to vector<16xi32>
      %add3A_491 = arith.addi %add3A_490, %add3A_489 : vector<16xi32>
      %shift_right_arithmetic3A_492 = arith.constant 9 : i32
      %shift_right_arithmetic3A_493 = vector.broadcast %shift_right_arithmetic3A_492 : i32 to vector<16xi32>
      %shift_right_arithmetic3A_494 = arith.shrsi %add3A_491, %shift_right_arithmetic3A_493 : vector<16xi32>
      %and3A_495 = arith.constant 511 : i32
      %and3A_496 = vector.broadcast %and3A_495 : i32 to vector<16xi32>
      %and3A_497 = arith.andi %add3A_491, %and3A_496 : vector<16xi32>
      %gather3A_498 = tpu.vector_load_idx %arg6[%shift_right_arithmetic3A_494, %and3A_497] : memref<20x512xi32, #tpu.memory_space<vmem>>[vector<16xi32>, vector<16xi32>], vector<16xi32>,
      %add3A_499 = arith.constant 120 : i32
      %add3A_500 = arith.addi %add3A_499, %scan3A_459 : i32
      %swap3A_501 = arith.constant 1 : i32
      %swap3A_502 = arith.index_cast %swap3A_501 : i32 to index
      %swap3A_503 = arith.index_cast %add3A_500 : i32 to index
      %swap3A_504 = arith.constant 0 : index
      %swap3A_505 = tpu.vector_load %arg7[%swap3A_502, %swap3A_503, %swap3A_504] {strides = array<i32>} : memref<2x160x128xi32, #tpu.memory_space<vmem>>, vector<16xi32>,
      tpu.vector_store %arg7[%swap3A_502, %swap3A_503, %swap3A_504], %gather3A_498 {strides = array<i32>} : memref<2x160x128xi32, #tpu.memory_space<vmem>>, vector<16xi32>,
      %mul3A_506 = arith.constant 256 : i32
      %mul3A_507 = arith.muli %mul3A_506, %scan3A_459 : i32
      %add3A_508 = arith.constant 32 : i32
      %add3A_509 = arith.addi %mul3A_507, %add3A_508 : i32
      %mul3A_510 = arith.constant 4 : i32
      %mul3A_511 = vector.broadcast %mul3A_510 : i32 to vector<16xi32>
      %mul3A_512 = arith.muli %mul3A_511, %and3A_6 : vector<16xi32>
      %add3A_513 = arith.addi %mul3A_512, %add3A_14 : vector<16xi32>
      %add3A_514 = vector.broadcast %add3A_509 : i32 to vector<16xi32>
      %add3A_515 = arith.addi %add3A_514, %add3A_513 : vector<16xi32>
      %shift_right_arithmetic3A_516 = arith.constant 9 : i32
      %shift_right_arithmetic3A_517 = vector.broadcast %shift_right_arithmetic3A_516 : i32 to vector<16xi32>
      %shift_right_arithmetic3A_518 = arith.shrsi %add3A_515, %shift_right_arithmetic3A_517 : vector<16xi32>
      %and3A_519 = arith.constant 511 : i32
      %and3A_520 = vector.broadcast %and3A_519 : i32 to vector<16xi32>
      %and3A_521 = arith.andi %add3A_515, %and3A_520 : vector<16xi32>
      %gather3A_522 = tpu.vector_load_idx %arg6[%shift_right_arithmetic3A_518, %and3A_521] : memref<20x512xi32, #tpu.memory_space<vmem>>[vector<16xi32>, vector<16xi32>], vector<16xi32>,
      %add3A_523 = arith.constant 120 : i32
      %add3A_524 = arith.addi %add3A_523, %scan3A_459 : i32
      %swap3A_525 = arith.constant 0 : i32
      %swap3A_526 = arith.index_cast %swap3A_525 : i32 to index
      %swap3A_527 = arith.index_cast %add3A_524 : i32 to index
      %swap3A_528 = arith.constant 16 : index
      %swap3A_529 = tpu.vector_load %arg7[%swap3A_526, %swap3A_527, %swap3A_528] {strides = array<i32>} : memref<2x160x128xi32, #tpu.memory_space<vmem>>, vector<16xi32>,
      tpu.vector_store %arg7[%swap3A_526, %swap3A_527, %swap3A_528], %gather3A_522 {strides = array<i32>} : memref<2x160x128xi32, #tpu.memory_space<vmem>>, vector<16xi32>,
      %mul3A_530 = arith.constant 256 : i32
      %mul3A_531 = arith.muli %mul3A_530, %scan3A_459 : i32
      %add3A_532 = arith.constant 32 : i32
      %add3A_533 = arith.addi %mul3A_531, %add3A_532 : i32
      %mul3A_534 = arith.constant 4 : i32
      %mul3A_535 = vector.broadcast %mul3A_534 : i32 to vector<16xi32>
      %mul3A_536 = arith.muli %mul3A_535, %and3A_6 : vector<16xi32>
      %add3A_537 = arith.addi %mul3A_536, %add3A_23 : vector<16xi32>
      %add3A_538 = vector.broadcast %add3A_533 : i32 to vector<16xi32>
      %add3A_539 = arith.addi %add3A_538, %add3A_537 : vector<16xi32>
      %shift_right_arithmetic3A_540 = arith.constant 9 : i32
      %shift_right_arithmetic3A_541 = vector.broadcast %shift_right_arithmetic3A_540 : i32 to vector<16xi32>
      %shift_right_arithmetic3A_542 = arith.shrsi %add3A_539, %shift_right_arithmetic3A_541 : vector<16xi32>
      %and3A_543 = arith.constant 511 : i32
      %and3A_544 = vector.broadcast %and3A_543 : i32 to vector<16xi32>
      %and3A_545 = arith.andi %add3A_539, %and3A_544 : vector<16xi32>
      %gather3A_546 = tpu.vector_load_idx %arg6[%shift_right_arithmetic3A_542, %and3A_545] : memref<20x512xi32, #tpu.memory_space<vmem>>[vector<16xi32>, vector<16xi32>], vector<16xi32>,
      %add3A_547 = arith.constant 120 : i32
      %add3A_548 = arith.addi %add3A_547, %scan3A_459 : i32
      %swap3A_549 = arith.constant 1 : i32
      %swap3A_550 = arith.index_cast %swap3A_549 : i32 to index
      %swap3A_551 = arith.index_cast %add3A_548 : i32 to index
      %swap3A_552 = arith.constant 16 : index
      %swap3A_553 = tpu.vector_load %arg7[%swap3A_550, %swap3A_551, %swap3A_552] {strides = array<i32>} : memref<2x160x128xi32, #tpu.memory_space<vmem>>, vector<16xi32>,
      tpu.vector_store %arg7[%swap3A_550, %swap3A_551, %swap3A_552], %gather3A_546 {strides = array<i32>} : memref<2x160x128xi32, #tpu.memory_space<vmem>>, vector<16xi32>,
      %mul3A_554 = arith.constant 256 : i32
      %mul3A_555 = arith.muli %mul3A_554, %scan3A_459 : i32
      %add3A_556 = arith.constant 64 : i32
      %add3A_557 = arith.addi %mul3A_555, %add3A_556 : i32
      %mul3A_558 = arith.constant 4 : i32
      %mul3A_559 = vector.broadcast %mul3A_558 : i32 to vector<16xi32>
      %mul3A_560 = arith.muli %mul3A_559, %and3A_6 : vector<16xi32>
      %add3A_561 = arith.addi %mul3A_560, %add3A_14 : vector<16xi32>
      %add3A_562 = vector.broadcast %add3A_557 : i32 to vector<16xi32>
      %add3A_563 = arith.addi %add3A_562, %add3A_561 : vector<16xi32>
      %shift_right_arithmetic3A_564 = arith.constant 9 : i32
      %shift_right_arithmetic3A_565 = vector.broadcast %shift_right_arithmetic3A_564 : i32 to vector<16xi32>
      %shift_right_arithmetic3A_566 = arith.shrsi %add3A_563, %shift_right_arithmetic3A_565 : vector<16xi32>
      %and3A_567 = arith.constant 511 : i32
      %and3A_568 = vector.broadcast %and3A_567 : i32 to vector<16xi32>
      %and3A_569 = arith.andi %add3A_563, %and3A_568 : vector<16xi32>
      %gather3A_570 = tpu.vector_load_idx %arg6[%shift_right_arithmetic3A_566, %and3A_569] : memref<20x512xi32, #tpu.memory_space<vmem>>[vector<16xi32>, vector<16xi32>], vector<16xi32>,
      %add3A_571 = arith.constant 120 : i32
      %add3A_572 = arith.addi %add3A_571, %scan3A_459 : i32
      %swap3A_573 = arith.constant 0 : i32
      %swap3A_574 = arith.index_cast %swap3A_573 : i32 to index
      %swap3A_575 = arith.index_cast %add3A_572 : i32 to index
      %swap3A_576 = arith.constant 32 : index
      %swap3A_577 = tpu.vector_load %arg7[%swap3A_574, %swap3A_575, %swap3A_576] {strides = array<i32>} : memref<2x160x128xi32, #tpu.memory_space<vmem>>, vector<16xi32>,
      tpu.vector_store %arg7[%swap3A_574, %swap3A_575, %swap3A_576], %gather3A_570 {strides = array<i32>} : memref<2x160x128xi32, #tpu.memory_space<vmem>>, vector<16xi32>,
      %mul3A_578 = arith.constant 256 : i32
      %mul3A_579 = arith.muli %mul3A_578, %scan3A_459 : i32
      %add3A_580 = arith.constant 64 : i32
      %add3A_581 = arith.addi %mul3A_579, %add3A_580 : i32
      %mul3A_582 = arith.constant 4 : i32
      %mul3A_583 = vector.broadcast %mul3A_582 : i32 to vector<16xi32>
      %mul3A_584 = arith.muli %mul3A_583, %and3A_6 : vector<16xi32>
      %add3A_585 = arith.addi %mul3A_584, %add3A_23 : vector<16xi32>
      %add3A_586 = vector.broadcast %add3A_581 : i32 to vector<16xi32>
      %add3A_587 = arith.addi %add3A_586, %add3A_585 : vector<16xi32>
      %shift_right_arithmetic3A_588 = arith.constant 9 : i32
      %shift_right_arithmetic3A_589 = vector.broadcast %shift_right_arithmetic3A_588 : i32 to vector<16xi32>
      %shift_right_arithmetic3A_590 = arith.shrsi %add3A_587, %shift_right_arithmetic3A_589 : vector<16xi32>
      %and3A_591 = arith.constant 511 : i32
      %and3A_592 = vector.broadcast %and3A_591 : i32 to vector<16xi32>
      %and3A_593 = arith.andi %add3A_587, %and3A_592 : vector<16xi32>
      %gather3A_594 = tpu.vector_load_idx %arg6[%shift_right_arithmetic3A_590, %and3A_593] : memref<20x512xi32, #tpu.memory_space<vmem>>[vector<16xi32>, vector<16xi32>], vector<16xi32>,
      %add3A_595 = arith.constant 120 : i32
      %add3A_596 = arith.addi %add3A_595, %scan3A_459 : i32
      %swap3A_597 = arith.constant 1 : i32
      %swap3A_598 = arith.index_cast %swap3A_597 : i32 to index
      %swap3A_599 = arith.index_cast %add3A_596 : i32 to index
      %swap3A_600 = arith.constant 32 : index
      %swap3A_601 = tpu.vector_load %arg7[%swap3A_598, %swap3A_599, %swap3A_600] {strides = array<i32>} : memref<2x160x128xi32, #tpu.memory_space<vmem>>, vector<16xi32>,
      tpu.vector_store %arg7[%swap3A_598, %swap3A_599, %swap3A_600], %gather3A_594 {strides = array<i32>} : memref<2x160x128xi32, #tpu.memory_space<vmem>>, vector<16xi32>,
      %mul3A_602 = arith.constant 256 : i32
      %mul3A_603 = arith.muli %mul3A_602, %scan3A_459 : i32
      %add3A_604 = arith.constant 96 : i32
      %add3A_605 = arith.addi %mul3A_603, %add3A_604 : i32
      %mul3A_606 = arith.constant 4 : i32
      %mul3A_607 = vector.broadcast %mul3A_606 : i32 to vector<16xi32>
      %mul3A_608 = arith.muli %mul3A_607, %and3A_6 : vector<16xi32>
      %add3A_609 = arith.addi %mul3A_608, %add3A_14 : vector<16xi32>
      %add3A_610 = vector.broadcast %add3A_605 : i32 to vector<16xi32>
      %add3A_611 = arith.addi %add3A_610, %add3A_609 : vector<16xi32>
      %shift_right_arithmetic3A_612 = arith.constant 9 : i32
      %shift_right_arithmetic3A_613 = vector.broadcast %shift_right_arithmetic3A_612 : i32 to vector<16xi32>
      %shift_right_arithmetic3A_614 = arith.shrsi %add3A_611, %shift_right_arithmetic3A_613 : vector<16xi32>
      %and3A_615 = arith.constant 511 : i32
      %and3A_616 = vector.broadcast %and3A_615 : i32 to vector<16xi32>
      %and3A_617 = arith.andi %add3A_611, %and3A_616 : vector<16xi32>
      %gather3A_618 = tpu.vector_load_idx %arg6[%shift_right_arithmetic3A_614, %and3A_617] : memref<20x512xi32, #tpu.memory_space<vmem>>[vector<16xi32>, vector<16xi32>], vector<16xi32>,
      %add3A_619 = arith.constant 120 : i32
      %add3A_620 = arith.addi %add3A_619, %scan3A_459 : i32
      %swap3A_621 = arith.constant 0 : i32
      %swap3A_622 = arith.index_cast %swap3A_621 : i32 to index
      %swap3A_623 = arith.index_cast %add3A_620 : i32 to index
      %swap3A_624 = arith.constant 48 : index
      %swap3A_625 = tpu.vector_load %arg7[%swap3A_622, %swap3A_623, %swap3A_624] {strides = array<i32>} : memref<2x160x128xi32, #tpu.memory_space<vmem>>, vector<16xi32>,
      tpu.vector_store %arg7[%swap3A_622, %swap3A_623, %swap3A_624], %gather3A_618 {strides = array<i32>} : memref<2x160x128xi32, #tpu.memory_space<vmem>>, vector<16xi32>,
      %mul3A_626 = arith.constant 256 : i32
      %mul3A_627 = arith.muli %mul3A_626, %scan3A_459 : i32
      %add3A_628 = arith.constant 96 : i32
      %add3A_629 = arith.addi %mul3A_627, %add3A_628 : i32
      %mul3A_630 = arith.constant 4 : i32
      %mul3A_631 = vector.broadcast %mul3A_630 : i32 to vector<16xi32>
      %mul3A_632 = arith.muli %mul3A_631, %and3A_6 : vector<16xi32>
      %add3A_633 = arith.addi %mul3A_632, %add3A_23 : vector<16xi32>
      %add3A_634 = vector.broadcast %add3A_629 : i32 to vector<16xi32>
      %add3A_635 = arith.addi %add3A_634, %add3A_633 : vector<16xi32>
      %shift_right_arithmetic3A_636 = arith.constant 9 : i32
      %shift_right_arithmetic3A_637 = vector.broadcast %shift_right_arithmetic3A_636 : i32 to vector<16xi32>
      %shift_right_arithmetic3A_638 = arith.shrsi %add3A_635, %shift_right_arithmetic3A_637 : vector<16xi32>
      %and3A_639 = arith.constant 511 : i32
      %and3A_640 = vector.broadcast %and3A_639 : i32 to vector<16xi32>
      %and3A_641 = arith.andi %add3A_635, %and3A_640 : vector<16xi32>
      %gather3A_642 = tpu.vector_load_idx %arg6[%shift_right_arithmetic3A_638, %and3A_641] : memref<20x512xi32, #tpu.memory_space<vmem>>[vector<16xi32>, vector<16xi32>], vector<16xi32>,
      %add3A_643 = arith.constant 120 : i32
      %add3A_644 = arith.addi %add3A_643, %scan3A_459 : i32
      %swap3A_645 = arith.constant 1 : i32
      %swap3A_646 = arith.index_cast %swap3A_645 : i32 to index
      %swap3A_647 = arith.index_cast %add3A_644 : i32 to index
      %swap3A_648 = arith.constant 48 : index
      %swap3A_649 = tpu.vector_load %arg7[%swap3A_646, %swap3A_647, %swap3A_648] {strides = array<i32>} : memref<2x160x128xi32, #tpu.memory_space<vmem>>, vector<16xi32>,
      tpu.vector_store %arg7[%swap3A_646, %swap3A_647, %swap3A_648], %gather3A_642 {strides = array<i32>} : memref<2x160x128xi32, #tpu.memory_space<vmem>>, vector<16xi32>,
      %mul3A_650 = arith.constant 256 : i32
      %mul3A_651 = arith.muli %mul3A_650, %scan3A_459 : i32
      %add3A_652 = arith.constant 128 : i32
      %add3A_653 = arith.addi %mul3A_651, %add3A_652 : i32
      %mul3A_654 = arith.constant 4 : i32
      %mul3A_655 = vector.broadcast %mul3A_654 : i32 to vector<16xi32>
      %mul3A_656 = arith.muli %mul3A_655, %and3A_6 : vector<16xi32>
      %add3A_657 = arith.addi %mul3A_656, %add3A_14 : vector<16xi32>
      %add3A_658 = vector.broadcast %add3A_653 : i32 to vector<16xi32>
      %add3A_659 = arith.addi %add3A_658, %add3A_657 : vector<16xi32>
      %shift_right_arithmetic3A_660 = arith.constant 9 : i32
      %shift_right_arithmetic3A_661 = vector.broadcast %shift_right_arithmetic3A_660 : i32 to vector<16xi32>
      %shift_right_arithmetic3A_662 = arith.shrsi %add3A_659, %shift_right_arithmetic3A_661 : vector<16xi32>
      %and3A_663 = arith.constant 511 : i32
      %and3A_664 = vector.broadcast %and3A_663 : i32 to vector<16xi32>
      %and3A_665 = arith.andi %add3A_659, %and3A_664 : vector<16xi32>
      %gather3A_666 = tpu.vector_load_idx %arg6[%shift_right_arithmetic3A_662, %and3A_665] : memref<20x512xi32, #tpu.memory_space<vmem>>[vector<16xi32>, vector<16xi32>], vector<16xi32>,
      %add3A_667 = arith.constant 120 : i32
      %add3A_668 = arith.addi %add3A_667, %scan3A_459 : i32
      %swap3A_669 = arith.constant 0 : i32
      %swap3A_670 = arith.index_cast %swap3A_669 : i32 to index
      %swap3A_671 = arith.index_cast %add3A_668 : i32 to index
      %swap3A_672 = arith.constant 64 : index
      %swap3A_673 = tpu.vector_load %arg7[%swap3A_670, %swap3A_671, %swap3A_672] {strides = array<i32>} : memref<2x160x128xi32, #tpu.memory_space<vmem>>, vector<16xi32>,
      tpu.vector_store %arg7[%swap3A_670, %swap3A_671, %swap3A_672], %gather3A_666 {strides = array<i32>} : memref<2x160x128xi32, #tpu.memory_space<vmem>>, vector<16xi32>,
      %mul3A_674 = arith.constant 256 : i32
      %mul3A_675 = arith.muli %mul3A_674, %scan3A_459 : i32
      %add3A_676 = arith.constant 128 : i32
      %add3A_677 = arith.addi %mul3A_675, %add3A_676 : i32
      %mul3A_678 = arith.constant 4 : i32
      %mul3A_679 = vector.broadcast %mul3A_678 : i32 to vector<16xi32>
      %mul3A_680 = arith.muli %mul3A_679, %and3A_6 : vector<16xi32>
      %add3A_681 = arith.addi %mul3A_680, %add3A_23 : vector<16xi32>
      %add3A_682 = vector.broadcast %add3A_677 : i32 to vector<16xi32>
      %add3A_683 = arith.addi %add3A_682, %add3A_681 : vector<16xi32>
      %shift_right_arithmetic3A_684 = arith.constant 9 : i32
      %shift_right_arithmetic3A_685 = vector.broadcast %shift_right_arithmetic3A_684 : i32 to vector<16xi32>
      %shift_right_arithmetic3A_686 = arith.shrsi %add3A_683, %shift_right_arithmetic3A_685 : vector<16xi32>
      %and3A_687 = arith.constant 511 : i32
      %and3A_688 = vector.broadcast %and3A_687 : i32 to vector<16xi32>
      %and3A_689 = arith.andi %add3A_683, %and3A_688 : vector<16xi32>
      %gather3A_690 = tpu.vector_load_idx %arg6[%shift_right_arithmetic3A_686, %and3A_689] : memref<20x512xi32, #tpu.memory_space<vmem>>[vector<16xi32>, vector<16xi32>], vector<16xi32>,
      %add3A_691 = arith.constant 120 : i32
      %add3A_692 = arith.addi %add3A_691, %scan3A_459 : i32
      %swap3A_693 = arith.constant 1 : i32
      %swap3A_694 = arith.index_cast %swap3A_693 : i32 to index
      %swap3A_695 = arith.index_cast %add3A_692 : i32 to index
      %swap3A_696 = arith.constant 64 : index
      %swap3A_697 = tpu.vector_load %arg7[%swap3A_694, %swap3A_695, %swap3A_696] {strides = array<i32>} : memref<2x160x128xi32, #tpu.memory_space<vmem>>, vector<16xi32>,
      tpu.vector_store %arg7[%swap3A_694, %swap3A_695, %swap3A_696], %gather3A_690 {strides = array<i32>} : memref<2x160x128xi32, #tpu.memory_space<vmem>>, vector<16xi32>,
      %mul3A_698 = arith.constant 256 : i32
      %mul3A_699 = arith.muli %mul3A_698, %scan3A_459 : i32
      %add3A_700 = arith.constant 160 : i32
      %add3A_701 = arith.addi %mul3A_699, %add3A_700 : i32
      %mul3A_702 = arith.constant 4 : i32
      %mul3A_703 = vector.broadcast %mul3A_702 : i32 to vector<16xi32>
      %mul3A_704 = arith.muli %mul3A_703, %and3A_6 : vector<16xi32>
      %add3A_705 = arith.addi %mul3A_704, %add3A_14 : vector<16xi32>
      %add3A_706 = vector.broadcast %add3A_701 : i32 to vector<16xi32>
      %add3A_707 = arith.addi %add3A_706, %add3A_705 : vector<16xi32>
      %shift_right_arithmetic3A_708 = arith.constant 9 : i32
      %shift_right_arithmetic3A_709 = vector.broadcast %shift_right_arithmetic3A_708 : i32 to vector<16xi32>
      %shift_right_arithmetic3A_710 = arith.shrsi %add3A_707, %shift_right_arithmetic3A_709 : vector<16xi32>
      %and3A_711 = arith.constant 511 : i32
      %and3A_712 = vector.broadcast %and3A_711 : i32 to vector<16xi32>
      %and3A_713 = arith.andi %add3A_707, %and3A_712 : vector<16xi32>
      %gather3A_714 = tpu.vector_load_idx %arg6[%shift_right_arithmetic3A_710, %and3A_713] : memref<20x512xi32, #tpu.memory_space<vmem>>[vector<16xi32>, vector<16xi32>], vector<16xi32>,
      %add3A_715 = arith.constant 120 : i32
      %add3A_716 = arith.addi %add3A_715, %scan3A_459 : i32
      %swap3A_717 = arith.constant 0 : i32
      %swap3A_718 = arith.index_cast %swap3A_717 : i32 to index
      %swap3A_719 = arith.index_cast %add3A_716 : i32 to index
      %swap3A_720 = arith.constant 80 : index
      %swap3A_721 = tpu.vector_load %arg7[%swap3A_718, %swap3A_719, %swap3A_720] {strides = array<i32>} : memref<2x160x128xi32, #tpu.memory_space<vmem>>, vector<16xi32>,
      tpu.vector_store %arg7[%swap3A_718, %swap3A_719, %swap3A_720], %gather3A_714 {strides = array<i32>} : memref<2x160x128xi32, #tpu.memory_space<vmem>>, vector<16xi32>,
      %mul3A_722 = arith.constant 256 : i32
      %mul3A_723 = arith.muli %mul3A_722, %scan3A_459 : i32
      %add3A_724 = arith.constant 160 : i32
      %add3A_725 = arith.addi %mul3A_723, %add3A_724 : i32
      %mul3A_726 = arith.constant 4 : i32
      %mul3A_727 = vector.broadcast %mul3A_726 : i32 to vector<16xi32>
      %mul3A_728 = arith.muli %mul3A_727, %and3A_6 : vector<16xi32>
      %add3A_729 = arith.addi %mul3A_728, %add3A_23 : vector<16xi32>
      %add3A_730 = vector.broadcast %add3A_725 : i32 to vector<16xi32>
      %add3A_731 = arith.addi %add3A_730, %add3A_729 : vector<16xi32>
      %shift_right_arithmetic3A_732 = arith.constant 9 : i32
      %shift_right_arithmetic3A_733 = vector.broadcast %shift_right_arithmetic3A_732 : i32 to vector<16xi32>
      %shift_right_arithmetic3A_734 = arith.shrsi %add3A_731, %shift_right_arithmetic3A_733 : vector<16xi32>
      %and3A_735 = arith.constant 511 : i32
      %and3A_736 = vector.broadcast %and3A_735 : i32 to vector<16xi32>
      %and3A_737 = arith.andi %add3A_731, %and3A_736 : vector<16xi32>
      %gather3A_738 = tpu.vector_load_idx %arg6[%shift_right_arithmetic3A_734, %and3A_737] : memref<20x512xi32, #tpu.memory_space<vmem>>[vector<16xi32>, vector<16xi32>], vector<16xi32>,
      %add3A_739 = arith.constant 120 : i32
      %add3A_740 = arith.addi %add3A_739, %scan3A_459 : i32
      %swap3A_741 = arith.constant 1 : i32
      %swap3A_742 = arith.index_cast %swap3A_741 : i32 to index
      %swap3A_743 = arith.index_cast %add3A_740 : i32 to index
      %swap3A_744 = arith.constant 80 : index
      %swap3A_745 = tpu.vector_load %arg7[%swap3A_742, %swap3A_743, %swap3A_744] {strides = array<i32>} : memref<2x160x128xi32, #tpu.memory_space<vmem>>, vector<16xi32>,
      tpu.vector_store %arg7[%swap3A_742, %swap3A_743, %swap3A_744], %gather3A_738 {strides = array<i32>} : memref<2x160x128xi32, #tpu.memory_space<vmem>>, vector<16xi32>,
      %mul3A_746 = arith.constant 256 : i32
      %mul3A_747 = arith.muli %mul3A_746, %scan3A_459 : i32
      %add3A_748 = arith.constant 192 : i32
      %add3A_749 = arith.addi %mul3A_747, %add3A_748 : i32
      %mul3A_750 = arith.constant 4 : i32
      %mul3A_751 = vector.broadcast %mul3A_750 : i32 to vector<16xi32>
      %mul3A_752 = arith.muli %mul3A_751, %and3A_6 : vector<16xi32>
      %add3A_753 = arith.addi %mul3A_752, %add3A_14 : vector<16xi32>
      %add3A_754 = vector.broadcast %add3A_749 : i32 to vector<16xi32>
      %add3A_755 = arith.addi %add3A_754, %add3A_753 : vector<16xi32>
      %shift_right_arithmetic3A_756 = arith.constant 9 : i32
      %shift_right_arithmetic3A_757 = vector.broadcast %shift_right_arithmetic3A_756 : i32 to vector<16xi32>
      %shift_right_arithmetic3A_758 = arith.shrsi %add3A_755, %shift_right_arithmetic3A_757 : vector<16xi32>
      %and3A_759 = arith.constant 511 : i32
      %and3A_760 = vector.broadcast %and3A_759 : i32 to vector<16xi32>
      %and3A_761 = arith.andi %add3A_755, %and3A_760 : vector<16xi32>
      %gather3A_762 = tpu.vector_load_idx %arg6[%shift_right_arithmetic3A_758, %and3A_761] : memref<20x512xi32, #tpu.memory_space<vmem>>[vector<16xi32>, vector<16xi32>], vector<16xi32>,
      %add3A_763 = arith.constant 120 : i32
      %add3A_764 = arith.addi %add3A_763, %scan3A_459 : i32
      %swap3A_765 = arith.constant 0 : i32
      %swap3A_766 = arith.index_cast %swap3A_765 : i32 to index
      %swap3A_767 = arith.index_cast %add3A_764 : i32 to index
      %swap3A_768 = arith.constant 96 : index
      %swap3A_769 = tpu.vector_load %arg7[%swap3A_766, %swap3A_767, %swap3A_768] {strides = array<i32>} : memref<2x160x128xi32, #tpu.memory_space<vmem>>, vector<16xi32>,
      tpu.vector_store %arg7[%swap3A_766, %swap3A_767, %swap3A_768], %gather3A_762 {strides = array<i32>} : memref<2x160x128xi32, #tpu.memory_space<vmem>>, vector<16xi32>,
      %mul3A_770 = arith.constant 256 : i32
      %mul3A_771 = arith.muli %mul3A_770, %scan3A_459 : i32
      %add3A_772 = arith.constant 192 : i32
      %add3A_773 = arith.addi %mul3A_771, %add3A_772 : i32
      %mul3A_774 = arith.constant 4 : i32
      %mul3A_775 = vector.broadcast %mul3A_774 : i32 to vector<16xi32>
      %mul3A_776 = arith.muli %mul3A_775, %and3A_6 : vector<16xi32>
      %add3A_777 = arith.addi %mul3A_776, %add3A_23 : vector<16xi32>
      %add3A_778 = vector.broadcast %add3A_773 : i32 to vector<16xi32>
      %add3A_779 = arith.addi %add3A_778, %add3A_777 : vector<16xi32>
      %shift_right_arithmetic3A_780 = arith.constant 9 : i32
      %shift_right_arithmetic3A_781 = vector.broadcast %shift_right_arithmetic3A_780 : i32 to vector<16xi32>
      %shift_right_arithmetic3A_782 = arith.shrsi %add3A_779, %shift_right_arithmetic3A_781 : vector<16xi32>
      %and3A_783 = arith.constant 511 : i32
      %and3A_784 = vector.broadcast %and3A_783 : i32 to vector<16xi32>
      %and3A_785 = arith.andi %add3A_779, %and3A_784 : vector<16xi32>
      %gather3A_786 = tpu.vector_load_idx %arg6[%shift_right_arithmetic3A_782, %and3A_785] : memref<20x512xi32, #tpu.memory_space<vmem>>[vector<16xi32>, vector<16xi32>], vector<16xi32>,
      %add3A_787 = arith.constant 120 : i32
      %add3A_788 = arith.addi %add3A_787, %scan3A_459 : i32
      %swap3A_789 = arith.constant 1 : i32
      %swap3A_790 = arith.index_cast %swap3A_789 : i32 to index
      %swap3A_791 = arith.index_cast %add3A_788 : i32 to index
      %swap3A_792 = arith.constant 96 : index
      %swap3A_793 = tpu.vector_load %arg7[%swap3A_790, %swap3A_791, %swap3A_792] {strides = array<i32>} : memref<2x160x128xi32, #tpu.memory_space<vmem>>, vector<16xi32>,
      tpu.vector_store %arg7[%swap3A_790, %swap3A_791, %swap3A_792], %gather3A_786 {strides = array<i32>} : memref<2x160x128xi32, #tpu.memory_space<vmem>>, vector<16xi32>,
      %mul3A_794 = arith.constant 256 : i32
      %mul3A_795 = arith.muli %mul3A_794, %scan3A_459 : i32
      %add3A_796 = arith.constant 224 : i32
      %add3A_797 = arith.addi %mul3A_795, %add3A_796 : i32
      %mul3A_798 = arith.constant 4 : i32
      %mul3A_799 = vector.broadcast %mul3A_798 : i32 to vector<16xi32>
      %mul3A_800 = arith.muli %mul3A_799, %and3A_6 : vector<16xi32>
      %add3A_801 = arith.addi %mul3A_800, %add3A_14 : vector<16xi32>
      %add3A_802 = vector.broadcast %add3A_797 : i32 to vector<16xi32>
      %add3A_803 = arith.addi %add3A_802, %add3A_801 : vector<16xi32>
      %shift_right_arithmetic3A_804 = arith.constant 9 : i32
      %shift_right_arithmetic3A_805 = vector.broadcast %shift_right_arithmetic3A_804 : i32 to vector<16xi32>
      %shift_right_arithmetic3A_806 = arith.shrsi %add3A_803, %shift_right_arithmetic3A_805 : vector<16xi32>
      %and3A_807 = arith.constant 511 : i32
      %and3A_808 = vector.broadcast %and3A_807 : i32 to vector<16xi32>
      %and3A_809 = arith.andi %add3A_803, %and3A_808 : vector<16xi32>
      %gather3A_810 = tpu.vector_load_idx %arg6[%shift_right_arithmetic3A_806, %and3A_809] : memref<20x512xi32, #tpu.memory_space<vmem>>[vector<16xi32>, vector<16xi32>], vector<16xi32>,
      %add3A_811 = arith.constant 120 : i32
      %add3A_812 = arith.addi %add3A_811, %scan3A_459 : i32
      %swap3A_813 = arith.constant 0 : i32
      %swap3A_814 = arith.index_cast %swap3A_813 : i32 to index
      %swap3A_815 = arith.index_cast %add3A_812 : i32 to index
      %swap3A_816 = arith.constant 112 : index
      %swap3A_817 = tpu.vector_load %arg7[%swap3A_814, %swap3A_815, %swap3A_816] {strides = array<i32>} : memref<2x160x128xi32, #tpu.memory_space<vmem>>, vector<16xi32>,
      tpu.vector_store %arg7[%swap3A_814, %swap3A_815, %swap3A_816], %gather3A_810 {strides = array<i32>} : memref<2x160x128xi32, #tpu.memory_space<vmem>>, vector<16xi32>,
      %mul3A_818 = arith.constant 256 : i32
      %mul3A_819 = arith.muli %mul3A_818, %scan3A_459 : i32
      %add3A_820 = arith.constant 224 : i32
      %add3A_821 = arith.addi %mul3A_819, %add3A_820 : i32
      %mul3A_822 = arith.constant 4 : i32
      %mul3A_823 = vector.broadcast %mul3A_822 : i32 to vector<16xi32>
      %mul3A_824 = arith.muli %mul3A_823, %and3A_6 : vector<16xi32>
      %add3A_825 = arith.addi %mul3A_824, %add3A_23 : vector<16xi32>
      %add3A_826 = vector.broadcast %add3A_821 : i32 to vector<16xi32>
      %add3A_827 = arith.addi %add3A_826, %add3A_825 : vector<16xi32>
      %shift_right_arithmetic3A_828 = arith.constant 9 : i32
      %shift_right_arithmetic3A_829 = vector.broadcast %shift_right_arithmetic3A_828 : i32 to vector<16xi32>
      %shift_right_arithmetic3A_830 = arith.shrsi %add3A_827, %shift_right_arithmetic3A_829 : vector<16xi32>
      %and3A_831 = arith.constant 511 : i32
      %and3A_832 = vector.broadcast %and3A_831 : i32 to vector<16xi32>
      %and3A_833 = arith.andi %add3A_827, %and3A_832 : vector<16xi32>
      %gather3A_834 = tpu.vector_load_idx %arg6[%shift_right_arithmetic3A_830, %and3A_833] : memref<20x512xi32, #tpu.memory_space<vmem>>[vector<16xi32>, vector<16xi32>], vector<16xi32>,
      %add3A_835 = arith.constant 120 : i32
      %add3A_836 = arith.addi %add3A_835, %scan3A_459 : i32
      %swap3A_837 = arith.constant 1 : i32
      %swap3A_838 = arith.index_cast %swap3A_837 : i32 to index
      %swap3A_839 = arith.index_cast %add3A_836 : i32 to index
      %swap3A_840 = arith.constant 112 : index
      %swap3A_841 = tpu.vector_load %arg7[%swap3A_838, %swap3A_839, %swap3A_840] {strides = array<i32>} : memref<2x160x128xi32, #tpu.memory_space<vmem>>, vector<16xi32>,
      tpu.vector_store %arg7[%swap3A_838, %swap3A_839, %swap3A_840], %gather3A_834 {strides = array<i32>} : memref<2x160x128xi32, #tpu.memory_space<vmem>>, vector<16xi32>,
    }
    %scan3A_62 = arith.constant 40 : i32
    %barrier3A = arith.constant 0 : index
    tpu.barrier barrier_id(%barrier3A)
    %dma_start3A = arith.constant 0 : i32
    %dma_start3A_63 = arith.constant 0 : i32
    %dma_start3A_64 = arith.constant 0 : i32
    %dma_start3A_65 = arith.constant 0 : i32
    %dma_start3A_66 = arith.constant 0 : i32
    %dma_start3A_67 = arith.constant 0 : i32
    %dma_start3A_68 = arith.constant 0 : i32
    %dma_start3A_69 = tpu.memref_slice %arg8[%dma_start3A_64, %dma_start3A_66, %dma_start3A_67, %dma_start3A_68] : memref<2x2x128x64xf32, #tpu.memory_space<vmem>> -> memref<1x2x128x64xf32, #tpu.memory_space<vmem>>
    %dma_start3A_70 = tpu.memref_squeeze %dma_start3A_69 : memref<1x2x128x64xf32, #tpu.memory_space<vmem>> -> memref<2x128x64xf32, #tpu.memory_space<vmem>>
    %dma_start3A_71 = arith.constant 0 : i32
    %dma_start3A_72 = arith.constant 0 : i32
    %dma_start3A_73 = tpu.memref_slice %dma_start3A_70[%dma_start3A_65, %dma_start3A_71, %dma_start3A_72] : memref<2x128x64xf32, #tpu.memory_space<vmem>> -> memref<1x128x64xf32, #tpu.memory_space<vmem>>
    %dma_start3A_74 = tpu.memref_squeeze %dma_start3A_73 : memref<1x128x64xf32, #tpu.memory_space<vmem>> -> memref<128x64xf32, #tpu.memory_space<vmem>>
    %dma_start3A_75 = arith.constant 0 : i32
    %dma_start3A_76 = arith.constant 0 : i32
    %dma_start3A_77 = tpu.memref_slice %arg7[%dma_start3A, %dma_start3A_75, %dma_start3A_76] : memref<2x160x128xi32, #tpu.memory_space<vmem>> -> memref<1x160x128xi32, #tpu.memory_space<vmem>>
    %dma_start3A_78 = tpu.memref_squeeze %dma_start3A_77 : memref<1x160x128xi32, #tpu.memory_space<vmem>> -> memref<160x128xi32, #tpu.memory_space<vmem>>
    %dma_start3A_79 = arith.constant 0 : i32
    %dma_start3A_80 = tpu.memref_slice %dma_start3A_78[%dma_start3A_63, %dma_start3A_79] : memref<160x128xi32, #tpu.memory_space<vmem>> -> memref<1x128xi32, #tpu.memory_space<vmem>>
    %dma_start3A_81 = tpu.memref_squeeze %dma_start3A_80 : memref<1x128xi32, #tpu.memory_space<vmem>> -> memref<128xi32, #tpu.memory_space<vmem>>
    %dma_start3A_82 = arith.constant 0 : i32
    %dma_start3A_83 = arith.constant 0 : i32
    %dma_start3A_84 = tpu.memref_slice %arg5[%dma_start3A_82, %dma_start3A_83] : memref<128x64xf32, #tpu.memory_space<vmem_shared>> -> memref<128x64xf32, #tpu.memory_space<vmem_shared>>
    tpu.enqueue_indirect_dma source(%dma_start3A_84 : memref<128x64xf32, #tpu.memory_space<vmem_shared>>) target(%dma_start3A_74 : memref<128x64xf32, #tpu.memory_space<vmem>>) offsets(%dma_start3A_81 : memref<128xi32, #tpu.memory_space<vmem>>) semaphore(%arg9 : memref<!tpu.dma_semaphore, #tpu.memory_space<semaphore_mem>>)
    %dma_start3A_85 = arith.constant 1 : i32
    %dma_start3A_86 = arith.constant 0 : i32
    %dma_start3A_87 = arith.constant 1 : i32
    %dma_start3A_88 = arith.constant 0 : i32
    %dma_start3A_89 = arith.constant 0 : i32
    %dma_start3A_90 = arith.constant 0 : i32
    %dma_start3A_91 = arith.constant 0 : i32
    %dma_start3A_92 = tpu.memref_slice %arg8[%dma_start3A_87, %dma_start3A_89, %dma_start3A_90, %dma_start3A_91] : memref<2x2x128x64xf32, #tpu.memory_space<vmem>> -> memref<1x2x128x64xf32, #tpu.memory_space<vmem>>
    %dma_start3A_93 = tpu.memref_squeeze %dma_start3A_92 : memref<1x2x128x64xf32, #tpu.memory_space<vmem>> -> memref<2x128x64xf32, #tpu.memory_space<vmem>>
    %dma_start3A_94 = arith.constant 0 : i32
    %dma_start3A_95 = arith.constant 0 : i32
    %dma_start3A_96 = tpu.memref_slice %dma_start3A_93[%dma_start3A_88, %dma_start3A_94, %dma_start3A_95] : memref<2x128x64xf32, #tpu.memory_space<vmem>> -> memref<1x128x64xf32, #tpu.memory_space<vmem>>
    %dma_start3A_97 = tpu.memref_squeeze %dma_start3A_96 : memref<1x128x64xf32, #tpu.memory_space<vmem>> -> memref<128x64xf32, #tpu.memory_space<vmem>>
    %dma_start3A_98 = arith.constant 0 : i32
    %dma_start3A_99 = arith.constant 0 : i32
    %dma_start3A_100 = tpu.memref_slice %arg7[%dma_start3A_85, %dma_start3A_98, %dma_start3A_99] : memref<2x160x128xi32, #tpu.memory_space<vmem>> -> memref<1x160x128xi32, #tpu.memory_space<vmem>>
    %dma_start3A_101 = tpu.memref_squeeze %dma_start3A_100 : memref<1x160x128xi32, #tpu.memory_space<vmem>> -> memref<160x128xi32, #tpu.memory_space<vmem>>
    %dma_start3A_102 = arith.constant 0 : i32
    %dma_start3A_103 = tpu.memref_slice %dma_start3A_101[%dma_start3A_86, %dma_start3A_102] : memref<160x128xi32, #tpu.memory_space<vmem>> -> memref<1x128xi32, #tpu.memory_space<vmem>>
    %dma_start3A_104 = tpu.memref_squeeze %dma_start3A_103 : memref<1x128xi32, #tpu.memory_space<vmem>> -> memref<128xi32, #tpu.memory_space<vmem>>
    %dma_start3A_105 = arith.constant 0 : i32
    %dma_start3A_106 = arith.constant 0 : i32
    %dma_start3A_107 = tpu.memref_slice %arg5[%dma_start3A_105, %dma_start3A_106] : memref<128x64xf32, #tpu.memory_space<vmem_shared>> -> memref<128x64xf32, #tpu.memory_space<vmem_shared>>
    tpu.enqueue_indirect_dma source(%dma_start3A_107 : memref<128x64xf32, #tpu.memory_space<vmem_shared>>) target(%dma_start3A_97 : memref<128x64xf32, #tpu.memory_space<vmem>>) offsets(%dma_start3A_104 : memref<128xi32, #tpu.memory_space<vmem>>) semaphore(%arg9 : memref<!tpu.dma_semaphore, #tpu.memory_space<semaphore_mem>>)
    %dma_wait3A = arith.constant 0 : i32
    %dma_wait3A_108 = arith.constant 0 : i32
    %dma_wait3A_109 = arith.constant 0 : i32
    %dma_wait3A_110 = arith.constant 0 : i32
    %dma_wait3A_111 = arith.constant 0 : i32
    %dma_wait3A_112 = arith.constant 0 : i32
    %dma_wait3A_113 = arith.constant 0 : i32
    %dma_wait3A_114 = tpu.memref_slice %arg8[%dma_wait3A_109, %dma_wait3A_111, %dma_wait3A_112, %dma_wait3A_113] : memref<2x2x128x64xf32, #tpu.memory_space<vmem>> -> memref<1x2x128x64xf32, #tpu.memory_space<vmem>>
    %dma_wait3A_115 = tpu.memref_squeeze %dma_wait3A_114 : memref<1x2x128x64xf32, #tpu.memory_space<vmem>> -> memref<2x128x64xf32, #tpu.memory_space<vmem>>
    %dma_wait3A_116 = arith.constant 0 : i32
    %dma_wait3A_117 = arith.constant 0 : i32
    %dma_wait3A_118 = tpu.memref_slice %dma_wait3A_115[%dma_wait3A_110, %dma_wait3A_116, %dma_wait3A_117] : memref<2x128x64xf32, #tpu.memory_space<vmem>> -> memref<1x128x64xf32, #tpu.memory_space<vmem>>
    %dma_wait3A_119 = tpu.memref_squeeze %dma_wait3A_118 : memref<1x128x64xf32, #tpu.memory_space<vmem>> -> memref<128x64xf32, #tpu.memory_space<vmem>>
    %dma_wait3A_120 = arith.constant 0 : i32
    %dma_wait3A_121 = arith.constant 0 : i32
    %dma_wait3A_122 = tpu.memref_slice %arg7[%dma_wait3A, %dma_wait3A_120, %dma_wait3A_121] : memref<2x160x128xi32, #tpu.memory_space<vmem>> -> memref<1x160x128xi32, #tpu.memory_space<vmem>>
    %dma_wait3A_123 = tpu.memref_squeeze %dma_wait3A_122 : memref<1x160x128xi32, #tpu.memory_space<vmem>> -> memref<160x128xi32, #tpu.memory_space<vmem>>
    %dma_wait3A_124 = arith.constant 0 : i32
    %dma_wait3A_125 = tpu.memref_slice %dma_wait3A_123[%dma_wait3A_108, %dma_wait3A_124] : memref<160x128xi32, #tpu.memory_space<vmem>> -> memref<1x128xi32, #tpu.memory_space<vmem>>
    %dma_wait3A_126 = tpu.memref_squeeze %dma_wait3A_125 : memref<1x128xi32, #tpu.memory_space<vmem>> -> memref<128xi32, #tpu.memory_space<vmem>>
    %dma_wait3A_127 = arith.constant 0 : i32
    %dma_wait3A_128 = arith.constant 0 : i32
    %dma_wait3A_129 = tpu.memref_slice %arg5[%dma_wait3A_127, %dma_wait3A_128] : memref<128x64xf32, #tpu.memory_space<vmem_shared>> -> memref<128x64xf32, #tpu.memory_space<vmem_shared>>
    tpu.wait_indirect_dma semaphore(%arg9 : memref<!tpu.dma_semaphore, #tpu.memory_space<semaphore_mem>>) src(%dma_wait3A_129 : memref<128x64xf32, #tpu.memory_space<vmem_shared>>) dst(%dma_wait3A_119 : memref<128x64xf32, #tpu.memory_space<vmem>>)
    %dma_wait3A_130 = arith.constant 1 : i32
    %dma_wait3A_131 = arith.constant 0 : i32
    %dma_wait3A_132 = arith.constant 1 : i32
    %dma_wait3A_133 = arith.constant 0 : i32
    %dma_wait3A_134 = arith.constant 0 : i32
    %dma_wait3A_135 = arith.constant 0 : i32
    %dma_wait3A_136 = arith.constant 0 : i32
    %dma_wait3A_137 = tpu.memref_slice %arg8[%dma_wait3A_132, %dma_wait3A_134, %dma_wait3A_135, %dma_wait3A_136] : memref<2x2x128x64xf32, #tpu.memory_space<vmem>> -> memref<1x2x128x64xf32, #tpu.memory_space<vmem>>
    %dma_wait3A_138 = tpu.memref_squeeze %dma_wait3A_137 : memref<1x2x128x64xf32, #tpu.memory_space<vmem>> -> memref<2x128x64xf32, #tpu.memory_space<vmem>>
    %dma_wait3A_139 = arith.constant 0 : i32
    %dma_wait3A_140 = arith.constant 0 : i32
    %dma_wait3A_141 = tpu.memref_slice %dma_wait3A_138[%dma_wait3A_133, %dma_wait3A_139, %dma_wait3A_140] : memref<2x128x64xf32, #tpu.memory_space<vmem>> -> memref<1x128x64xf32, #tpu.memory_space<vmem>>
    %dma_wait3A_142 = tpu.memref_squeeze %dma_wait3A_141 : memref<1x128x64xf32, #tpu.memory_space<vmem>> -> memref<128x64xf32, #tpu.memory_space<vmem>>
    %dma_wait3A_143 = arith.constant 0 : i32
    %dma_wait3A_144 = arith.constant 0 : i32
    %dma_wait3A_145 = tpu.memref_slice %arg7[%dma_wait3A_130, %dma_wait3A_143, %dma_wait3A_144] : memref<2x160x128xi32, #tpu.memory_space<vmem>> -> memref<1x160x128xi32, #tpu.memory_space<vmem>>
    %dma_wait3A_146 = tpu.memref_squeeze %dma_wait3A_145 : memref<1x160x128xi32, #tpu.memory_space<vmem>> -> memref<160x128xi32, #tpu.memory_space<vmem>>
    %dma_wait3A_147 = arith.constant 0 : i32
    %dma_wait3A_148 = tpu.memref_slice %dma_wait3A_146[%dma_wait3A_131, %dma_wait3A_147] : memref<160x128xi32, #tpu.memory_space<vmem>> -> memref<1x128xi32, #tpu.memory_space<vmem>>
    %dma_wait3A_149 = tpu.memref_squeeze %dma_wait3A_148 : memref<1x128xi32, #tpu.memory_space<vmem>> -> memref<128xi32, #tpu.memory_space<vmem>>
    %dma_wait3A_150 = arith.constant 0 : i32
    %dma_wait3A_151 = arith.constant 0 : i32
    %dma_wait3A_152 = tpu.memref_slice %arg5[%dma_wait3A_150, %dma_wait3A_151] : memref<128x64xf32, #tpu.memory_space<vmem_shared>> -> memref<128x64xf32, #tpu.memory_space<vmem_shared>>
    tpu.wait_indirect_dma semaphore(%arg9 : memref<!tpu.dma_semaphore, #tpu.memory_space<semaphore_mem>>) src(%dma_wait3A_152 : memref<128x64xf32, #tpu.memory_space<vmem_shared>>) dst(%dma_wait3A_142 : memref<128x64xf32, #tpu.memory_space<vmem>>)
    %add3A_153 = arith.constant 0 : i32
    %add3A_154 = arith.addi %mul3A_4, %add3A_153 : i32
    %dma_start3A_155 = arith.constant 0 : i32
    %dma_start3A_156 = arith.constant 0 : i32
    %dma_start3A_157 = arith.constant 0 : i32
    %dma_start3A_158 = arith.constant 0 : i32
    %dma_start3A_159 = arith.constant 0 : i32
    %dma_start3A_160 = tpu.memref_slice %arg8[%dma_start3A_155, %dma_start3A_157, %dma_start3A_158, %dma_start3A_159] : memref<2x2x128x64xf32, #tpu.memory_space<vmem>> -> memref<1x2x128x64xf32, #tpu.memory_space<vmem>>
    %dma_start3A_161 = tpu.memref_squeeze %dma_start3A_160 : memref<1x2x128x64xf32, #tpu.memory_space<vmem>> -> memref<2x128x64xf32, #tpu.memory_space<vmem>>
    %dma_start3A_162 = arith.constant 0 : i32
    %dma_start3A_163 = arith.constant 0 : i32
    %dma_start3A_164 = tpu.memref_slice %dma_start3A_161[%dma_start3A_156, %dma_start3A_162, %dma_start3A_163] : memref<2x128x64xf32, #tpu.memory_space<vmem>> -> memref<1x128x64xf32, #tpu.memory_space<vmem>>
    %dma_start3A_165 = tpu.memref_squeeze %dma_start3A_164 : memref<1x128x64xf32, #tpu.memory_space<vmem>> -> memref<128x64xf32, #tpu.memory_space<vmem>>
    %dma_start3A_166 = arith.constant 0 : i32
    %dma_start3A_167 = tpu.memref_slice %arg4[%add3A_154, %dma_start3A_166] : memref<655360x128xf32, #tpu.memory_space<hbm>> -> memref<128x64xf32, #tpu.memory_space<hbm>>
    %dma_start3A_168 = arith.constant 0 : i32
    %dma_start3A_169 = tpu.memref_slice %arg4[%add3A_154, %dma_start3A_168] : memref<655360x128xf32, #tpu.memory_space<hbm>> -> memref<128x64xf32, #tpu.memory_space<hbm>>
    %dma_start3A_170 = arith.constant 0 : i32
    %dma_start3A_171 = arith.constant 0 : i32
    %dma_start3A_172 = arith.constant 0 : i32
    %dma_start3A_173 = tpu.memref_slice %arg8[%dma_start3A_155, %dma_start3A_170, %dma_start3A_171, %dma_start3A_172] : memref<2x2x128x64xf32, #tpu.memory_space<vmem>> -> memref<1x2x128x64xf32, #tpu.memory_space<vmem>>
    %dma_start3A_174 = tpu.memref_squeeze %dma_start3A_173 : memref<1x2x128x64xf32, #tpu.memory_space<vmem>> -> memref<2x128x64xf32, #tpu.memory_space<vmem>>
    %dma_start3A_175 = arith.constant 0 : i32
    %dma_start3A_176 = arith.constant 0 : i32
    %dma_start3A_177 = tpu.memref_slice %dma_start3A_174[%dma_start3A_156, %dma_start3A_175, %dma_start3A_176] : memref<2x128x64xf32, #tpu.memory_space<vmem>> -> memref<1x128x64xf32, #tpu.memory_space<vmem>>
    %dma_start3A_178 = tpu.memref_squeeze %dma_start3A_177 : memref<1x128x64xf32, #tpu.memory_space<vmem>> -> memref<128x64xf32, #tpu.memory_space<vmem>>
    tpu.enqueue_dma source(%dma_start3A_178 : memref<128x64xf32, #tpu.memory_space<vmem>>) target(%dma_start3A_169 : memref<128x64xf32, #tpu.memory_space<hbm>>) target_semaphore(%arg11 : memref<!tpu.dma_semaphore, #tpu.memory_space<semaphore_mem>>)
    %add3A_179 = arith.constant 0 : i32
    %add3A_180 = arith.addi %mul3A_4, %add3A_179 : i32
    %dma_start3A_181 = arith.constant 1 : i32
    %dma_start3A_182 = arith.constant 0 : i32
    %dma_start3A_183 = arith.constant 0 : i32
    %dma_start3A_184 = arith.constant 0 : i32
    %dma_start3A_185 = arith.constant 0 : i32
    %dma_start3A_186 = tpu.memref_slice %arg8[%dma_start3A_181, %dma_start3A_183, %dma_start3A_184, %dma_start3A_185] : memref<2x2x128x64xf32, #tpu.memory_space<vmem>> -> memref<1x2x128x64xf32, #tpu.memory_space<vmem>>
    %dma_start3A_187 = tpu.memref_squeeze %dma_start3A_186 : memref<1x2x128x64xf32, #tpu.memory_space<vmem>> -> memref<2x128x64xf32, #tpu.memory_space<vmem>>
    %dma_start3A_188 = arith.constant 0 : i32
    %dma_start3A_189 = arith.constant 0 : i32
    %dma_start3A_190 = tpu.memref_slice %dma_start3A_187[%dma_start3A_182, %dma_start3A_188, %dma_start3A_189] : memref<2x128x64xf32, #tpu.memory_space<vmem>> -> memref<1x128x64xf32, #tpu.memory_space<vmem>>
    %dma_start3A_191 = tpu.memref_squeeze %dma_start3A_190 : memref<1x128x64xf32, #tpu.memory_space<vmem>> -> memref<128x64xf32, #tpu.memory_space<vmem>>
    %dma_start3A_192 = arith.constant 64 : i32
    %dma_start3A_193 = tpu.memref_slice %arg4[%add3A_180, %dma_start3A_192] : memref<655360x128xf32, #tpu.memory_space<hbm>> -> memref<128x64xf32, #tpu.memory_space<hbm>>
    %dma_start3A_194 = arith.constant 64 : i32
    %dma_start3A_195 = tpu.memref_slice %arg4[%add3A_180, %dma_start3A_194] : memref<655360x128xf32, #tpu.memory_space<hbm>> -> memref<128x64xf32, #tpu.memory_space<hbm>>
    %dma_start3A_196 = arith.constant 0 : i32
    %dma_start3A_197 = arith.constant 0 : i32
    %dma_start3A_198 = arith.constant 0 : i32
    %dma_start3A_199 = tpu.memref_slice %arg8[%dma_start3A_181, %dma_start3A_196, %dma_start3A_197, %dma_start3A_198] : memref<2x2x128x64xf32, #tpu.memory_space<vmem>> -> memref<1x2x128x64xf32, #tpu.memory_space<vmem>>
    %dma_start3A_200 = tpu.memref_squeeze %dma_start3A_199 : memref<1x2x128x64xf32, #tpu.memory_space<vmem>> -> memref<2x128x64xf32, #tpu.memory_space<vmem>>
    %dma_start3A_201 = arith.constant 0 : i32
    %dma_start3A_202 = arith.constant 0 : i32
    %dma_start3A_203 = tpu.memref_slice %dma_start3A_200[%dma_start3A_182, %dma_start3A_201, %dma_start3A_202] : memref<2x128x64xf32, #tpu.memory_space<vmem>> -> memref<1x128x64xf32, #tpu.memory_space<vmem>>
    %dma_start3A_204 = tpu.memref_squeeze %dma_start3A_203 : memref<1x128x64xf32, #tpu.memory_space<vmem>> -> memref<128x64xf32, #tpu.memory_space<vmem>>
    tpu.enqueue_dma source(%dma_start3A_204 : memref<128x64xf32, #tpu.memory_space<vmem>>) target(%dma_start3A_195 : memref<128x64xf32, #tpu.memory_space<hbm>>) target_semaphore(%arg11 : memref<!tpu.dma_semaphore, #tpu.memory_space<semaphore_mem>>)
    %dma_start3A_205 = arith.constant 0 : i32
    %dma_start3A_206 = arith.constant 1 : i32
    %dma_start3A_207 = arith.constant 0 : i32
    %dma_start3A_208 = arith.constant 1 : i32
    %dma_start3A_209 = arith.constant 0 : i32
    %dma_start3A_210 = arith.constant 0 : i32
    %dma_start3A_211 = arith.constant 0 : i32
    %dma_start3A_212 = tpu.memref_slice %arg8[%dma_start3A_207, %dma_start3A_209, %dma_start3A_210, %dma_start3A_211] : memref<2x2x128x64xf32, #tpu.memory_space<vmem>> -> memref<1x2x128x64xf32, #tpu.memory_space<vmem>>
    %dma_start3A_213 = tpu.memref_squeeze %dma_start3A_212 : memref<1x2x128x64xf32, #tpu.memory_space<vmem>> -> memref<2x128x64xf32, #tpu.memory_space<vmem>>
    %dma_start3A_214 = arith.constant 0 : i32
    %dma_start3A_215 = arith.constant 0 : i32
    %dma_start3A_216 = tpu.memref_slice %dma_start3A_213[%dma_start3A_208, %dma_start3A_214, %dma_start3A_215] : memref<2x128x64xf32, #tpu.memory_space<vmem>> -> memref<1x128x64xf32, #tpu.memory_space<vmem>>
    %dma_start3A_217 = tpu.memref_squeeze %dma_start3A_216 : memref<1x128x64xf32, #tpu.memory_space<vmem>> -> memref<128x64xf32, #tpu.memory_space<vmem>>
    %dma_start3A_218 = arith.constant 0 : i32
    %dma_start3A_219 = arith.constant 0 : i32
    %dma_start3A_220 = tpu.memref_slice %arg7[%dma_start3A_205, %dma_start3A_218, %dma_start3A_219] : memref<2x160x128xi32, #tpu.memory_space<vmem>> -> memref<1x160x128xi32, #tpu.memory_space<vmem>>
    %dma_start3A_221 = tpu.memref_squeeze %dma_start3A_220 : memref<1x160x128xi32, #tpu.memory_space<vmem>> -> memref<160x128xi32, #tpu.memory_space<vmem>>
    %dma_start3A_222 = arith.constant 0 : i32
    %dma_start3A_223 = tpu.memref_slice %dma_start3A_221[%dma_start3A_206, %dma_start3A_222] : memref<160x128xi32, #tpu.memory_space<vmem>> -> memref<1x128xi32, #tpu.memory_space<vmem>>
    %dma_start3A_224 = tpu.memref_squeeze %dma_start3A_223 : memref<1x128xi32, #tpu.memory_space<vmem>> -> memref<128xi32, #tpu.memory_space<vmem>>
    %dma_start3A_225 = arith.constant 0 : i32
    %dma_start3A_226 = arith.constant 0 : i32
    %dma_start3A_227 = tpu.memref_slice %arg5[%dma_start3A_225, %dma_start3A_226] : memref<128x64xf32, #tpu.memory_space<vmem_shared>> -> memref<128x64xf32, #tpu.memory_space<vmem_shared>>
    tpu.enqueue_indirect_dma source(%dma_start3A_227 : memref<128x64xf32, #tpu.memory_space<vmem_shared>>) target(%dma_start3A_217 : memref<128x64xf32, #tpu.memory_space<vmem>>) offsets(%dma_start3A_224 : memref<128xi32, #tpu.memory_space<vmem>>) semaphore(%arg10 : memref<!tpu.dma_semaphore, #tpu.memory_space<semaphore_mem>>)
    %dma_start3A_228 = arith.constant 1 : i32
    %dma_start3A_229 = arith.constant 1 : i32
    %dma_start3A_230 = arith.constant 1 : i32
    %dma_start3A_231 = arith.constant 1 : i32
    %dma_start3A_232 = arith.constant 0 : i32
    %dma_start3A_233 = arith.constant 0 : i32
    %dma_start3A_234 = arith.constant 0 : i32
    %dma_start3A_235 = tpu.memref_slice %arg8[%dma_start3A_230, %dma_start3A_232, %dma_start3A_233, %dma_start3A_234] : memref<2x2x128x64xf32, #tpu.memory_space<vmem>> -> memref<1x2x128x64xf32, #tpu.memory_space<vmem>>
    %dma_start3A_236 = tpu.memref_squeeze %dma_start3A_235 : memref<1x2x128x64xf32, #tpu.memory_space<vmem>> -> memref<2x128x64xf32, #tpu.memory_space<vmem>>
    %dma_start3A_237 = arith.constant 0 : i32
    %dma_start3A_238 = arith.constant 0 : i32
    %dma_start3A_239 = tpu.memref_slice %dma_start3A_236[%dma_start3A_231, %dma_start3A_237, %dma_start3A_238] : memref<2x128x64xf32, #tpu.memory_space<vmem>> -> memref<1x128x64xf32, #tpu.memory_space<vmem>>
    %dma_start3A_240 = tpu.memref_squeeze %dma_start3A_239 : memref<1x128x64xf32, #tpu.memory_space<vmem>> -> memref<128x64xf32, #tpu.memory_space<vmem>>
    %dma_start3A_241 = arith.constant 0 : i32
    %dma_start3A_242 = arith.constant 0 : i32
    %dma_start3A_243 = tpu.memref_slice %arg7[%dma_start3A_228, %dma_start3A_241, %dma_start3A_242] : memref<2x160x128xi32, #tpu.memory_space<vmem>> -> memref<1x160x128xi32, #tpu.memory_space<vmem>>
    %dma_start3A_244 = tpu.memref_squeeze %dma_start3A_243 : memref<1x160x128xi32, #tpu.memory_space<vmem>> -> memref<160x128xi32, #tpu.memory_space<vmem>>
    %dma_start3A_245 = arith.constant 0 : i32
    %dma_start3A_246 = tpu.memref_slice %dma_start3A_244[%dma_start3A_229, %dma_start3A_245] : memref<160x128xi32, #tpu.memory_space<vmem>> -> memref<1x128xi32, #tpu.memory_space<vmem>>
    %dma_start3A_247 = tpu.memref_squeeze %dma_start3A_246 : memref<1x128xi32, #tpu.memory_space<vmem>> -> memref<128xi32, #tpu.memory_space<vmem>>
    %dma_start3A_248 = arith.constant 0 : i32
    %dma_start3A_249 = arith.constant 0 : i32
    %dma_start3A_250 = tpu.memref_slice %arg5[%dma_start3A_248, %dma_start3A_249] : memref<128x64xf32, #tpu.memory_space<vmem_shared>> -> memref<128x64xf32, #tpu.memory_space<vmem_shared>>
    tpu.enqueue_indirect_dma source(%dma_start3A_250 : memref<128x64xf32, #tpu.memory_space<vmem_shared>>) target(%dma_start3A_240 : memref<128x64xf32, #tpu.memory_space<vmem>>) offsets(%dma_start3A_247 : memref<128xi32, #tpu.memory_space<vmem>>) semaphore(%arg10 : memref<!tpu.dma_semaphore, #tpu.memory_space<semaphore_mem>>)
    %dma_wait3A_251 = arith.constant 0 : i32
    %dma_wait3A_252 = arith.constant 1 : i32
    %dma_wait3A_253 = arith.constant 0 : i32
    %dma_wait3A_254 = arith.constant 1 : i32
    %dma_wait3A_255 = arith.constant 0 : i32
    %dma_wait3A_256 = arith.constant 0 : i32
    %dma_wait3A_257 = arith.constant 0 : i32
    %dma_wait3A_258 = tpu.memref_slice %arg8[%dma_wait3A_253, %dma_wait3A_255, %dma_wait3A_256, %dma_wait3A_257] : memref<2x2x128x64xf32, #tpu.memory_space<vmem>> -> memref<1x2x128x64xf32, #tpu.memory_space<vmem>>
    %dma_wait3A_259 = tpu.memref_squeeze %dma_wait3A_258 : memref<1x2x128x64xf32, #tpu.memory_space<vmem>> -> memref<2x128x64xf32, #tpu.memory_space<vmem>>
    %dma_wait3A_260 = arith.constant 0 : i32
    %dma_wait3A_261 = arith.constant 0 : i32
    %dma_wait3A_262 = tpu.memref_slice %dma_wait3A_259[%dma_wait3A_254, %dma_wait3A_260, %dma_wait3A_261] : memref<2x128x64xf32, #tpu.memory_space<vmem>> -> memref<1x128x64xf32, #tpu.memory_space<vmem>>
    %dma_wait3A_263 = tpu.memref_squeeze %dma_wait3A_262 : memref<1x128x64xf32, #tpu.memory_space<vmem>> -> memref<128x64xf32, #tpu.memory_space<vmem>>
    %dma_wait3A_264 = arith.constant 0 : i32
    %dma_wait3A_265 = arith.constant 0 : i32
    %dma_wait3A_266 = tpu.memref_slice %arg7[%dma_wait3A_251, %dma_wait3A_264, %dma_wait3A_265] : memref<2x160x128xi32, #tpu.memory_space<vmem>> -> memref<1x160x128xi32, #tpu.memory_space<vmem>>
    %dma_wait3A_267 = tpu.memref_squeeze %dma_wait3A_266 : memref<1x160x128xi32, #tpu.memory_space<vmem>> -> memref<160x128xi32, #tpu.memory_space<vmem>>
    %dma_wait3A_268 = arith.constant 0 : i32
    %dma_wait3A_269 = tpu.memref_slice %dma_wait3A_267[%dma_wait3A_252, %dma_wait3A_268] : memref<160x128xi32, #tpu.memory_space<vmem>> -> memref<1x128xi32, #tpu.memory_space<vmem>>
    %dma_wait3A_270 = tpu.memref_squeeze %dma_wait3A_269 : memref<1x128xi32, #tpu.memory_space<vmem>> -> memref<128xi32, #tpu.memory_space<vmem>>
    %dma_wait3A_271 = arith.constant 0 : i32
    %dma_wait3A_272 = arith.constant 0 : i32
    %dma_wait3A_273 = tpu.memref_slice %arg5[%dma_wait3A_271, %dma_wait3A_272] : memref<128x64xf32, #tpu.memory_space<vmem_shared>> -> memref<128x64xf32, #tpu.memory_space<vmem_shared>>
    tpu.wait_indirect_dma semaphore(%arg10 : memref<!tpu.dma_semaphore, #tpu.memory_space<semaphore_mem>>) src(%dma_wait3A_273 : memref<128x64xf32, #tpu.memory_space<vmem_shared>>) dst(%dma_wait3A_263 : memref<128x64xf32, #tpu.memory_space<vmem>>)
    %dma_wait3A_274 = arith.constant 1 : i32
    %dma_wait3A_275 = arith.constant 1 : i32
    %dma_wait3A_276 = arith.constant 1 : i32
    %dma_wait3A_277 = arith.constant 1 : i32
    %dma_wait3A_278 = arith.constant 0 : i32
    %dma_wait3A_279 = arith.constant 0 : i32
    %dma_wait3A_280 = arith.constant 0 : i32
    %dma_wait3A_281 = tpu.memref_slice %arg8[%dma_wait3A_276, %dma_wait3A_278, %dma_wait3A_279, %dma_wait3A_280] : memref<2x2x128x64xf32, #tpu.memory_space<vmem>> -> memref<1x2x128x64xf32, #tpu.memory_space<vmem>>
    %dma_wait3A_282 = tpu.memref_squeeze %dma_wait3A_281 : memref<1x2x128x64xf32, #tpu.memory_space<vmem>> -> memref<2x128x64xf32, #tpu.memory_space<vmem>>
    %dma_wait3A_283 = arith.constant 0 : i32
    %dma_wait3A_284 = arith.constant 0 : i32
    %dma_wait3A_285 = tpu.memref_slice %dma_wait3A_282[%dma_wait3A_277, %dma_wait3A_283, %dma_wait3A_284] : memref<2x128x64xf32, #tpu.memory_space<vmem>> -> memref<1x128x64xf32, #tpu.memory_space<vmem>>
    %dma_wait3A_286 = tpu.memref_squeeze %dma_wait3A_285 : memref<1x128x64xf32, #tpu.memory_space<vmem>> -> memref<128x64xf32, #tpu.memory_space<vmem>>
    %dma_wait3A_287 = arith.constant 0 : i32
    %dma_wait3A_288 = arith.constant 0 : i32
    %dma_wait3A_289 = tpu.memref_slice %arg7[%dma_wait3A_274, %dma_wait3A_287, %dma_wait3A_288] : memref<2x160x128xi32, #tpu.memory_space<vmem>> -> memref<1x160x128xi32, #tpu.memory_space<vmem>>
    %dma_wait3A_290 = tpu.memref_squeeze %dma_wait3A_289 : memref<1x160x128xi32, #tpu.memory_space<vmem>> -> memref<160x128xi32, #tpu.memory_space<vmem>>
    %dma_wait3A_291 = arith.constant 0 : i32
    %dma_wait3A_292 = tpu.memref_slice %dma_wait3A_290[%dma_wait3A_275, %dma_wait3A_291] : memref<160x128xi32, #tpu.memory_space<vmem>> -> memref<1x128xi32, #tpu.memory_space<vmem>>
    %dma_wait3A_293 = tpu.memref_squeeze %dma_wait3A_292 : memref<1x128xi32, #tpu.memory_space<vmem>> -> memref<128xi32, #tpu.memory_space<vmem>>
    %dma_wait3A_294 = arith.constant 0 : i32
    %dma_wait3A_295 = arith.constant 0 : i32
    %dma_wait3A_296 = tpu.memref_slice %arg5[%dma_wait3A_294, %dma_wait3A_295] : memref<128x64xf32, #tpu.memory_space<vmem_shared>> -> memref<128x64xf32, #tpu.memory_space<vmem_shared>>
    tpu.wait_indirect_dma semaphore(%arg10 : memref<!tpu.dma_semaphore, #tpu.memory_space<semaphore_mem>>) src(%dma_wait3A_296 : memref<128x64xf32, #tpu.memory_space<vmem_shared>>) dst(%dma_wait3A_286 : memref<128x64xf32, #tpu.memory_space<vmem>>)
    %add3A_297 = arith.constant 128 : i32
    %add3A_298 = arith.addi %mul3A_4, %add3A_297 : i32
    %dma_start3A_299 = arith.constant 0 : i32
    %dma_start3A_300 = arith.constant 1 : i32
    %dma_start3A_301 = arith.constant 0 : i32
    %dma_start3A_302 = arith.constant 0 : i32
    %dma_start3A_303 = arith.constant 0 : i32
    %dma_start3A_304 = tpu.memref_slice %arg8[%dma_start3A_299, %dma_start3A_301, %dma_start3A_302, %dma_start3A_303] : memref<2x2x128x64xf32, #tpu.memory_space<vmem>> -> memref<1x2x128x64xf32, #tpu.memory_space<vmem>>
    %dma_start3A_305 = tpu.memref_squeeze %dma_start3A_304 : memref<1x2x128x64xf32, #tpu.memory_space<vmem>> -> memref<2x128x64xf32, #tpu.memory_space<vmem>>
    %dma_start3A_306 = arith.constant 0 : i32
    %dma_start3A_307 = arith.constant 0 : i32
    %dma_start3A_308 = tpu.memref_slice %dma_start3A_305[%dma_start3A_300, %dma_start3A_306, %dma_start3A_307] : memref<2x128x64xf32, #tpu.memory_space<vmem>> -> memref<1x128x64xf32, #tpu.memory_space<vmem>>
    %dma_start3A_309 = tpu.memref_squeeze %dma_start3A_308 : memref<1x128x64xf32, #tpu.memory_space<vmem>> -> memref<128x64xf32, #tpu.memory_space<vmem>>
    %dma_start3A_310 = arith.constant 0 : i32
    %dma_start3A_311 = tpu.memref_slice %arg4[%add3A_298, %dma_start3A_310] : memref<655360x128xf32, #tpu.memory_space<hbm>> -> memref<128x64xf32, #tpu.memory_space<hbm>>
    %dma_start3A_312 = arith.constant 0 : i32
    %dma_start3A_313 = tpu.memref_slice %arg4[%add3A_298, %dma_start3A_312] : memref<655360x128xf32, #tpu.memory_space<hbm>> -> memref<128x64xf32, #tpu.memory_space<hbm>>
    %dma_start3A_314 = arith.constant 0 : i32
    %dma_start3A_315 = arith.constant 0 : i32
    %dma_start3A_316 = arith.constant 0 : i32
    %dma_start3A_317 = tpu.memref_slice %arg8[%dma_start3A_299, %dma_start3A_314, %dma_start3A_315, %dma_start3A_316] : memref<2x2x128x64xf32, #tpu.memory_space<vmem>> -> memref<1x2x128x64xf32, #tpu.memory_space<vmem>>
    %dma_start3A_318 = tpu.memref_squeeze %dma_start3A_317 : memref<1x2x128x64xf32, #tpu.memory_space<vmem>> -> memref<2x128x64xf32, #tpu.memory_space<vmem>>
    %dma_start3A_319 = arith.constant 0 : i32
    %dma_start3A_320 = arith.constant 0 : i32
    %dma_start3A_321 = tpu.memref_slice %dma_start3A_318[%dma_start3A_300, %dma_start3A_319, %dma_start3A_320] : memref<2x128x64xf32, #tpu.memory_space<vmem>> -> memref<1x128x64xf32, #tpu.memory_space<vmem>>
    %dma_start3A_322 = tpu.memref_squeeze %dma_start3A_321 : memref<1x128x64xf32, #tpu.memory_space<vmem>> -> memref<128x64xf32, #tpu.memory_space<vmem>>
    tpu.enqueue_dma source(%dma_start3A_322 : memref<128x64xf32, #tpu.memory_space<vmem>>) target(%dma_start3A_313 : memref<128x64xf32, #tpu.memory_space<hbm>>) target_semaphore(%arg12 : memref<!tpu.dma_semaphore, #tpu.memory_space<semaphore_mem>>)
    %add3A_323 = arith.constant 128 : i32
    %add3A_324 = arith.addi %mul3A_4, %add3A_323 : i32
    %dma_start3A_325 = arith.constant 1 : i32
    %dma_start3A_326 = arith.constant 1 : i32
    %dma_start3A_327 = arith.constant 0 : i32
    %dma_start3A_328 = arith.constant 0 : i32
    %dma_start3A_329 = arith.constant 0 : i32
    %dma_start3A_330 = tpu.memref_slice %arg8[%dma_start3A_325, %dma_start3A_327, %dma_start3A_328, %dma_start3A_329] : memref<2x2x128x64xf32, #tpu.memory_space<vmem>> -> memref<1x2x128x64xf32, #tpu.memory_space<vmem>>
    %dma_start3A_331 = tpu.memref_squeeze %dma_start3A_330 : memref<1x2x128x64xf32, #tpu.memory_space<vmem>> -> memref<2x128x64xf32, #tpu.memory_space<vmem>>
    %dma_start3A_332 = arith.constant 0 : i32
    %dma_start3A_333 = arith.constant 0 : i32
    %dma_start3A_334 = tpu.memref_slice %dma_start3A_331[%dma_start3A_326, %dma_start3A_332, %dma_start3A_333] : memref<2x128x64xf32, #tpu.memory_space<vmem>> -> memref<1x128x64xf32, #tpu.memory_space<vmem>>
    %dma_start3A_335 = tpu.memref_squeeze %dma_start3A_334 : memref<1x128x64xf32, #tpu.memory_space<vmem>> -> memref<128x64xf32, #tpu.memory_space<vmem>>
    %dma_start3A_336 = arith.constant 64 : i32
    %dma_start3A_337 = tpu.memref_slice %arg4[%add3A_324, %dma_start3A_336] : memref<655360x128xf32, #tpu.memory_space<hbm>> -> memref<128x64xf32, #tpu.memory_space<hbm>>
    %dma_start3A_338 = arith.constant 64 : i32
    %dma_start3A_339 = tpu.memref_slice %arg4[%add3A_324, %dma_start3A_338] : memref<655360x128xf32, #tpu.memory_space<hbm>> -> memref<128x64xf32, #tpu.memory_space<hbm>>
    %dma_start3A_340 = arith.constant 0 : i32
    %dma_start3A_341 = arith.constant 0 : i32
    %dma_start3A_342 = arith.constant 0 : i32
    %dma_start3A_343 = tpu.memref_slice %arg8[%dma_start3A_325, %dma_start3A_340, %dma_start3A_341, %dma_start3A_342] : memref<2x2x128x64xf32, #tpu.memory_space<vmem>> -> memref<1x2x128x64xf32, #tpu.memory_space<vmem>>
    %dma_start3A_344 = tpu.memref_squeeze %dma_start3A_343 : memref<1x2x128x64xf32, #tpu.memory_space<vmem>> -> memref<2x128x64xf32, #tpu.memory_space<vmem>>
    %dma_start3A_345 = arith.constant 0 : i32
    %dma_start3A_346 = arith.constant 0 : i32
    %dma_start3A_347 = tpu.memref_slice %dma_start3A_344[%dma_start3A_326, %dma_start3A_345, %dma_start3A_346] : memref<2x128x64xf32, #tpu.memory_space<vmem>> -> memref<1x128x64xf32, #tpu.memory_space<vmem>>
    %dma_start3A_348 = tpu.memref_squeeze %dma_start3A_347 : memref<1x128x64xf32, #tpu.memory_space<vmem>> -> memref<128x64xf32, #tpu.memory_space<vmem>>
    tpu.enqueue_dma source(%dma_start3A_348 : memref<128x64xf32, #tpu.memory_space<vmem>>) target(%dma_start3A_339 : memref<128x64xf32, #tpu.memory_space<hbm>>) target_semaphore(%arg12 : memref<!tpu.dma_semaphore, #tpu.memory_space<semaphore_mem>>)
    %scan3A_349 = arith.constant 0 : i32
    %scan3A_350 = arith.constant 1 : i32
    %scan3A_351 = arith.constant 79 : i32
    %scan3A_352 = arith.addi %scan3A_350, %scan3A_351 : i32
    %scan3A_353 = arith.constant 1 : i32
    scf.for %scan3A_459 = %scan3A_350 to %scan3A_352 step %scan3A_353  : i32 {
      %sub3A = arith.constant 1 : i32
      %sub3A_460 = arith.subi %scan3A_459, %sub3A : i32
      %mul3A_461 = arith.constant 2 : i32
      %mul3A_462 = arith.muli %sub3A_460, %mul3A_461 : i32
      %add3A_463 = arith.constant 0 : i32
      %add3A_464 = arith.addi %mul3A_462, %add3A_463 : i32
      %mul3A_465 = arith.constant 128 : i32
      %mul3A_466 = arith.muli %add3A_464, %mul3A_465 : i32
      %add3A_467 = arith.addi %mul3A_4, %mul3A_466 : i32
      %dma_wait3A_468 = arith.constant 0 : i32
      %dma_wait3A_469 = arith.constant 0 : i32
      %dma_wait3A_470 = arith.constant 0 : i32
      %dma_wait3A_471 = arith.constant 0 : i32
      %dma_wait3A_472 = arith.constant 0 : i32
      %dma_wait3A_473 = tpu.memref_slice %arg8[%dma_wait3A_468, %dma_wait3A_470, %dma_wait3A_471, %dma_wait3A_472] : memref<2x2x128x64xf32, #tpu.memory_space<vmem>> -> memref<1x2x128x64xf32, #tpu.memory_space<vmem>>
      %dma_wait3A_474 = tpu.memref_squeeze %dma_wait3A_473 : memref<1x2x128x64xf32, #tpu.memory_space<vmem>> -> memref<2x128x64xf32, #tpu.memory_space<vmem>>
      %dma_wait3A_475 = arith.constant 0 : i32
      %dma_wait3A_476 = arith.constant 0 : i32
      %dma_wait3A_477 = tpu.memref_slice %dma_wait3A_474[%dma_wait3A_469, %dma_wait3A_475, %dma_wait3A_476] : memref<2x128x64xf32, #tpu.memory_space<vmem>> -> memref<1x128x64xf32, #tpu.memory_space<vmem>>
      %dma_wait3A_478 = tpu.memref_squeeze %dma_wait3A_477 : memref<1x128x64xf32, #tpu.memory_space<vmem>> -> memref<128x64xf32, #tpu.memory_space<vmem>>
      %dma_wait3A_479 = arith.constant 0 : i32
      %dma_wait3A_480 = tpu.memref_slice %arg4[%add3A_467, %dma_wait3A_479] : memref<655360x128xf32, #tpu.memory_space<hbm>> -> memref<128x64xf32, #tpu.memory_space<hbm>>
      %dma_wait3A_481 = arith.constant 0 : i32
      %dma_wait3A_482 = tpu.memref_slice %arg4[%add3A_467, %dma_wait3A_481] : memref<655360x128xf32, #tpu.memory_space<hbm>> -> memref<128x64xf32, #tpu.memory_space<hbm>>
      %dma_wait3A_483 = arith.constant 0 : i32
      %dma_wait3A_484 = arith.constant 0 : i32
      %dma_wait3A_485 = arith.constant 0 : i32
      %dma_wait3A_486 = tpu.memref_slice %arg8[%dma_wait3A_468, %dma_wait3A_483, %dma_wait3A_484, %dma_wait3A_485] : memref<2x2x128x64xf32, #tpu.memory_space<vmem>> -> memref<1x2x128x64xf32, #tpu.memory_space<vmem>>
      %dma_wait3A_487 = tpu.memref_squeeze %dma_wait3A_486 : memref<1x2x128x64xf32, #tpu.memory_space<vmem>> -> memref<2x128x64xf32, #tpu.memory_space<vmem>>
      %dma_wait3A_488 = arith.constant 0 : i32
      %dma_wait3A_489 = arith.constant 0 : i32
      %dma_wait3A_490 = tpu.memref_slice %dma_wait3A_487[%dma_wait3A_469, %dma_wait3A_488, %dma_wait3A_489] : memref<2x128x64xf32, #tpu.memory_space<vmem>> -> memref<1x128x64xf32, #tpu.memory_space<vmem>>
      %dma_wait3A_491 = tpu.memref_squeeze %dma_wait3A_490 : memref<1x128x64xf32, #tpu.memory_space<vmem>> -> memref<128x64xf32, #tpu.memory_space<vmem>>
      tpu.wait_dma2 semaphore(%arg11 : memref<!tpu.dma_semaphore, #tpu.memory_space<semaphore_mem>>) src(%dma_wait3A_491 : memref<128x64xf32, #tpu.memory_space<vmem>>) dst(%dma_wait3A_482 : memref<128x64xf32, #tpu.memory_space<hbm>>)
      %mul3A_492 = arith.constant 2 : i32
      %mul3A_493 = arith.muli %sub3A_460, %mul3A_492 : i32
      %add3A_494 = arith.constant 0 : i32
      %add3A_495 = arith.addi %mul3A_493, %add3A_494 : i32
      %mul3A_496 = arith.constant 128 : i32
      %mul3A_497 = arith.muli %add3A_495, %mul3A_496 : i32
      %add3A_498 = arith.addi %mul3A_4, %mul3A_497 : i32
      %dma_wait3A_499 = arith.constant 1 : i32
      %dma_wait3A_500 = arith.constant 0 : i32
      %dma_wait3A_501 = arith.constant 0 : i32
      %dma_wait3A_502 = arith.constant 0 : i32
      %dma_wait3A_503 = arith.constant 0 : i32
      %dma_wait3A_504 = tpu.memref_slice %arg8[%dma_wait3A_499, %dma_wait3A_501, %dma_wait3A_502, %dma_wait3A_503] : memref<2x2x128x64xf32, #tpu.memory_space<vmem>> -> memref<1x2x128x64xf32, #tpu.memory_space<vmem>>
      %dma_wait3A_505 = tpu.memref_squeeze %dma_wait3A_504 : memref<1x2x128x64xf32, #tpu.memory_space<vmem>> -> memref<2x128x64xf32, #tpu.memory_space<vmem>>
      %dma_wait3A_506 = arith.constant 0 : i32
      %dma_wait3A_507 = arith.constant 0 : i32
      %dma_wait3A_508 = tpu.memref_slice %dma_wait3A_505[%dma_wait3A_500, %dma_wait3A_506, %dma_wait3A_507] : memref<2x128x64xf32, #tpu.memory_space<vmem>> -> memref<1x128x64xf32, #tpu.memory_space<vmem>>
      %dma_wait3A_509 = tpu.memref_squeeze %dma_wait3A_508 : memref<1x128x64xf32, #tpu.memory_space<vmem>> -> memref<128x64xf32, #tpu.memory_space<vmem>>
      %dma_wait3A_510 = arith.constant 64 : i32
      %dma_wait3A_511 = tpu.memref_slice %arg4[%add3A_498, %dma_wait3A_510] : memref<655360x128xf32, #tpu.memory_space<hbm>> -> memref<128x64xf32, #tpu.memory_space<hbm>>
      %dma_wait3A_512 = arith.constant 64 : i32
      %dma_wait3A_513 = tpu.memref_slice %arg4[%add3A_498, %dma_wait3A_512] : memref<655360x128xf32, #tpu.memory_space<hbm>> -> memref<128x64xf32, #tpu.memory_space<hbm>>
      %dma_wait3A_514 = arith.constant 0 : i32
      %dma_wait3A_515 = arith.constant 0 : i32
      %dma_wait3A_516 = arith.constant 0 : i32
      %dma_wait3A_517 = tpu.memref_slice %arg8[%dma_wait3A_499, %dma_wait3A_514, %dma_wait3A_515, %dma_wait3A_516] : memref<2x2x128x64xf32, #tpu.memory_space<vmem>> -> memref<1x2x128x64xf32, #tpu.memory_space<vmem>>
      %dma_wait3A_518 = tpu.memref_squeeze %dma_wait3A_517 : memref<1x2x128x64xf32, #tpu.memory_space<vmem>> -> memref<2x128x64xf32, #tpu.memory_space<vmem>>
      %dma_wait3A_519 = arith.constant 0 : i32
      %dma_wait3A_520 = arith.constant 0 : i32
      %dma_wait3A_521 = tpu.memref_slice %dma_wait3A_518[%dma_wait3A_500, %dma_wait3A_519, %dma_wait3A_520] : memref<2x128x64xf32, #tpu.memory_space<vmem>> -> memref<1x128x64xf32, #tpu.memory_space<vmem>>
      %dma_wait3A_522 = tpu.memref_squeeze %dma_wait3A_521 : memref<1x128x64xf32, #tpu.memory_space<vmem>> -> memref<128x64xf32, #tpu.memory_space<vmem>>
      tpu.wait_dma2 semaphore(%arg11 : memref<!tpu.dma_semaphore, #tpu.memory_space<semaphore_mem>>) src(%dma_wait3A_522 : memref<128x64xf32, #tpu.memory_space<vmem>>) dst(%dma_wait3A_513 : memref<128x64xf32, #tpu.memory_space<hbm>>)
      %mul3A_523 = arith.constant 2 : i32
      %mul3A_524 = arith.muli %scan3A_459, %mul3A_523 : i32
      %add3A_525 = arith.constant 0 : i32
      %add3A_526 = arith.addi %mul3A_524, %add3A_525 : i32
      %dma_start3A_527 = arith.constant 0 : i32
      %dma_start3A_528 = arith.constant 0 : i32
      %dma_start3A_529 = arith.constant 0 : i32
      %dma_start3A_530 = arith.constant 0 : i32
      %dma_start3A_531 = arith.constant 0 : i32
      %dma_start3A_532 = arith.constant 0 : i32
      %dma_start3A_533 = tpu.memref_slice %arg8[%dma_start3A_528, %dma_start3A_530, %dma_start3A_531, %dma_start3A_532] : memref<2x2x128x64xf32, #tpu.memory_space<vmem>> -> memref<1x2x128x64xf32, #tpu.memory_space<vmem>>
      %dma_start3A_534 = tpu.memref_squeeze %dma_start3A_533 : memref<1x2x128x64xf32, #tpu.memory_space<vmem>> -> memref<2x128x64xf32, #tpu.memory_space<vmem>>
      %dma_start3A_535 = arith.constant 0 : i32
      %dma_start3A_536 = arith.constant 0 : i32
      %dma_start3A_537 = tpu.memref_slice %dma_start3A_534[%dma_start3A_529, %dma_start3A_535, %dma_start3A_536] : memref<2x128x64xf32, #tpu.memory_space<vmem>> -> memref<1x128x64xf32, #tpu.memory_space<vmem>>
      %dma_start3A_538 = tpu.memref_squeeze %dma_start3A_537 : memref<1x128x64xf32, #tpu.memory_space<vmem>> -> memref<128x64xf32, #tpu.memory_space<vmem>>
      %dma_start3A_539 = arith.constant 0 : i32
      %dma_start3A_540 = arith.constant 0 : i32
      %dma_start3A_541 = tpu.memref_slice %arg7[%dma_start3A_527, %dma_start3A_539, %dma_start3A_540] : memref<2x160x128xi32, #tpu.memory_space<vmem>> -> memref<1x160x128xi32, #tpu.memory_space<vmem>>
      %dma_start3A_542 = tpu.memref_squeeze %dma_start3A_541 : memref<1x160x128xi32, #tpu.memory_space<vmem>> -> memref<160x128xi32, #tpu.memory_space<vmem>>
      %dma_start3A_543 = arith.constant 0 : i32
      %dma_start3A_544 = tpu.memref_slice %dma_start3A_542[%add3A_526, %dma_start3A_543] : memref<160x128xi32, #tpu.memory_space<vmem>> -> memref<1x128xi32, #tpu.memory_space<vmem>>
      %dma_start3A_545 = tpu.memref_squeeze %dma_start3A_544 : memref<1x128xi32, #tpu.memory_space<vmem>> -> memref<128xi32, #tpu.memory_space<vmem>>
      %dma_start3A_546 = arith.constant 0 : i32
      %dma_start3A_547 = arith.constant 0 : i32
      %dma_start3A_548 = tpu.memref_slice %arg5[%dma_start3A_546, %dma_start3A_547] : memref<128x64xf32, #tpu.memory_space<vmem_shared>> -> memref<128x64xf32, #tpu.memory_space<vmem_shared>>
      tpu.enqueue_indirect_dma source(%dma_start3A_548 : memref<128x64xf32, #tpu.memory_space<vmem_shared>>) target(%dma_start3A_538 : memref<128x64xf32, #tpu.memory_space<vmem>>) offsets(%dma_start3A_545 : memref<128xi32, #tpu.memory_space<vmem>>) semaphore(%arg9 : memref<!tpu.dma_semaphore, #tpu.memory_space<semaphore_mem>>)
      %dma_start3A_549 = arith.constant 1 : i32
      %dma_start3A_550 = arith.constant 1 : i32
      %dma_start3A_551 = arith.constant 0 : i32
      %dma_start3A_552 = arith.constant 0 : i32
      %dma_start3A_553 = arith.constant 0 : i32
      %dma_start3A_554 = arith.constant 0 : i32
      %dma_start3A_555 = tpu.memref_slice %arg8[%dma_start3A_550, %dma_start3A_552, %dma_start3A_553, %dma_start3A_554] : memref<2x2x128x64xf32, #tpu.memory_space<vmem>> -> memref<1x2x128x64xf32, #tpu.memory_space<vmem>>
      %dma_start3A_556 = tpu.memref_squeeze %dma_start3A_555 : memref<1x2x128x64xf32, #tpu.memory_space<vmem>> -> memref<2x128x64xf32, #tpu.memory_space<vmem>>
      %dma_start3A_557 = arith.constant 0 : i32
      %dma_start3A_558 = arith.constant 0 : i32
      %dma_start3A_559 = tpu.memref_slice %dma_start3A_556[%dma_start3A_551, %dma_start3A_557, %dma_start3A_558] : memref<2x128x64xf32, #tpu.memory_space<vmem>> -> memref<1x128x64xf32, #tpu.memory_space<vmem>>
      %dma_start3A_560 = tpu.memref_squeeze %dma_start3A_559 : memref<1x128x64xf32, #tpu.memory_space<vmem>> -> memref<128x64xf32, #tpu.memory_space<vmem>>
      %dma_start3A_561 = arith.constant 0 : i32
      %dma_start3A_562 = arith.constant 0 : i32
      %dma_start3A_563 = tpu.memref_slice %arg7[%dma_start3A_549, %dma_start3A_561, %dma_start3A_562] : memref<2x160x128xi32, #tpu.memory_space<vmem>> -> memref<1x160x128xi32, #tpu.memory_space<vmem>>
      %dma_start3A_564 = tpu.memref_squeeze %dma_start3A_563 : memref<1x160x128xi32, #tpu.memory_space<vmem>> -> memref<160x128xi32, #tpu.memory_space<vmem>>
      %dma_start3A_565 = arith.constant 0 : i32
      %dma_start3A_566 = tpu.memref_slice %dma_start3A_564[%add3A_526, %dma_start3A_565] : memref<160x128xi32, #tpu.memory_space<vmem>> -> memref<1x128xi32, #tpu.memory_space<vmem>>
      %dma_start3A_567 = tpu.memref_squeeze %dma_start3A_566 : memref<1x128xi32, #tpu.memory_space<vmem>> -> memref<128xi32, #tpu.memory_space<vmem>>
      %dma_start3A_568 = arith.constant 0 : i32
      %dma_start3A_569 = arith.constant 0 : i32
      %dma_start3A_570 = tpu.memref_slice %arg5[%dma_start3A_568, %dma_start3A_569] : memref<128x64xf32, #tpu.memory_space<vmem_shared>> -> memref<128x64xf32, #tpu.memory_space<vmem_shared>>
      tpu.enqueue_indirect_dma source(%dma_start3A_570 : memref<128x64xf32, #tpu.memory_space<vmem_shared>>) target(%dma_start3A_560 : memref<128x64xf32, #tpu.memory_space<vmem>>) offsets(%dma_start3A_567 : memref<128xi32, #tpu.memory_space<vmem>>) semaphore(%arg9 : memref<!tpu.dma_semaphore, #tpu.memory_space<semaphore_mem>>)
      %mul3A_571 = arith.constant 2 : i32
      %mul3A_572 = arith.muli %scan3A_459, %mul3A_571 : i32
      %add3A_573 = arith.constant 0 : i32
      %add3A_574 = arith.addi %mul3A_572, %add3A_573 : i32
      %dma_wait3A_575 = arith.constant 0 : i32
      %dma_wait3A_576 = arith.constant 0 : i32
      %dma_wait3A_577 = arith.constant 0 : i32
      %dma_wait3A_578 = arith.constant 0 : i32
      %dma_wait3A_579 = arith.constant 0 : i32
      %dma_wait3A_580 = arith.constant 0 : i32
      %dma_wait3A_581 = tpu.memref_slice %arg8[%dma_wait3A_576, %dma_wait3A_578, %dma_wait3A_579, %dma_wait3A_580] : memref<2x2x128x64xf32, #tpu.memory_space<vmem>> -> memref<1x2x128x64xf32, #tpu.memory_space<vmem>>
      %dma_wait3A_582 = tpu.memref_squeeze %dma_wait3A_581 : memref<1x2x128x64xf32, #tpu.memory_space<vmem>> -> memref<2x128x64xf32, #tpu.memory_space<vmem>>
      %dma_wait3A_583 = arith.constant 0 : i32
      %dma_wait3A_584 = arith.constant 0 : i32
      %dma_wait3A_585 = tpu.memref_slice %dma_wait3A_582[%dma_wait3A_577, %dma_wait3A_583, %dma_wait3A_584] : memref<2x128x64xf32, #tpu.memory_space<vmem>> -> memref<1x128x64xf32, #tpu.memory_space<vmem>>
      %dma_wait3A_586 = tpu.memref_squeeze %dma_wait3A_585 : memref<1x128x64xf32, #tpu.memory_space<vmem>> -> memref<128x64xf32, #tpu.memory_space<vmem>>
      %dma_wait3A_587 = arith.constant 0 : i32
      %dma_wait3A_588 = arith.constant 0 : i32
      %dma_wait3A_589 = tpu.memref_slice %arg7[%dma_wait3A_575, %dma_wait3A_587, %dma_wait3A_588] : memref<2x160x128xi32, #tpu.memory_space<vmem>> -> memref<1x160x128xi32, #tpu.memory_space<vmem>>
      %dma_wait3A_590 = tpu.memref_squeeze %dma_wait3A_589 : memref<1x160x128xi32, #tpu.memory_space<vmem>> -> memref<160x128xi32, #tpu.memory_space<vmem>>
      %dma_wait3A_591 = arith.constant 0 : i32
      %dma_wait3A_592 = tpu.memref_slice %dma_wait3A_590[%add3A_574, %dma_wait3A_591] : memref<160x128xi32, #tpu.memory_space<vmem>> -> memref<1x128xi32, #tpu.memory_space<vmem>>
      %dma_wait3A_593 = tpu.memref_squeeze %dma_wait3A_592 : memref<1x128xi32, #tpu.memory_space<vmem>> -> memref<128xi32, #tpu.memory_space<vmem>>
      %dma_wait3A_594 = arith.constant 0 : i32
      %dma_wait3A_595 = arith.constant 0 : i32
      %dma_wait3A_596 = tpu.memref_slice %arg5[%dma_wait3A_594, %dma_wait3A_595] : memref<128x64xf32, #tpu.memory_space<vmem_shared>> -> memref<128x64xf32, #tpu.memory_space<vmem_shared>>
      tpu.wait_indirect_dma semaphore(%arg9 : memref<!tpu.dma_semaphore, #tpu.memory_space<semaphore_mem>>) src(%dma_wait3A_596 : memref<128x64xf32, #tpu.memory_space<vmem_shared>>) dst(%dma_wait3A_586 : memref<128x64xf32, #tpu.memory_space<vmem>>)
      %dma_wait3A_597 = arith.constant 1 : i32
      %dma_wait3A_598 = arith.constant 1 : i32
      %dma_wait3A_599 = arith.constant 0 : i32
      %dma_wait3A_600 = arith.constant 0 : i32
      %dma_wait3A_601 = arith.constant 0 : i32
      %dma_wait3A_602 = arith.constant 0 : i32
      %dma_wait3A_603 = tpu.memref_slice %arg8[%dma_wait3A_598, %dma_wait3A_600, %dma_wait3A_601, %dma_wait3A_602] : memref<2x2x128x64xf32, #tpu.memory_space<vmem>> -> memref<1x2x128x64xf32, #tpu.memory_space<vmem>>
      %dma_wait3A_604 = tpu.memref_squeeze %dma_wait3A_603 : memref<1x2x128x64xf32, #tpu.memory_space<vmem>> -> memref<2x128x64xf32, #tpu.memory_space<vmem>>
      %dma_wait3A_605 = arith.constant 0 : i32
      %dma_wait3A_606 = arith.constant 0 : i32
      %dma_wait3A_607 = tpu.memref_slice %dma_wait3A_604[%dma_wait3A_599, %dma_wait3A_605, %dma_wait3A_606] : memref<2x128x64xf32, #tpu.memory_space<vmem>> -> memref<1x128x64xf32, #tpu.memory_space<vmem>>
      %dma_wait3A_608 = tpu.memref_squeeze %dma_wait3A_607 : memref<1x128x64xf32, #tpu.memory_space<vmem>> -> memref<128x64xf32, #tpu.memory_space<vmem>>
      %dma_wait3A_609 = arith.constant 0 : i32
      %dma_wait3A_610 = arith.constant 0 : i32
      %dma_wait3A_611 = tpu.memref_slice %arg7[%dma_wait3A_597, %dma_wait3A_609, %dma_wait3A_610] : memref<2x160x128xi32, #tpu.memory_space<vmem>> -> memref<1x160x128xi32, #tpu.memory_space<vmem>>
      %dma_wait3A_612 = tpu.memref_squeeze %dma_wait3A_611 : memref<1x160x128xi32, #tpu.memory_space<vmem>> -> memref<160x128xi32, #tpu.memory_space<vmem>>
      %dma_wait3A_613 = arith.constant 0 : i32
      %dma_wait3A_614 = tpu.memref_slice %dma_wait3A_612[%add3A_574, %dma_wait3A_613] : memref<160x128xi32, #tpu.memory_space<vmem>> -> memref<1x128xi32, #tpu.memory_space<vmem>>
      %dma_wait3A_615 = tpu.memref_squeeze %dma_wait3A_614 : memref<1x128xi32, #tpu.memory_space<vmem>> -> memref<128xi32, #tpu.memory_space<vmem>>
      %dma_wait3A_616 = arith.constant 0 : i32
      %dma_wait3A_617 = arith.constant 0 : i32
      %dma_wait3A_618 = tpu.memref_slice %arg5[%dma_wait3A_616, %dma_wait3A_617] : memref<128x64xf32, #tpu.memory_space<vmem_shared>> -> memref<128x64xf32, #tpu.memory_space<vmem_shared>>
      tpu.wait_indirect_dma semaphore(%arg9 : memref<!tpu.dma_semaphore, #tpu.memory_space<semaphore_mem>>) src(%dma_wait3A_618 : memref<128x64xf32, #tpu.memory_space<vmem_shared>>) dst(%dma_wait3A_608 : memref<128x64xf32, #tpu.memory_space<vmem>>)
      %mul3A_619 = arith.constant 2 : i32
      %mul3A_620 = arith.muli %scan3A_459, %mul3A_619 : i32
      %add3A_621 = arith.constant 0 : i32
      %add3A_622 = arith.addi %mul3A_620, %add3A_621 : i32
      %mul3A_623 = arith.constant 128 : i32
      %mul3A_624 = arith.muli %add3A_622, %mul3A_623 : i32
      %add3A_625 = arith.addi %mul3A_4, %mul3A_624 : i32
      %dma_start3A_626 = arith.constant 0 : i32
      %dma_start3A_627 = arith.constant 0 : i32
      %dma_start3A_628 = arith.constant 0 : i32
      %dma_start3A_629 = arith.constant 0 : i32
      %dma_start3A_630 = arith.constant 0 : i32
      %dma_start3A_631 = tpu.memref_slice %arg8[%dma_start3A_626, %dma_start3A_628, %dma_start3A_629, %dma_start3A_630] : memref<2x2x128x64xf32, #tpu.memory_space<vmem>> -> memref<1x2x128x64xf32, #tpu.memory_space<vmem>>
      %dma_start3A_632 = tpu.memref_squeeze %dma_start3A_631 : memref<1x2x128x64xf32, #tpu.memory_space<vmem>> -> memref<2x128x64xf32, #tpu.memory_space<vmem>>
      %dma_start3A_633 = arith.constant 0 : i32
      %dma_start3A_634 = arith.constant 0 : i32
      %dma_start3A_635 = tpu.memref_slice %dma_start3A_632[%dma_start3A_627, %dma_start3A_633, %dma_start3A_634] : memref<2x128x64xf32, #tpu.memory_space<vmem>> -> memref<1x128x64xf32, #tpu.memory_space<vmem>>
      %dma_start3A_636 = tpu.memref_squeeze %dma_start3A_635 : memref<1x128x64xf32, #tpu.memory_space<vmem>> -> memref<128x64xf32, #tpu.memory_space<vmem>>
      %dma_start3A_637 = arith.constant 0 : i32
      %dma_start3A_638 = tpu.memref_slice %arg4[%add3A_625, %dma_start3A_637] : memref<655360x128xf32, #tpu.memory_space<hbm>> -> memref<128x64xf32, #tpu.memory_space<hbm>>
      %dma_start3A_639 = arith.constant 0 : i32
      %dma_start3A_640 = tpu.memref_slice %arg4[%add3A_625, %dma_start3A_639] : memref<655360x128xf32, #tpu.memory_space<hbm>> -> memref<128x64xf32, #tpu.memory_space<hbm>>
      %dma_start3A_641 = arith.constant 0 : i32
      %dma_start3A_642 = arith.constant 0 : i32
      %dma_start3A_643 = arith.constant 0 : i32
      %dma_start3A_644 = tpu.memref_slice %arg8[%dma_start3A_626, %dma_start3A_641, %dma_start3A_642, %dma_start3A_643] : memref<2x2x128x64xf32, #tpu.memory_space<vmem>> -> memref<1x2x128x64xf32, #tpu.memory_space<vmem>>
      %dma_start3A_645 = tpu.memref_squeeze %dma_start3A_644 : memref<1x2x128x64xf32, #tpu.memory_space<vmem>> -> memref<2x128x64xf32, #tpu.memory_space<vmem>>
      %dma_start3A_646 = arith.constant 0 : i32
      %dma_start3A_647 = arith.constant 0 : i32
      %dma_start3A_648 = tpu.memref_slice %dma_start3A_645[%dma_start3A_627, %dma_start3A_646, %dma_start3A_647] : memref<2x128x64xf32, #tpu.memory_space<vmem>> -> memref<1x128x64xf32, #tpu.memory_space<vmem>>
      %dma_start3A_649 = tpu.memref_squeeze %dma_start3A_648 : memref<1x128x64xf32, #tpu.memory_space<vmem>> -> memref<128x64xf32, #tpu.memory_space<vmem>>
      tpu.enqueue_dma source(%dma_start3A_649 : memref<128x64xf32, #tpu.memory_space<vmem>>) target(%dma_start3A_640 : memref<128x64xf32, #tpu.memory_space<hbm>>) target_semaphore(%arg11 : memref<!tpu.dma_semaphore, #tpu.memory_space<semaphore_mem>>)
      %mul3A_650 = arith.constant 2 : i32
      %mul3A_651 = arith.muli %scan3A_459, %mul3A_650 : i32
      %add3A_652 = arith.constant 0 : i32
      %add3A_653 = arith.addi %mul3A_651, %add3A_652 : i32
      %mul3A_654 = arith.constant 128 : i32
      %mul3A_655 = arith.muli %add3A_653, %mul3A_654 : i32
      %add3A_656 = arith.addi %mul3A_4, %mul3A_655 : i32
      %dma_start3A_657 = arith.constant 1 : i32
      %dma_start3A_658 = arith.constant 0 : i32
      %dma_start3A_659 = arith.constant 0 : i32
      %dma_start3A_660 = arith.constant 0 : i32
      %dma_start3A_661 = arith.constant 0 : i32
      %dma_start3A_662 = tpu.memref_slice %arg8[%dma_start3A_657, %dma_start3A_659, %dma_start3A_660, %dma_start3A_661] : memref<2x2x128x64xf32, #tpu.memory_space<vmem>> -> memref<1x2x128x64xf32, #tpu.memory_space<vmem>>
      %dma_start3A_663 = tpu.memref_squeeze %dma_start3A_662 : memref<1x2x128x64xf32, #tpu.memory_space<vmem>> -> memref<2x128x64xf32, #tpu.memory_space<vmem>>
      %dma_start3A_664 = arith.constant 0 : i32
      %dma_start3A_665 = arith.constant 0 : i32
      %dma_start3A_666 = tpu.memref_slice %dma_start3A_663[%dma_start3A_658, %dma_start3A_664, %dma_start3A_665] : memref<2x128x64xf32, #tpu.memory_space<vmem>> -> memref<1x128x64xf32, #tpu.memory_space<vmem>>
      %dma_start3A_667 = tpu.memref_squeeze %dma_start3A_666 : memref<1x128x64xf32, #tpu.memory_space<vmem>> -> memref<128x64xf32, #tpu.memory_space<vmem>>
      %dma_start3A_668 = arith.constant 64 : i32
      %dma_start3A_669 = tpu.memref_slice %arg4[%add3A_656, %dma_start3A_668] : memref<655360x128xf32, #tpu.memory_space<hbm>> -> memref<128x64xf32, #tpu.memory_space<hbm>>
      %dma_start3A_670 = arith.constant 64 : i32
      %dma_start3A_671 = tpu.memref_slice %arg4[%add3A_656, %dma_start3A_670] : memref<655360x128xf32, #tpu.memory_space<hbm>> -> memref<128x64xf32, #tpu.memory_space<hbm>>
      %dma_start3A_672 = arith.constant 0 : i32
      %dma_start3A_673 = arith.constant 0 : i32
      %dma_start3A_674 = arith.constant 0 : i32
      %dma_start3A_675 = tpu.memref_slice %arg8[%dma_start3A_657, %dma_start3A_672, %dma_start3A_673, %dma_start3A_674] : memref<2x2x128x64xf32, #tpu.memory_space<vmem>> -> memref<1x2x128x64xf32, #tpu.memory_space<vmem>>
      %dma_start3A_676 = tpu.memref_squeeze %dma_start3A_675 : memref<1x2x128x64xf32, #tpu.memory_space<vmem>> -> memref<2x128x64xf32, #tpu.memory_space<vmem>>
      %dma_start3A_677 = arith.constant 0 : i32
      %dma_start3A_678 = arith.constant 0 : i32
      %dma_start3A_679 = tpu.memref_slice %dma_start3A_676[%dma_start3A_658, %dma_start3A_677, %dma_start3A_678] : memref<2x128x64xf32, #tpu.memory_space<vmem>> -> memref<1x128x64xf32, #tpu.memory_space<vmem>>
      %dma_start3A_680 = tpu.memref_squeeze %dma_start3A_679 : memref<1x128x64xf32, #tpu.memory_space<vmem>> -> memref<128x64xf32, #tpu.memory_space<vmem>>
      tpu.enqueue_dma source(%dma_start3A_680 : memref<128x64xf32, #tpu.memory_space<vmem>>) target(%dma_start3A_671 : memref<128x64xf32, #tpu.memory_space<hbm>>) target_semaphore(%arg11 : memref<!tpu.dma_semaphore, #tpu.memory_space<semaphore_mem>>)
      %sub3A_681 = arith.constant 1 : i32
      %sub3A_682 = arith.subi %scan3A_459, %sub3A_681 : i32
      %mul3A_683 = arith.constant 2 : i32
      %mul3A_684 = arith.muli %sub3A_682, %mul3A_683 : i32
      %add3A_685 = arith.constant 1 : i32
      %add3A_686 = arith.addi %mul3A_684, %add3A_685 : i32
      %mul3A_687 = arith.constant 128 : i32
      %mul3A_688 = arith.muli %add3A_686, %mul3A_687 : i32
      %add3A_689 = arith.addi %mul3A_4, %mul3A_688 : i32
      %dma_wait3A_690 = arith.constant 0 : i32
      %dma_wait3A_691 = arith.constant 1 : i32
      %dma_wait3A_692 = arith.constant 0 : i32
      %dma_wait3A_693 = arith.constant 0 : i32
      %dma_wait3A_694 = arith.constant 0 : i32
      %dma_wait3A_695 = tpu.memref_slice %arg8[%dma_wait3A_690, %dma_wait3A_692, %dma_wait3A_693, %dma_wait3A_694] : memref<2x2x128x64xf32, #tpu.memory_space<vmem>> -> memref<1x2x128x64xf32, #tpu.memory_space<vmem>>
      %dma_wait3A_696 = tpu.memref_squeeze %dma_wait3A_695 : memref<1x2x128x64xf32, #tpu.memory_space<vmem>> -> memref<2x128x64xf32, #tpu.memory_space<vmem>>
      %dma_wait3A_697 = arith.constant 0 : i32
      %dma_wait3A_698 = arith.constant 0 : i32
      %dma_wait3A_699 = tpu.memref_slice %dma_wait3A_696[%dma_wait3A_691, %dma_wait3A_697, %dma_wait3A_698] : memref<2x128x64xf32, #tpu.memory_space<vmem>> -> memref<1x128x64xf32, #tpu.memory_space<vmem>>
      %dma_wait3A_700 = tpu.memref_squeeze %dma_wait3A_699 : memref<1x128x64xf32, #tpu.memory_space<vmem>> -> memref<128x64xf32, #tpu.memory_space<vmem>>
      %dma_wait3A_701 = arith.constant 0 : i32
      %dma_wait3A_702 = tpu.memref_slice %arg4[%add3A_689, %dma_wait3A_701] : memref<655360x128xf32, #tpu.memory_space<hbm>> -> memref<128x64xf32, #tpu.memory_space<hbm>>
      %dma_wait3A_703 = arith.constant 0 : i32
      %dma_wait3A_704 = tpu.memref_slice %arg4[%add3A_689, %dma_wait3A_703] : memref<655360x128xf32, #tpu.memory_space<hbm>> -> memref<128x64xf32, #tpu.memory_space<hbm>>
      %dma_wait3A_705 = arith.constant 0 : i32
      %dma_wait3A_706 = arith.constant 0 : i32
      %dma_wait3A_707 = arith.constant 0 : i32
      %dma_wait3A_708 = tpu.memref_slice %arg8[%dma_wait3A_690, %dma_wait3A_705, %dma_wait3A_706, %dma_wait3A_707] : memref<2x2x128x64xf32, #tpu.memory_space<vmem>> -> memref<1x2x128x64xf32, #tpu.memory_space<vmem>>
      %dma_wait3A_709 = tpu.memref_squeeze %dma_wait3A_708 : memref<1x2x128x64xf32, #tpu.memory_space<vmem>> -> memref<2x128x64xf32, #tpu.memory_space<vmem>>
      %dma_wait3A_710 = arith.constant 0 : i32
      %dma_wait3A_711 = arith.constant 0 : i32
      %dma_wait3A_712 = tpu.memref_slice %dma_wait3A_709[%dma_wait3A_691, %dma_wait3A_710, %dma_wait3A_711] : memref<2x128x64xf32, #tpu.memory_space<vmem>> -> memref<1x128x64xf32, #tpu.memory_space<vmem>>
      %dma_wait3A_713 = tpu.memref_squeeze %dma_wait3A_712 : memref<1x128x64xf32, #tpu.memory_space<vmem>> -> memref<128x64xf32, #tpu.memory_space<vmem>>
      tpu.wait_dma2 semaphore(%arg12 : memref<!tpu.dma_semaphore, #tpu.memory_space<semaphore_mem>>) src(%dma_wait3A_713 : memref<128x64xf32, #tpu.memory_space<vmem>>) dst(%dma_wait3A_704 : memref<128x64xf32, #tpu.memory_space<hbm>>)
      %mul3A_714 = arith.constant 2 : i32
      %mul3A_715 = arith.muli %sub3A_682, %mul3A_714 : i32
      %add3A_716 = arith.constant 1 : i32
      %add3A_717 = arith.addi %mul3A_715, %add3A_716 : i32
      %mul3A_718 = arith.constant 128 : i32
      %mul3A_719 = arith.muli %add3A_717, %mul3A_718 : i32
      %add3A_720 = arith.addi %mul3A_4, %mul3A_719 : i32
      %dma_wait3A_721 = arith.constant 1 : i32
      %dma_wait3A_722 = arith.constant 1 : i32
      %dma_wait3A_723 = arith.constant 0 : i32
      %dma_wait3A_724 = arith.constant 0 : i32
      %dma_wait3A_725 = arith.constant 0 : i32
      %dma_wait3A_726 = tpu.memref_slice %arg8[%dma_wait3A_721, %dma_wait3A_723, %dma_wait3A_724, %dma_wait3A_725] : memref<2x2x128x64xf32, #tpu.memory_space<vmem>> -> memref<1x2x128x64xf32, #tpu.memory_space<vmem>>
      %dma_wait3A_727 = tpu.memref_squeeze %dma_wait3A_726 : memref<1x2x128x64xf32, #tpu.memory_space<vmem>> -> memref<2x128x64xf32, #tpu.memory_space<vmem>>
      %dma_wait3A_728 = arith.constant 0 : i32
      %dma_wait3A_729 = arith.constant 0 : i32
      %dma_wait3A_730 = tpu.memref_slice %dma_wait3A_727[%dma_wait3A_722, %dma_wait3A_728, %dma_wait3A_729] : memref<2x128x64xf32, #tpu.memory_space<vmem>> -> memref<1x128x64xf32, #tpu.memory_space<vmem>>
      %dma_wait3A_731 = tpu.memref_squeeze %dma_wait3A_730 : memref<1x128x64xf32, #tpu.memory_space<vmem>> -> memref<128x64xf32, #tpu.memory_space<vmem>>
      %dma_wait3A_732 = arith.constant 64 : i32
      %dma_wait3A_733 = tpu.memref_slice %arg4[%add3A_720, %dma_wait3A_732] : memref<655360x128xf32, #tpu.memory_space<hbm>> -> memref<128x64xf32, #tpu.memory_space<hbm>>
      %dma_wait3A_734 = arith.constant 64 : i32
      %dma_wait3A_735 = tpu.memref_slice %arg4[%add3A_720, %dma_wait3A_734] : memref<655360x128xf32, #tpu.memory_space<hbm>> -> memref<128x64xf32, #tpu.memory_space<hbm>>
      %dma_wait3A_736 = arith.constant 0 : i32
      %dma_wait3A_737 = arith.constant 0 : i32
      %dma_wait3A_738 = arith.constant 0 : i32
      %dma_wait3A_739 = tpu.memref_slice %arg8[%dma_wait3A_721, %dma_wait3A_736, %dma_wait3A_737, %dma_wait3A_738] : memref<2x2x128x64xf32, #tpu.memory_space<vmem>> -> memref<1x2x128x64xf32, #tpu.memory_space<vmem>>
      %dma_wait3A_740 = tpu.memref_squeeze %dma_wait3A_739 : memref<1x2x128x64xf32, #tpu.memory_space<vmem>> -> memref<2x128x64xf32, #tpu.memory_space<vmem>>
      %dma_wait3A_741 = arith.constant 0 : i32
      %dma_wait3A_742 = arith.constant 0 : i32
      %dma_wait3A_743 = tpu.memref_slice %dma_wait3A_740[%dma_wait3A_722, %dma_wait3A_741, %dma_wait3A_742] : memref<2x128x64xf32, #tpu.memory_space<vmem>> -> memref<1x128x64xf32, #tpu.memory_space<vmem>>
      %dma_wait3A_744 = tpu.memref_squeeze %dma_wait3A_743 : memref<1x128x64xf32, #tpu.memory_space<vmem>> -> memref<128x64xf32, #tpu.memory_space<vmem>>
      tpu.wait_dma2 semaphore(%arg12 : memref<!tpu.dma_semaphore, #tpu.memory_space<semaphore_mem>>) src(%dma_wait3A_744 : memref<128x64xf32, #tpu.memory_space<vmem>>) dst(%dma_wait3A_735 : memref<128x64xf32, #tpu.memory_space<hbm>>)
      %mul3A_745 = arith.constant 2 : i32
      %mul3A_746 = arith.muli %scan3A_459, %mul3A_745 : i32
      %add3A_747 = arith.constant 1 : i32
      %add3A_748 = arith.addi %mul3A_746, %add3A_747 : i32
      %dma_start3A_749 = arith.constant 0 : i32
      %dma_start3A_750 = arith.constant 0 : i32
      %dma_start3A_751 = arith.constant 1 : i32
      %dma_start3A_752 = arith.constant 0 : i32
      %dma_start3A_753 = arith.constant 0 : i32
      %dma_start3A_754 = arith.constant 0 : i32
      %dma_start3A_755 = tpu.memref_slice %arg8[%dma_start3A_750, %dma_start3A_752, %dma_start3A_753, %dma_start3A_754] : memref<2x2x128x64xf32, #tpu.memory_space<vmem>> -> memref<1x2x128x64xf32, #tpu.memory_space<vmem>>
      %dma_start3A_756 = tpu.memref_squeeze %dma_start3A_755 : memref<1x2x128x64xf32, #tpu.memory_space<vmem>> -> memref<2x128x64xf32, #tpu.memory_space<vmem>>
      %dma_start3A_757 = arith.constant 0 : i32
      %dma_start3A_758 = arith.constant 0 : i32
      %dma_start3A_759 = tpu.memref_slice %dma_start3A_756[%dma_start3A_751, %dma_start3A_757, %dma_start3A_758] : memref<2x128x64xf32, #tpu.memory_space<vmem>> -> memref<1x128x64xf32, #tpu.memory_space<vmem>>
      %dma_start3A_760 = tpu.memref_squeeze %dma_start3A_759 : memref<1x128x64xf32, #tpu.memory_space<vmem>> -> memref<128x64xf32, #tpu.memory_space<vmem>>
      %dma_start3A_761 = arith.constant 0 : i32
      %dma_start3A_762 = arith.constant 0 : i32
      %dma_start3A_763 = tpu.memref_slice %arg7[%dma_start3A_749, %dma_start3A_761, %dma_start3A_762] : memref<2x160x128xi32, #tpu.memory_space<vmem>> -> memref<1x160x128xi32, #tpu.memory_space<vmem>>
      %dma_start3A_764 = tpu.memref_squeeze %dma_start3A_763 : memref<1x160x128xi32, #tpu.memory_space<vmem>> -> memref<160x128xi32, #tpu.memory_space<vmem>>
      %dma_start3A_765 = arith.constant 0 : i32
      %dma_start3A_766 = tpu.memref_slice %dma_start3A_764[%add3A_748, %dma_start3A_765] : memref<160x128xi32, #tpu.memory_space<vmem>> -> memref<1x128xi32, #tpu.memory_space<vmem>>
      %dma_start3A_767 = tpu.memref_squeeze %dma_start3A_766 : memref<1x128xi32, #tpu.memory_space<vmem>> -> memref<128xi32, #tpu.memory_space<vmem>>
      %dma_start3A_768 = arith.constant 0 : i32
      %dma_start3A_769 = arith.constant 0 : i32
      %dma_start3A_770 = tpu.memref_slice %arg5[%dma_start3A_768, %dma_start3A_769] : memref<128x64xf32, #tpu.memory_space<vmem_shared>> -> memref<128x64xf32, #tpu.memory_space<vmem_shared>>
      tpu.enqueue_indirect_dma source(%dma_start3A_770 : memref<128x64xf32, #tpu.memory_space<vmem_shared>>) target(%dma_start3A_760 : memref<128x64xf32, #tpu.memory_space<vmem>>) offsets(%dma_start3A_767 : memref<128xi32, #tpu.memory_space<vmem>>) semaphore(%arg10 : memref<!tpu.dma_semaphore, #tpu.memory_space<semaphore_mem>>)
      %dma_start3A_771 = arith.constant 1 : i32
      %dma_start3A_772 = arith.constant 1 : i32
      %dma_start3A_773 = arith.constant 1 : i32
      %dma_start3A_774 = arith.constant 0 : i32
      %dma_start3A_775 = arith.constant 0 : i32
      %dma_start3A_776 = arith.constant 0 : i32
      %dma_start3A_777 = tpu.memref_slice %arg8[%dma_start3A_772, %dma_start3A_774, %dma_start3A_775, %dma_start3A_776] : memref<2x2x128x64xf32, #tpu.memory_space<vmem>> -> memref<1x2x128x64xf32, #tpu.memory_space<vmem>>
      %dma_start3A_778 = tpu.memref_squeeze %dma_start3A_777 : memref<1x2x128x64xf32, #tpu.memory_space<vmem>> -> memref<2x128x64xf32, #tpu.memory_space<vmem>>
      %dma_start3A_779 = arith.constant 0 : i32
      %dma_start3A_780 = arith.constant 0 : i32
      %dma_start3A_781 = tpu.memref_slice %dma_start3A_778[%dma_start3A_773, %dma_start3A_779, %dma_start3A_780] : memref<2x128x64xf32, #tpu.memory_space<vmem>> -> memref<1x128x64xf32, #tpu.memory_space<vmem>>
      %dma_start3A_782 = tpu.memref_squeeze %dma_start3A_781 : memref<1x128x64xf32, #tpu.memory_space<vmem>> -> memref<128x64xf32, #tpu.memory_space<vmem>>
      %dma_start3A_783 = arith.constant 0 : i32
      %dma_start3A_784 = arith.constant 0 : i32
      %dma_start3A_785 = tpu.memref_slice %arg7[%dma_start3A_771, %dma_start3A_783, %dma_start3A_784] : memref<2x160x128xi32, #tpu.memory_space<vmem>> -> memref<1x160x128xi32, #tpu.memory_space<vmem>>
      %dma_start3A_786 = tpu.memref_squeeze %dma_start3A_785 : memref<1x160x128xi32, #tpu.memory_space<vmem>> -> memref<160x128xi32, #tpu.memory_space<vmem>>
      %dma_start3A_787 = arith.constant 0 : i32
      %dma_start3A_788 = tpu.memref_slice %dma_start3A_786[%add3A_748, %dma_start3A_787] : memref<160x128xi32, #tpu.memory_space<vmem>> -> memref<1x128xi32, #tpu.memory_space<vmem>>
      %dma_start3A_789 = tpu.memref_squeeze %dma_start3A_788 : memref<1x128xi32, #tpu.memory_space<vmem>> -> memref<128xi32, #tpu.memory_space<vmem>>
      %dma_start3A_790 = arith.constant 0 : i32
      %dma_start3A_791 = arith.constant 0 : i32
      %dma_start3A_792 = tpu.memref_slice %arg5[%dma_start3A_790, %dma_start3A_791] : memref<128x64xf32, #tpu.memory_space<vmem_shared>> -> memref<128x64xf32, #tpu.memory_space<vmem_shared>>
      tpu.enqueue_indirect_dma source(%dma_start3A_792 : memref<128x64xf32, #tpu.memory_space<vmem_shared>>) target(%dma_start3A_782 : memref<128x64xf32, #tpu.memory_space<vmem>>) offsets(%dma_start3A_789 : memref<128xi32, #tpu.memory_space<vmem>>) semaphore(%arg10 : memref<!tpu.dma_semaphore, #tpu.memory_space<semaphore_mem>>)
      %mul3A_793 = arith.constant 2 : i32
      %mul3A_794 = arith.muli %scan3A_459, %mul3A_793 : i32
      %add3A_795 = arith.constant 1 : i32
      %add3A_796 = arith.addi %mul3A_794, %add3A_795 : i32
      %dma_wait3A_797 = arith.constant 0 : i32
      %dma_wait3A_798 = arith.constant 0 : i32
      %dma_wait3A_799 = arith.constant 1 : i32
      %dma_wait3A_800 = arith.constant 0 : i32
      %dma_wait3A_801 = arith.constant 0 : i32
      %dma_wait3A_802 = arith.constant 0 : i32
      %dma_wait3A_803 = tpu.memref_slice %arg8[%dma_wait3A_798, %dma_wait3A_800, %dma_wait3A_801, %dma_wait3A_802] : memref<2x2x128x64xf32, #tpu.memory_space<vmem>> -> memref<1x2x128x64xf32, #tpu.memory_space<vmem>>
      %dma_wait3A_804 = tpu.memref_squeeze %dma_wait3A_803 : memref<1x2x128x64xf32, #tpu.memory_space<vmem>> -> memref<2x128x64xf32, #tpu.memory_space<vmem>>
      %dma_wait3A_805 = arith.constant 0 : i32
      %dma_wait3A_806 = arith.constant 0 : i32
      %dma_wait3A_807 = tpu.memref_slice %dma_wait3A_804[%dma_wait3A_799, %dma_wait3A_805, %dma_wait3A_806] : memref<2x128x64xf32, #tpu.memory_space<vmem>> -> memref<1x128x64xf32, #tpu.memory_space<vmem>>
      %dma_wait3A_808 = tpu.memref_squeeze %dma_wait3A_807 : memref<1x128x64xf32, #tpu.memory_space<vmem>> -> memref<128x64xf32, #tpu.memory_space<vmem>>
      %dma_wait3A_809 = arith.constant 0 : i32
      %dma_wait3A_810 = arith.constant 0 : i32
      %dma_wait3A_811 = tpu.memref_slice %arg7[%dma_wait3A_797, %dma_wait3A_809, %dma_wait3A_810] : memref<2x160x128xi32, #tpu.memory_space<vmem>> -> memref<1x160x128xi32, #tpu.memory_space<vmem>>
      %dma_wait3A_812 = tpu.memref_squeeze %dma_wait3A_811 : memref<1x160x128xi32, #tpu.memory_space<vmem>> -> memref<160x128xi32, #tpu.memory_space<vmem>>
      %dma_wait3A_813 = arith.constant 0 : i32
      %dma_wait3A_814 = tpu.memref_slice %dma_wait3A_812[%add3A_796, %dma_wait3A_813] : memref<160x128xi32, #tpu.memory_space<vmem>> -> memref<1x128xi32, #tpu.memory_space<vmem>>
      %dma_wait3A_815 = tpu.memref_squeeze %dma_wait3A_814 : memref<1x128xi32, #tpu.memory_space<vmem>> -> memref<128xi32, #tpu.memory_space<vmem>>
      %dma_wait3A_816 = arith.constant 0 : i32
      %dma_wait3A_817 = arith.constant 0 : i32
      %dma_wait3A_818 = tpu.memref_slice %arg5[%dma_wait3A_816, %dma_wait3A_817] : memref<128x64xf32, #tpu.memory_space<vmem_shared>> -> memref<128x64xf32, #tpu.memory_space<vmem_shared>>
      tpu.wait_indirect_dma semaphore(%arg10 : memref<!tpu.dma_semaphore, #tpu.memory_space<semaphore_mem>>) src(%dma_wait3A_818 : memref<128x64xf32, #tpu.memory_space<vmem_shared>>) dst(%dma_wait3A_808 : memref<128x64xf32, #tpu.memory_space<vmem>>)
      %dma_wait3A_819 = arith.constant 1 : i32
      %dma_wait3A_820 = arith.constant 1 : i32
      %dma_wait3A_821 = arith.constant 1 : i32
      %dma_wait3A_822 = arith.constant 0 : i32
      %dma_wait3A_823 = arith.constant 0 : i32
      %dma_wait3A_824 = arith.constant 0 : i32
      %dma_wait3A_825 = tpu.memref_slice %arg8[%dma_wait3A_820, %dma_wait3A_822, %dma_wait3A_823, %dma_wait3A_824] : memref<2x2x128x64xf32, #tpu.memory_space<vmem>> -> memref<1x2x128x64xf32, #tpu.memory_space<vmem>>
      %dma_wait3A_826 = tpu.memref_squeeze %dma_wait3A_825 : memref<1x2x128x64xf32, #tpu.memory_space<vmem>> -> memref<2x128x64xf32, #tpu.memory_space<vmem>>
      %dma_wait3A_827 = arith.constant 0 : i32
      %dma_wait3A_828 = arith.constant 0 : i32
      %dma_wait3A_829 = tpu.memref_slice %dma_wait3A_826[%dma_wait3A_821, %dma_wait3A_827, %dma_wait3A_828] : memref<2x128x64xf32, #tpu.memory_space<vmem>> -> memref<1x128x64xf32, #tpu.memory_space<vmem>>
      %dma_wait3A_830 = tpu.memref_squeeze %dma_wait3A_829 : memref<1x128x64xf32, #tpu.memory_space<vmem>> -> memref<128x64xf32, #tpu.memory_space<vmem>>
      %dma_wait3A_831 = arith.constant 0 : i32
      %dma_wait3A_832 = arith.constant 0 : i32
      %dma_wait3A_833 = tpu.memref_slice %arg7[%dma_wait3A_819, %dma_wait3A_831, %dma_wait3A_832] : memref<2x160x128xi32, #tpu.memory_space<vmem>> -> memref<1x160x128xi32, #tpu.memory_space<vmem>>
      %dma_wait3A_834 = tpu.memref_squeeze %dma_wait3A_833 : memref<1x160x128xi32, #tpu.memory_space<vmem>> -> memref<160x128xi32, #tpu.memory_space<vmem>>
      %dma_wait3A_835 = arith.constant 0 : i32
      %dma_wait3A_836 = tpu.memref_slice %dma_wait3A_834[%add3A_796, %dma_wait3A_835] : memref<160x128xi32, #tpu.memory_space<vmem>> -> memref<1x128xi32, #tpu.memory_space<vmem>>
      %dma_wait3A_837 = tpu.memref_squeeze %dma_wait3A_836 : memref<1x128xi32, #tpu.memory_space<vmem>> -> memref<128xi32, #tpu.memory_space<vmem>>
      %dma_wait3A_838 = arith.constant 0 : i32
      %dma_wait3A_839 = arith.constant 0 : i32
      %dma_wait3A_840 = tpu.memref_slice %arg5[%dma_wait3A_838, %dma_wait3A_839] : memref<128x64xf32, #tpu.memory_space<vmem_shared>> -> memref<128x64xf32, #tpu.memory_space<vmem_shared>>
      tpu.wait_indirect_dma semaphore(%arg10 : memref<!tpu.dma_semaphore, #tpu.memory_space<semaphore_mem>>) src(%dma_wait3A_840 : memref<128x64xf32, #tpu.memory_space<vmem_shared>>) dst(%dma_wait3A_830 : memref<128x64xf32, #tpu.memory_space<vmem>>)
      %mul3A_841 = arith.constant 2 : i32
      %mul3A_842 = arith.muli %scan3A_459, %mul3A_841 : i32
      %add3A_843 = arith.constant 1 : i32
      %add3A_844 = arith.addi %mul3A_842, %add3A_843 : i32
      %mul3A_845 = arith.constant 128 : i32
      %mul3A_846 = arith.muli %add3A_844, %mul3A_845 : i32
      %add3A_847 = arith.addi %mul3A_4, %mul3A_846 : i32
      %dma_start3A_848 = arith.constant 0 : i32
      %dma_start3A_849 = arith.constant 1 : i32
      %dma_start3A_850 = arith.constant 0 : i32
      %dma_start3A_851 = arith.constant 0 : i32
      %dma_start3A_852 = arith.constant 0 : i32
      %dma_start3A_853 = tpu.memref_slice %arg8[%dma_start3A_848, %dma_start3A_850, %dma_start3A_851, %dma_start3A_852] : memref<2x2x128x64xf32, #tpu.memory_space<vmem>> -> memref<1x2x128x64xf32, #tpu.memory_space<vmem>>
      %dma_start3A_854 = tpu.memref_squeeze %dma_start3A_853 : memref<1x2x128x64xf32, #tpu.memory_space<vmem>> -> memref<2x128x64xf32, #tpu.memory_space<vmem>>
      %dma_start3A_855 = arith.constant 0 : i32
      %dma_start3A_856 = arith.constant 0 : i32
      %dma_start3A_857 = tpu.memref_slice %dma_start3A_854[%dma_start3A_849, %dma_start3A_855, %dma_start3A_856] : memref<2x128x64xf32, #tpu.memory_space<vmem>> -> memref<1x128x64xf32, #tpu.memory_space<vmem>>
      %dma_start3A_858 = tpu.memref_squeeze %dma_start3A_857 : memref<1x128x64xf32, #tpu.memory_space<vmem>> -> memref<128x64xf32, #tpu.memory_space<vmem>>
      %dma_start3A_859 = arith.constant 0 : i32
      %dma_start3A_860 = tpu.memref_slice %arg4[%add3A_847, %dma_start3A_859] : memref<655360x128xf32, #tpu.memory_space<hbm>> -> memref<128x64xf32, #tpu.memory_space<hbm>>
      %dma_start3A_861 = arith.constant 0 : i32
      %dma_start3A_862 = tpu.memref_slice %arg4[%add3A_847, %dma_start3A_861] : memref<655360x128xf32, #tpu.memory_space<hbm>> -> memref<128x64xf32, #tpu.memory_space<hbm>>
      %dma_start3A_863 = arith.constant 0 : i32
      %dma_start3A_864 = arith.constant 0 : i32
      %dma_start3A_865 = arith.constant 0 : i32
      %dma_start3A_866 = tpu.memref_slice %arg8[%dma_start3A_848, %dma_start3A_863, %dma_start3A_864, %dma_start3A_865] : memref<2x2x128x64xf32, #tpu.memory_space<vmem>> -> memref<1x2x128x64xf32, #tpu.memory_space<vmem>>
      %dma_start3A_867 = tpu.memref_squeeze %dma_start3A_866 : memref<1x2x128x64xf32, #tpu.memory_space<vmem>> -> memref<2x128x64xf32, #tpu.memory_space<vmem>>
      %dma_start3A_868 = arith.constant 0 : i32
      %dma_start3A_869 = arith.constant 0 : i32
      %dma_start3A_870 = tpu.memref_slice %dma_start3A_867[%dma_start3A_849, %dma_start3A_868, %dma_start3A_869] : memref<2x128x64xf32, #tpu.memory_space<vmem>> -> memref<1x128x64xf32, #tpu.memory_space<vmem>>
      %dma_start3A_871 = tpu.memref_squeeze %dma_start3A_870 : memref<1x128x64xf32, #tpu.memory_space<vmem>> -> memref<128x64xf32, #tpu.memory_space<vmem>>
      tpu.enqueue_dma source(%dma_start3A_871 : memref<128x64xf32, #tpu.memory_space<vmem>>) target(%dma_start3A_862 : memref<128x64xf32, #tpu.memory_space<hbm>>) target_semaphore(%arg12 : memref<!tpu.dma_semaphore, #tpu.memory_space<semaphore_mem>>)
      %mul3A_872 = arith.constant 2 : i32
      %mul3A_873 = arith.muli %scan3A_459, %mul3A_872 : i32
      %add3A_874 = arith.constant 1 : i32
      %add3A_875 = arith.addi %mul3A_873, %add3A_874 : i32
      %mul3A_876 = arith.constant 128 : i32
      %mul3A_877 = arith.muli %add3A_875, %mul3A_876 : i32
      %add3A_878 = arith.addi %mul3A_4, %mul3A_877 : i32
      %dma_start3A_879 = arith.constant 1 : i32
      %dma_start3A_880 = arith.constant 1 : i32
      %dma_start3A_881 = arith.constant 0 : i32
      %dma_start3A_882 = arith.constant 0 : i32
      %dma_start3A_883 = arith.constant 0 : i32
      %dma_start3A_884 = tpu.memref_slice %arg8[%dma_start3A_879, %dma_start3A_881, %dma_start3A_882, %dma_start3A_883] : memref<2x2x128x64xf32, #tpu.memory_space<vmem>> -> memref<1x2x128x64xf32, #tpu.memory_space<vmem>>
      %dma_start3A_885 = tpu.memref_squeeze %dma_start3A_884 : memref<1x2x128x64xf32, #tpu.memory_space<vmem>> -> memref<2x128x64xf32, #tpu.memory_space<vmem>>
      %dma_start3A_886 = arith.constant 0 : i32
      %dma_start3A_887 = arith.constant 0 : i32
      %dma_start3A_888 = tpu.memref_slice %dma_start3A_885[%dma_start3A_880, %dma_start3A_886, %dma_start3A_887] : memref<2x128x64xf32, #tpu.memory_space<vmem>> -> memref<1x128x64xf32, #tpu.memory_space<vmem>>
      %dma_start3A_889 = tpu.memref_squeeze %dma_start3A_888 : memref<1x128x64xf32, #tpu.memory_space<vmem>> -> memref<128x64xf32, #tpu.memory_space<vmem>>
      %dma_start3A_890 = arith.constant 64 : i32
      %dma_start3A_891 = tpu.memref_slice %arg4[%add3A_878, %dma_start3A_890] : memref<655360x128xf32, #tpu.memory_space<hbm>> -> memref<128x64xf32, #tpu.memory_space<hbm>>
      %dma_start3A_892 = arith.constant 64 : i32
      %dma_start3A_893 = tpu.memref_slice %arg4[%add3A_878, %dma_start3A_892] : memref<655360x128xf32, #tpu.memory_space<hbm>> -> memref<128x64xf32, #tpu.memory_space<hbm>>
      %dma_start3A_894 = arith.constant 0 : i32
      %dma_start3A_895 = arith.constant 0 : i32
      %dma_start3A_896 = arith.constant 0 : i32
      %dma_start3A_897 = tpu.memref_slice %arg8[%dma_start3A_879, %dma_start3A_894, %dma_start3A_895, %dma_start3A_896] : memref<2x2x128x64xf32, #tpu.memory_space<vmem>> -> memref<1x2x128x64xf32, #tpu.memory_space<vmem>>
      %dma_start3A_898 = tpu.memref_squeeze %dma_start3A_897 : memref<1x2x128x64xf32, #tpu.memory_space<vmem>> -> memref<2x128x64xf32, #tpu.memory_space<vmem>>
      %dma_start3A_899 = arith.constant 0 : i32
      %dma_start3A_900 = arith.constant 0 : i32
      %dma_start3A_901 = tpu.memref_slice %dma_start3A_898[%dma_start3A_880, %dma_start3A_899, %dma_start3A_900] : memref<2x128x64xf32, #tpu.memory_space<vmem>> -> memref<1x128x64xf32, #tpu.memory_space<vmem>>
      %dma_start3A_902 = tpu.memref_squeeze %dma_start3A_901 : memref<1x128x64xf32, #tpu.memory_space<vmem>> -> memref<128x64xf32, #tpu.memory_space<vmem>>
      tpu.enqueue_dma source(%dma_start3A_902 : memref<128x64xf32, #tpu.memory_space<vmem>>) target(%dma_start3A_893 : memref<128x64xf32, #tpu.memory_space<hbm>>) target_semaphore(%arg12 : memref<!tpu.dma_semaphore, #tpu.memory_space<semaphore_mem>>)
    }
    %scan3A_354 = arith.constant 79 : i32
    %add3A_355 = arith.constant 20224 : i32
    %add3A_356 = arith.addi %mul3A_4, %add3A_355 : i32
    %dma_wait3A_357 = arith.constant 0 : i32
    %dma_wait3A_358 = arith.constant 0 : i32
    %dma_wait3A_359 = arith.constant 0 : i32
    %dma_wait3A_360 = arith.constant 0 : i32
    %dma_wait3A_361 = arith.constant 0 : i32
    %dma_wait3A_362 = tpu.memref_slice %arg8[%dma_wait3A_357, %dma_wait3A_359, %dma_wait3A_360, %dma_wait3A_361] : memref<2x2x128x64xf32, #tpu.memory_space<vmem>> -> memref<1x2x128x64xf32, #tpu.memory_space<vmem>>
    %dma_wait3A_363 = tpu.memref_squeeze %dma_wait3A_362 : memref<1x2x128x64xf32, #tpu.memory_space<vmem>> -> memref<2x128x64xf32, #tpu.memory_space<vmem>>
    %dma_wait3A_364 = arith.constant 0 : i32
    %dma_wait3A_365 = arith.constant 0 : i32
    %dma_wait3A_366 = tpu.memref_slice %dma_wait3A_363[%dma_wait3A_358, %dma_wait3A_364, %dma_wait3A_365] : memref<2x128x64xf32, #tpu.memory_space<vmem>> -> memref<1x128x64xf32, #tpu.memory_space<vmem>>
    %dma_wait3A_367 = tpu.memref_squeeze %dma_wait3A_366 : memref<1x128x64xf32, #tpu.memory_space<vmem>> -> memref<128x64xf32, #tpu.memory_space<vmem>>
    %dma_wait3A_368 = arith.constant 0 : i32
    %dma_wait3A_369 = tpu.memref_slice %arg4[%add3A_356, %dma_wait3A_368] : memref<655360x128xf32, #tpu.memory_space<hbm>> -> memref<128x64xf32, #tpu.memory_space<hbm>>
    %dma_wait3A_370 = arith.constant 0 : i32
    %dma_wait3A_371 = tpu.memref_slice %arg4[%add3A_356, %dma_wait3A_370] : memref<655360x128xf32, #tpu.memory_space<hbm>> -> memref<128x64xf32, #tpu.memory_space<hbm>>
    %dma_wait3A_372 = arith.constant 0 : i32
    %dma_wait3A_373 = arith.constant 0 : i32
    %dma_wait3A_374 = arith.constant 0 : i32
    %dma_wait3A_375 = tpu.memref_slice %arg8[%dma_wait3A_357, %dma_wait3A_372, %dma_wait3A_373, %dma_wait3A_374] : memref<2x2x128x64xf32, #tpu.memory_space<vmem>> -> memref<1x2x128x64xf32, #tpu.memory_space<vmem>>
    %dma_wait3A_376 = tpu.memref_squeeze %dma_wait3A_375 : memref<1x2x128x64xf32, #tpu.memory_space<vmem>> -> memref<2x128x64xf32, #tpu.memory_space<vmem>>
    %dma_wait3A_377 = arith.constant 0 : i32
    %dma_wait3A_378 = arith.constant 0 : i32
    %dma_wait3A_379 = tpu.memref_slice %dma_wait3A_376[%dma_wait3A_358, %dma_wait3A_377, %dma_wait3A_378] : memref<2x128x64xf32, #tpu.memory_space<vmem>> -> memref<1x128x64xf32, #tpu.memory_space<vmem>>
    %dma_wait3A_380 = tpu.memref_squeeze %dma_wait3A_379 : memref<1x128x64xf32, #tpu.memory_space<vmem>> -> memref<128x64xf32, #tpu.memory_space<vmem>>
    tpu.wait_dma2 semaphore(%arg11 : memref<!tpu.dma_semaphore, #tpu.memory_space<semaphore_mem>>) src(%dma_wait3A_380 : memref<128x64xf32, #tpu.memory_space<vmem>>) dst(%dma_wait3A_371 : memref<128x64xf32, #tpu.memory_space<hbm>>)
    %add3A_381 = arith.constant 20224 : i32
    %add3A_382 = arith.addi %mul3A_4, %add3A_381 : i32
    %dma_wait3A_383 = arith.constant 1 : i32
    %dma_wait3A_384 = arith.constant 0 : i32
    %dma_wait3A_385 = arith.constant 0 : i32
    %dma_wait3A_386 = arith.constant 0 : i32
    %dma_wait3A_387 = arith.constant 0 : i32
    %dma_wait3A_388 = tpu.memref_slice %arg8[%dma_wait3A_383, %dma_wait3A_385, %dma_wait3A_386, %dma_wait3A_387] : memref<2x2x128x64xf32, #tpu.memory_space<vmem>> -> memref<1x2x128x64xf32, #tpu.memory_space<vmem>>
    %dma_wait3A_389 = tpu.memref_squeeze %dma_wait3A_388 : memref<1x2x128x64xf32, #tpu.memory_space<vmem>> -> memref<2x128x64xf32, #tpu.memory_space<vmem>>
    %dma_wait3A_390 = arith.constant 0 : i32
    %dma_wait3A_391 = arith.constant 0 : i32
    %dma_wait3A_392 = tpu.memref_slice %dma_wait3A_389[%dma_wait3A_384, %dma_wait3A_390, %dma_wait3A_391] : memref<2x128x64xf32, #tpu.memory_space<vmem>> -> memref<1x128x64xf32, #tpu.memory_space<vmem>>
    %dma_wait3A_393 = tpu.memref_squeeze %dma_wait3A_392 : memref<1x128x64xf32, #tpu.memory_space<vmem>> -> memref<128x64xf32, #tpu.memory_space<vmem>>
    %dma_wait3A_394 = arith.constant 64 : i32
    %dma_wait3A_395 = tpu.memref_slice %arg4[%add3A_382, %dma_wait3A_394] : memref<655360x128xf32, #tpu.memory_space<hbm>> -> memref<128x64xf32, #tpu.memory_space<hbm>>
    %dma_wait3A_396 = arith.constant 64 : i32
    %dma_wait3A_397 = tpu.memref_slice %arg4[%add3A_382, %dma_wait3A_396] : memref<655360x128xf32, #tpu.memory_space<hbm>> -> memref<128x64xf32, #tpu.memory_space<hbm>>
    %dma_wait3A_398 = arith.constant 0 : i32
    %dma_wait3A_399 = arith.constant 0 : i32
    %dma_wait3A_400 = arith.constant 0 : i32
    %dma_wait3A_401 = tpu.memref_slice %arg8[%dma_wait3A_383, %dma_wait3A_398, %dma_wait3A_399, %dma_wait3A_400] : memref<2x2x128x64xf32, #tpu.memory_space<vmem>> -> memref<1x2x128x64xf32, #tpu.memory_space<vmem>>
    %dma_wait3A_402 = tpu.memref_squeeze %dma_wait3A_401 : memref<1x2x128x64xf32, #tpu.memory_space<vmem>> -> memref<2x128x64xf32, #tpu.memory_space<vmem>>
    %dma_wait3A_403 = arith.constant 0 : i32
    %dma_wait3A_404 = arith.constant 0 : i32
    %dma_wait3A_405 = tpu.memref_slice %dma_wait3A_402[%dma_wait3A_384, %dma_wait3A_403, %dma_wait3A_404] : memref<2x128x64xf32, #tpu.memory_space<vmem>> -> memref<1x128x64xf32, #tpu.memory_space<vmem>>
    %dma_wait3A_406 = tpu.memref_squeeze %dma_wait3A_405 : memref<1x128x64xf32, #tpu.memory_space<vmem>> -> memref<128x64xf32, #tpu.memory_space<vmem>>
    tpu.wait_dma2 semaphore(%arg11 : memref<!tpu.dma_semaphore, #tpu.memory_space<semaphore_mem>>) src(%dma_wait3A_406 : memref<128x64xf32, #tpu.memory_space<vmem>>) dst(%dma_wait3A_397 : memref<128x64xf32, #tpu.memory_space<hbm>>)
    %add3A_407 = arith.constant 20352 : i32
    %add3A_408 = arith.addi %mul3A_4, %add3A_407 : i32
    %dma_wait3A_409 = arith.constant 0 : i32
    %dma_wait3A_410 = arith.constant 1 : i32
    %dma_wait3A_411 = arith.constant 0 : i32
    %dma_wait3A_412 = arith.constant 0 : i32
    %dma_wait3A_413 = arith.constant 0 : i32
    %dma_wait3A_414 = tpu.memref_slice %arg8[%dma_wait3A_409, %dma_wait3A_411, %dma_wait3A_412, %dma_wait3A_413] : memref<2x2x128x64xf32, #tpu.memory_space<vmem>> -> memref<1x2x128x64xf32, #tpu.memory_space<vmem>>
    %dma_wait3A_415 = tpu.memref_squeeze %dma_wait3A_414 : memref<1x2x128x64xf32, #tpu.memory_space<vmem>> -> memref<2x128x64xf32, #tpu.memory_space<vmem>>
    %dma_wait3A_416 = arith.constant 0 : i32
    %dma_wait3A_417 = arith.constant 0 : i32
    %dma_wait3A_418 = tpu.memref_slice %dma_wait3A_415[%dma_wait3A_410, %dma_wait3A_416, %dma_wait3A_417] : memref<2x128x64xf32, #tpu.memory_space<vmem>> -> memref<1x128x64xf32, #tpu.memory_space<vmem>>
    %dma_wait3A_419 = tpu.memref_squeeze %dma_wait3A_418 : memref<1x128x64xf32, #tpu.memory_space<vmem>> -> memref<128x64xf32, #tpu.memory_space<vmem>>
    %dma_wait3A_420 = arith.constant 0 : i32
    %dma_wait3A_421 = tpu.memref_slice %arg4[%add3A_408, %dma_wait3A_420] : memref<655360x128xf32, #tpu.memory_space<hbm>> -> memref<128x64xf32, #tpu.memory_space<hbm>>
    %dma_wait3A_422 = arith.constant 0 : i32
    %dma_wait3A_423 = tpu.memref_slice %arg4[%add3A_408, %dma_wait3A_422] : memref<655360x128xf32, #tpu.memory_space<hbm>> -> memref<128x64xf32, #tpu.memory_space<hbm>>
    %dma_wait3A_424 = arith.constant 0 : i32
    %dma_wait3A_425 = arith.constant 0 : i32
    %dma_wait3A_426 = arith.constant 0 : i32
    %dma_wait3A_427 = tpu.memref_slice %arg8[%dma_wait3A_409, %dma_wait3A_424, %dma_wait3A_425, %dma_wait3A_426] : memref<2x2x128x64xf32, #tpu.memory_space<vmem>> -> memref<1x2x128x64xf32, #tpu.memory_space<vmem>>
    %dma_wait3A_428 = tpu.memref_squeeze %dma_wait3A_427 : memref<1x2x128x64xf32, #tpu.memory_space<vmem>> -> memref<2x128x64xf32, #tpu.memory_space<vmem>>
    %dma_wait3A_429 = arith.constant 0 : i32
    %dma_wait3A_430 = arith.constant 0 : i32
    %dma_wait3A_431 = tpu.memref_slice %dma_wait3A_428[%dma_wait3A_410, %dma_wait3A_429, %dma_wait3A_430] : memref<2x128x64xf32, #tpu.memory_space<vmem>> -> memref<1x128x64xf32, #tpu.memory_space<vmem>>
    %dma_wait3A_432 = tpu.memref_squeeze %dma_wait3A_431 : memref<1x128x64xf32, #tpu.memory_space<vmem>> -> memref<128x64xf32, #tpu.memory_space<vmem>>
    tpu.wait_dma2 semaphore(%arg12 : memref<!tpu.dma_semaphore, #tpu.memory_space<semaphore_mem>>) src(%dma_wait3A_432 : memref<128x64xf32, #tpu.memory_space<vmem>>) dst(%dma_wait3A_423 : memref<128x64xf32, #tpu.memory_space<hbm>>)
    %add3A_433 = arith.constant 20352 : i32
    %add3A_434 = arith.addi %mul3A_4, %add3A_433 : i32
    %dma_wait3A_435 = arith.constant 1 : i32
    %dma_wait3A_436 = arith.constant 1 : i32
    %dma_wait3A_437 = arith.constant 0 : i32
    %dma_wait3A_438 = arith.constant 0 : i32
    %dma_wait3A_439 = arith.constant 0 : i32
    %dma_wait3A_440 = tpu.memref_slice %arg8[%dma_wait3A_435, %dma_wait3A_437, %dma_wait3A_438, %dma_wait3A_439] : memref<2x2x128x64xf32, #tpu.memory_space<vmem>> -> memref<1x2x128x64xf32, #tpu.memory_space<vmem>>
    %dma_wait3A_441 = tpu.memref_squeeze %dma_wait3A_440 : memref<1x2x128x64xf32, #tpu.memory_space<vmem>> -> memref<2x128x64xf32, #tpu.memory_space<vmem>>
    %dma_wait3A_442 = arith.constant 0 : i32
    %dma_wait3A_443 = arith.constant 0 : i32
    %dma_wait3A_444 = tpu.memref_slice %dma_wait3A_441[%dma_wait3A_436, %dma_wait3A_442, %dma_wait3A_443] : memref<2x128x64xf32, #tpu.memory_space<vmem>> -> memref<1x128x64xf32, #tpu.memory_space<vmem>>
    %dma_wait3A_445 = tpu.memref_squeeze %dma_wait3A_444 : memref<1x128x64xf32, #tpu.memory_space<vmem>> -> memref<128x64xf32, #tpu.memory_space<vmem>>
    %dma_wait3A_446 = arith.constant 64 : i32
    %dma_wait3A_447 = tpu.memref_slice %arg4[%add3A_434, %dma_wait3A_446] : memref<655360x128xf32, #tpu.memory_space<hbm>> -> memref<128x64xf32, #tpu.memory_space<hbm>>
    %dma_wait3A_448 = arith.constant 64 : i32
    %dma_wait3A_449 = tpu.memref_slice %arg4[%add3A_434, %dma_wait3A_448] : memref<655360x128xf32, #tpu.memory_space<hbm>> -> memref<128x64xf32, #tpu.memory_space<hbm>>
    %dma_wait3A_450 = arith.constant 0 : i32
    %dma_wait3A_451 = arith.constant 0 : i32
    %dma_wait3A_452 = arith.constant 0 : i32
    %dma_wait3A_453 = tpu.memref_slice %arg8[%dma_wait3A_435, %dma_wait3A_450, %dma_wait3A_451, %dma_wait3A_452] : memref<2x2x128x64xf32, #tpu.memory_space<vmem>> -> memref<1x2x128x64xf32, #tpu.memory_space<vmem>>
    %dma_wait3A_454 = tpu.memref_squeeze %dma_wait3A_453 : memref<1x2x128x64xf32, #tpu.memory_space<vmem>> -> memref<2x128x64xf32, #tpu.memory_space<vmem>>
    %dma_wait3A_455 = arith.constant 0 : i32
    %dma_wait3A_456 = arith.constant 0 : i32
    %dma_wait3A_457 = tpu.memref_slice %dma_wait3A_454[%dma_wait3A_436, %dma_wait3A_455, %dma_wait3A_456] : memref<2x128x64xf32, #tpu.memory_space<vmem>> -> memref<1x128x64xf32, #tpu.memory_space<vmem>>
    %dma_wait3A_458 = tpu.memref_squeeze %dma_wait3A_457 : memref<1x128x64xf32, #tpu.memory_space<vmem>> -> memref<128x64xf32, #tpu.memory_space<vmem>>
    tpu.wait_dma2 semaphore(%arg12 : memref<!tpu.dma_semaphore, #tpu.memory_space<semaphore_mem>>) src(%dma_wait3A_458 : memref<128x64xf32, #tpu.memory_space<vmem>>) dst(%dma_wait3A_449 : memref<128x64xf32, #tpu.memory_space<hbm>>)
    return
  }
}

</mosaic_0001>

<sc_bundles>
// kernel: _gather_all.3.cloned.1.call-start
scs
__scs_entry_jumppad:
0x0: {  	(pc) =	sbr.rel $0x88, $3  }
0x1: {  	(tag) =	ssettag $0x0;
	lr =	simm.s32 $0x1  }
0x2: {  	[smem:$0x3F9F] =	sst lr;
	_ =	strace $0xD0000000  }
0x3: {  	_ = 	snop  }
0x4: {  	_ = 	snop  }
0x5: {  	_ = 	snop  }
0x6: {  	_ = 	snop  }
0x7: {  	_ = 	snop  }
__scs_overlays_trampoline_lowered:
0x8: {  	[smem:$0x3FAE] =	sst s0  }
0x9: {  	[smem:$0x3FAF] =	sst s1  }
0xa: {  	[smem:$0x3FB0] =	sst s2  }
0xb: {  	[smem:$0x3FB1] =	sst s3  }
0xc: {  	[smem:$0x3FB2] =	sst s4  }
0xd: {  	[smem:$0x3FB3] =	sst s5  }
0xe: {  	[smem:$0x3FB4] =	sst s6  }
0xf: {  	[smem:$0x3FB5] =	sst s7  }
0x10: {  	[smem:$0x3FB6] =	sst s8  }
0x11: {  	[smem:$0x3FB7] =	sst s9;
	s0 =	simm.s32 @!p0 $0x0  }
0x12: {  	s1 =	sld [smem:$0x3F9D];
	s0 =	simm.s32 @p0 $0x1  }
0x13: {  	[smem:$0x3FB8] =	sst s0;
	s0 =	simm.s32 @!p1 $0x0  }
0x14: {  	s2 =	sld [smem:$0x3F9C];
	s0 =	simm.s32 @p1 $0x1  }
0x15: {  	[smem:$0x3FB9] =	sst s0;
	s0 =	simm.s32 @!p2 $0x0  }
0x16: {  	s3 =	sld [smem:$0x3FDB];
	s0 =	simm.s32 @p2 $0x1  }
0x17: {  	s4 =	simm.s32 $0x1BF5;
	[smem:$0x3FBB] =	sst s0  }
0x18: {  	s0 =	sld [smem:$0x3F9E];
	_ =	swait.ge [sflag:s4], $0x0  }
0x19: {  	s7 =	sld [smem:$0x3F9F]  }
0x1a: {  	s8 =	sadd.s32 $0xFFFFE003, lr  }
0x1b: {  	s9 =	sadd.s32 $0xFFFFFEF7, lr;
	s5 =	simm.s32 $0xFFFFFFFF;
	p2 =	slt.u32 s8, $0xFFFFF086  }
0x1c: {  	p1 =	slt.u32 s9, $0xF7A;
	s5 =	simm.s32 @!p2 $0x0  }
0x1d: {  	s5 =	simm.s32 @p1 $0x1;
	p0 =	seq.s32 s7, s2  }
0x1e: {  	s7 =	smul.u32 @!p0 $0xF7A, s2;
	p2 =	seq.s32 @!p0 s5, $0x0  }
0x1f: {  	s9 =	smul.u32 $0xF7A, s1;
	s8 =	simm.s32 @!p0 $0x1BF5;
	p2 =	por !p2, p0  }
0x20: {  	[sflag:s8] =	ssyncset.s32 @!p0 $0xFFFFF086;
	s6 =	sadd.s32 @!p0 s3, s7;
	s7 =	simm.s32 @!p0 $0x108  }
0x21: {  	s3 =	sadd.s32 s3, s9;
	s6 =	sadd.s32 @!p0 $0x88, s6;
	s7 =	simm.s32 @p2 $0x1082  }
0x22: {  	[simem:s7], [sflag:s8] =	dma.local @!p0 [hbm:s6], $0xF7A  }
0x23: {  	s9 =	sor.u32 $0xD0000000, s2;
	s6 =	simm.s32 $0x108;
	_ =	swait.ge @!p0 [sflag:s8], $0x0  }
0x24: {  	s3 =	sadd.s32 $0x88, s3;
	s6 =	simm.s32 @!p1 $0x1082;
	[sflag:s4] =	ssyncset.s32 $0xFFFFF086  }
0x25: {  	[simem:s6], [sflag:s4] =	dma.local [hbm:s3], $0xF7A  }
0x26: {  	[smem:$0x3F9F] =	sst s1;
	(tag) =	ssettag s2;
	_ =	strace s9  }
0x27: {  	s1 =	sld [smem:$0x3FAF]  }
0x28: {  	s2 =	sld [smem:$0x3FB0]  }
0x29: {  	s4 =	sld [smem:$0x3FB2]  }
0x2a: {  	p0 =	seq.s32 s5, $0x0;
	s5 =	sld [smem:$0x3FB3]  }
0x2b: {  	s6 =	sld [smem:$0x3FB4]  }
0x2c: {  	s7 =	sld [smem:$0x3FB5]  }
0x2d: {  	s3 =	simm.s32 $0x108;
	s8 =	sld [smem:$0x3FB6]  }
0x2e: {  	s3 =	simm.s32 @!p0 $0x1082;
	s9 =	sld [smem:$0x3FB7]  }
0x2f: {  	lr =	sadd.s32 s0, s3;
	s0 =	sld [smem:$0x3FAE]  }
0x30: {  	s3 =	sld [smem:$0x3FB1]  }
0x31: {  	[smem:$0x3FBA] =	sst s10  }
0x32: {  	s10 =	sld [smem:$0x3FB8];
	_ =	sdelay $0x3  }
0x33: {  	p0 =	seq.s32 s10, $0x1;
	s10 =	sld [smem:$0x3FBA];
	_ =	sdelay $0x3  }
0x34: {  	[smem:$0x3FBA] =	sst s10  }
0x35: {  	s10 =	sld [smem:$0x3FB9];
	_ =	sdelay $0x3  }
0x36: {  	p1 =	seq.s32 s10, $0x1;
	s10 =	sld [smem:$0x3FBA];
	_ =	sdelay $0x3  }
0x37: {  	[smem:$0x3FBA] =	sst s10  }
0x38: {  	s10 =	sld [smem:$0x3FBB]  }
0x39: {  	_ = 	snop;
	(pc) =	sbr.ind lr, $3  }
0x3a: {  	_ = 	snop  }
0x3b: {  	_ = 	snop  }
0x3c: {  	p2 =	seq.s32 s10, $0x1;
	s10 =	sld [smem:$0x3FBA]  }
0x3d: {  	_ =	shalt  }
0x3e: {  	_ =	shalt  }
0x3f: {  	_ =	shalt  }
0x40: {  	_ =	shalt  }
0x41: {  	_ =	shalt  }
0x42: {  	_ =	shalt  }
0x43: {  	_ =	shalt  }
0x44: {  	_ =	shalt  }
0x45: {  	_ =	shalt  }
0x46: {  	_ =	shalt  }
0x47: {  	_ =	shalt  }
0x48: {  	_ =	shalt  }
0x49: {  	_ =	shalt  }
0x4a: {  	_ =	shalt  }
0x4b: {  	_ =	shalt  }
0x4c: {  	_ =	shalt  }
0x4d: {  	_ =	shalt  }
0x4e: {  	_ =	shalt  }
0x4f: {  	_ =	shalt  }
0x50: {  	_ =	shalt  }
0x51: {  	_ =	shalt  }
0x52: {  	_ =	shalt  }
0x53: {  	_ =	shalt  }
0x54: {  	_ =	shalt  }
0x55: {  	_ =	shalt  }
0x56: {  	_ =	shalt  }
0x57: {  	_ =	shalt  }
0x58: {  	_ =	shalt  }
0x59: {  	_ =	shalt  }
0x5a: {  	_ =	shalt  }
0x5b: {  	_ =	shalt  }
0x5c: {  	_ =	shalt  }
0x5d: {  	_ =	shalt  }
0x5e: {  	_ =	shalt  }
0x5f: {  	_ =	shalt  }
0x60: {  	_ =	shalt  }
0x61: {  	_ =	shalt  }
0x62: {  	_ =	shalt  }
0x63: {  	_ =	shalt  }
0x64: {  	_ =	shalt  }
0x65: {  	_ =	shalt  }
0x66: {  	_ =	shalt  }
0x67: {  	_ =	shalt  }
0x68: {  	_ =	shalt  }
0x69: {  	_ =	shalt  }
0x6a: {  	_ =	shalt  }
0x6b: {  	_ =	shalt  }
0x6c: {  	_ =	shalt  }
0x6d: {  	_ =	shalt  }
0x6e: {  	_ =	shalt  }
0x6f: {  	_ =	shalt  }
0x70: {  	_ =	shalt  }
0x71: {  	_ =	shalt  }
0x72: {  	_ =	shalt  }
0x73: {  	_ =	shalt  }
0x74: {  	_ =	shalt  }
0x75: {  	_ =	shalt  }
0x76: {  	_ =	shalt  }
0x77: {  	_ =	shalt  }
0x78: {  	_ =	shalt  }
0x79: {  	_ =	shalt  }
0x7a: {  	_ =	shalt  }
0x7b: {  	_ =	shalt  }
0x7c: {  	_ =	shalt  }
0x7d: {  	_ =	shalt  }
0x7e: {  	_ =	shalt  }
0x7f: {  	_ =	shalt  }
0x80: {  	_ =	shalt  }
0x81: {  	_ =	shalt  }
0x82: {  	_ =	shalt  }
0x83: {  	_ =	shalt  }
0x84: {  	_ =	shalt  }
0x85: {  	_ =	shalt  }
0x86: {  	_ =	shalt  }
0x87: {  	_ =	shalt  }
.Lfunc_end0:
.L_simem_size_0:
called_computation_lowered:
.L_overlay_start_0:
0x88: {  	s2 =	sld [smem:$0x3FD9]  }
0x89: {  	s3 =	sld [smem:$0x3FFE];
	_ =	sdelay $0x1  }
0x8a: {  	s1 =	srdreg.scid  }
0x8b: {  	s0 =	sand.u32 $0x1, s1  }
0x8c: {  	s17 =	sshll.u32 s0, $0xA;
	s2 =	sadd.s32 s3, s2  }
0x8d: {  	s2 =	sadd.s32 s2, s17  }
0x8e: {  	[smem:$0x3FC6] =	sst s2  }
0x8f: {  	_ = 	snop  }
0x90: {  	s2 =	sld [smem:$0x3FD0];
	(tm) =	ssettm $0x1  }
0x91: {  	s18 =	sld [smem:$0x3FFB];
	_ =	sdelay $0x3  }
0x92: {  	_ =	strace s18  }
0x93: {  	s3 =	sld [smem:$0x3FFC];
	_ =	sdelay $0x3  }
0x94: {  	_ =	strace s3  }
0x95: {  	s3 =	sld [smem:$0x3FFD];
	_ =	sdelay $0x3  }
0x96: {  	_ =	strace s3  }
0x97: {  	_ =	strace $0x8FFFFFFF  }
0x98: {  	s19 =	sld [smem:$0x3FDB];
	_ =	sdelay $0x1  }
0x99: {  	s4 =	simm.s32 $_scs_section_size  }
0x9a: {  	s5 =	simm.s32 $_size__tile_overlayer_lowered;
	s6 =	simm.s32 $_tile_overlayer_lowered  }
0x9b: {  	s22 =	simm.s32 $0x1BFF;
	s21 =	sshll.u32 s6, $0x1;
	s3 =	sadd.s32 s4, s19  }
0x9c: {  	s7 =	simm.s32 $0x0;
	s20 =	sshll.u32 s5, $0x1;
	s5 =	sadd.s32 s21, s3  }
0x9d: {  	[timem:s7], [sflag:s22] =	dma.local [hbm:s5], s20  }
0x9e: {  	_ =	swait.ge [sflag:s22], s20  }
0x9f: {  	s4 =	ssub.s32 $0x0, s20;
	[sflag:s22] =	ssyncset.done $0x0  }
0xa0: {  	[sflag:s22] =	ssyncadd.s32 s4;
	_ =	sdelay $0x1  }
0xa1: {  	s23 =	simm.s32 $0x1B8B  }
0xa2: {  	_ =	swait.ge [sflag:s23], $0x1  }
0xa3: {  	[sflag:s23] =	ssyncset.done $0x0  }
0xa4: {  	s25 =	simm.s32 $0x1B8E;
	s24 =	sld [smem:$0x3FFE];
	[sflag:s23] =	ssyncadd.s32 $0xFFFFFFFF  }
0xa5: {  	s26 =	simm.s32 $execute0_lowered;
	[smem:$0x3FD2] =	sst s25  }
0xa6: {  	s5 =	sshll.u32 s26, $0x1;
	_ =	strace $0x80000046;
	[dreg:$0x1] =	wrdreg $0xFFFFFFFF  }
0xa7: {  	s28 =	simm.s32 $_size_execute0_lowered;
	s3 =	sadd.s32 s3, s5;
	[dreg:$0x0] =	wrdreg $0x0  }
0xa8: {  	s5 =	sshll.u32 s28, $0x1;
	[dreg:$0x2] =	wrdreg s3  }
0xa9: {  	[dreg:$0x3] =	wrdreg s5  }
0xaa: {  	[dreg:$0x4] =	wrdreg $0xC0  }
0xab: {  	_ =	task [dreg:s7], $0x5FFFF  }
0xac: {  	[dreg:$0x1] =	wrdreg $0xFFFFFFFF  }
0xad: {  	[dreg:$0x0] =	wrdreg $0x60  }
0xae: {  	[dreg:$0x2] =	wrdreg s24  }
0xaf: {  	[dreg:$0x3] =	wrdreg s2  }
0xb0: {  	[dreg:$0x4] =	wrdreg $0x0  }
0xb1: {  	[dreg:$0x5] =	wrdreg $0x9  }
0xb2: {  	_ =	task.clear_ibuf [dreg:s7], $0x6FFFF;
	_ =	strace $0x90000046  }
0xb3: {  	s29 =	simm.s32 $0x9;
	_ =	strace $0x80000048  }
0xb4: {  	_ =	swait.ge [sflag:s29], $0x1  }
0xb5: {  	[sflag:s29] =	ssyncadd.s32 $0xFFFFFFFF  }
0xb6: {  	_ =	strace $0x90000048  }
0xb7: {  	_ =	sfence  }
0xb8: {  	s30 =	sld [smem:$0x0];
	_ =	sdelay $0x2  }
0xb9: {  	s31 =	sshll.u32 s1, $0xD;
	s1 =	sshrl.u32 s1, $0x2  }
0xba: {  	s3 =	sand.u32 $0x4000, s31;
	s1 =	sadd.s32 s1, s30  }
0xbb: {  	s0 =	sor.u32 s3, s0;
	s1 =	sshll.u32 s1, $0x11  }
0xbc: {  	s0 =	sor.u32 s1, s0  }
0xbd: {  	s0 =	sadd.s32 $0x8F2B, s0  }
0xbe: {  	[sflag:s0] =	ssyncadd.remote.s32 $0x1  }
0xbf: {  	_ =	sfence.sel $0xFFFF  }
0xc0: {  	[dreg:$0x0] =	wrdreg $0xFFFFFFFF;
	(pc) =	sbr.abs _section_cstart, $3  }
0xc1: {  	[dreg:$0x1] =	wrdreg $0xFFFFFFFF  }
0xc2: {  	_ =	task.clear_ibuf [dreg:s7], $0x2FFFF;
	_ =	strace $0x9FFFFFFF  }
0xc3: {  	(tm) =	ssettm $0x7FFFFFFF  }
tec
execute0_lowered:
.L_overlay_start_1:
0x0: {  	(tag) =	ssettag $0x1  }
0x1: {  	s0 =	rddreg [dreg:$0x0]  }
0x2: {  	s2 =	rddreg [dreg:$0x1]  }
0x3: {  	s1 =	rddreg [dreg:$0x2];
	s4 =	simm.s32 $0x0  }
0x4: {  	s3 =	srdreg.scid;
	s15 =	stileid.u32;
	s17 =	simm.s32 $0x80  }
0x5: {  	s19 =	simm.s32 $0xCA00;
	s28 =	simm.s32 $0x12A00;
	s29 =	simm.s32 $0x2  }
0x6: {  	s30 =	simm.s32 $0x3;
	s31 =	simm.s32 $0x4;
	s10 =	smul.u32 $0x500000, s15  }
0x7: {  	[smem:$0x7FF] =	sst s4;
	s11 =	sand.u32 $0x1, s3;
	s26 =	smul.u32 $0xA0000, s15  }
0x8: {  	s20 =	sshll.u32 s15, $0x1;
	s3 =	sadd.s32 $0x400, s0;
	s13 =	smul.u32 $0x280000, s11  }
0x9: {  	s0 =	sadd.s32 $0x800, s0;
	s21 =	sor.u32 s11, s20;
	s14 =	smul.u32 $0x50000, s11  }
0xa: {  	p0 =	sne.s32 s15, $0x0;
	s15 =	simm.s32 $0x200;
	s6 =	smul.u32 $0xA000, s21  }
0xb: {  	_ =	strace $0x80000047;
	s5 =	ssub.s32 $0x2, s11;
	s8 =	smul.u32 $0x1400, s21  }
0xc: {  	v0 =	vimm.s32 $0xE0A0602;
	v1 =	vimm.s32 $0x1E1A1612;
	s7 =	sshrl.u32 s5, $0x1;
	s23 =	smul.u32 $0x280000, s21;
	s16 =	sadd.s32 s26, s2  }
0xd: {  	v2 =	vimm.s32 $0xC080400;
	vm0 =	vcmask $0x1F10;
	v3 =	vimm.s32 $0x1C181410;
	s21 =	simm.s32 $0x10A00;
	s12 =	ssub.s32 s5, s7;
	s25 =	sadd.s32 s13, s10  }
0xe: {  	v4 =	vimm.s32 $0xF0B0703;
	v5 =	vimm.s32 $0x1F1B1713;
	v6 =	vimm.s32 $0xD090501;
	s14 =	sadd.s32 s14, s16;
	s16 =	simm.s32 $0x5;
	s22 =	sshrl.u32 s6, $0x3  }
0xf: {  	v7 =	vimm.s32 $0x1D191511;
	v0 =	vunpack.c.0.s8.s32 v0;
	v1 =	vunpack.c.0.s8.s32 v1;
	s4 =	sadd.s32 s0, s8;
	s24 =	sshrl.u32 s23, $0x3;
	s12 =	smax.u32 s12, $0x1  }
0x10: {  	v2 =	vunpack.c.0.s8.s32 v2;
	v3 =	vunpack.c.0.s8.s32 v3;
	v4 =	vunpack.c.0.s8.s32 v4;
	s23 =	simm.s32 $0x40;
	s0 =	sadd.s32 s0, s22;
	s8 =	sadd.s32 s2, s24  }
0x11: {  	v5 =	vunpack.c.0.s8.s32 v5;
	v6 =	vunpack.c.0.s8.s32 v6;
	v7 =	vunpack.c.0.s8.s32 v7;
	s22 =	simm.s32 $0x1;
	s5 =	sadd.s32 $0x500, s0;
	s6 =	sadd.s32 $0xA00, s0  }
0x12: {  	v0 =	vsel vm0, v1, v0;
	v1 =	vsel vm0, v3, v2;
	s7 =	sadd.s32 $0xF00, s0;
	s9 =	sadd.s32 $0x800, s8;
	s0 =	sor.u32 $0x8000, s25  }
0x13: {  	v2 =	vsel vm0, v5, v4;
	v3 =	vsel vm0, v7, v6;
	v0 =	vcombine.low v1, v0;
	s10 =	sadd.s32 $0x8, s8;
	s11 =	sadd.s32 $0x808, s8;
	s0 =	sshrl.u32 s0, $0x3  }
0x14: {  	v1 =	vcombine.low v3, v2;
	s25 =	simm.s32 $0xEA00;
	s13 =	sadd.s32 s0, s2;
	s0 =	simm.s32 $0x0  }
.LBB2_1:
0x15: {  	s2 =	simm.s32 @!p0 $0x0;
	s18 =	simm.s32 @!p0 $0xCA00  }
0x16: {  	[tilespmem:s18], [sflag:$0x5] =	stream.linear.gather @!p0 [hbm4b:s3+s2], $0x2000, $0x38;
	[tilespmem:$0x14A00] =	vst v63  }
0x17: {  	s2 =	simm.s32 @!p0 $0x5  }
0x18: {  	_ =	swait.ge @!p0 [sflag:s2], $0x2000  }
0x19: {  	[sflag:s2] =	ssyncset.done @!p0 $0x0  }
0x1a: {  	[sflag:s2] =	ssyncadd.s32 @!p0 $0xFFFFE000  }
0x1b: {  	[spmem:s1] =	stream.linear.scatter @!p0 [tilespmem:s18], [sflag:$0x5], $0x2000, $0x38;
	[tilespmem:$0x14A00] =	vst v63  }
0x1c: {  	_ =	swait.ge @!p0 [sflag:s2], $0x2000  }
0x1d: {  	s20 =	simm.s32 $0x0;
	[sflag:s2] =	ssyncset.done @!p0 $0x0  }
0x1e: {  	s24 =	simm.s32 $0x0;
	v2 =	vor.u32 s20, v0;
	[sflag:s2] =	ssyncadd.s32 @!p0 $0xFFFFE000  }
0x1f: {  	[tilespmem:s15], [sflag:$0x5] =	stream.linear.gather [hbm4b:s4+s24], $0x2800, $0x38;
	[tilespmem:$0x14A00] =	vst v63  }
0x20: {  	_ =	swait.ge [sflag:s16], $0x2800  }
0x21: {  	[sflag:s16] =	ssyncset.done $0x0  }
0x22: {  	[sflag:s16] =	ssyncadd.s32 $0xFFFFD800  }
0x23: {  	v2 =	vld.idx.msk [tilespmem:v2+s15+$0x0], $0xffff  }
0x24: {  	v3 =	vor.u32 s20, v1;
	_ =	sdelay $0x2  }
0x25: {  	s18 =	simm.s32 $0x0  }
0x26: {  	[tilespmem:s18+$0x2A00] =	vst v2  }
0x27: {  	s26 =	simm.s32 $0x20;
	v2 =	vld.idx.msk [tilespmem:v3+s15+$0x0], $0xffff  }
0x28: {  	v3 =	vor.u32 s26, v0;
	_ =	sdelay $0x3  }
0x29: {  	[tilespmem:s18+$0x7A00] =	vst v2  }
0x2a: {  	v2 =	vld.idx.msk [tilespmem:v3+s15+$0x0], $0xffff  }
0x2b: {  	v3 =	vor.u32 s26, v1;
	_ =	sdelay $0x3  }
0x2c: {  	[tilespmem:s18+$0x2A10] =	vst v2  }
0x2d: {  	s20 =	simm.s32 $0x40;
	v2 =	vld.idx.msk [tilespmem:v3+s15+$0x0], $0xffff  }
0x2e: {  	v3 =	vor.u32 s20, v0;
	_ =	sdelay $0x3  }
0x2f: {  	[tilespmem:s18+$0x7A10] =	vst v2  }
0x30: {  	v2 =	vld.idx.msk [tilespmem:v3+s15+$0x0], $0xffff  }
0x31: {  	v3 =	vor.u32 s20, v1;
	_ =	sdelay $0x3  }
0x32: {  	[tilespmem:s18+$0x2A20] =	vst v2  }
0x33: {  	s24 =	simm.s32 $0x60;
	v2 =	vld.idx.msk [tilespmem:v3+s15+$0x0], $0xffff  }
0x34: {  	v3 =	vor.u32 s24, v0;
	_ =	sdelay $0x3  }
0x35: {  	[tilespmem:s18+$0x7A20] =	vst v2  }
0x36: {  	v2 =	vld.idx.msk [tilespmem:v3+s15+$0x0], $0xffff  }
0x37: {  	v3 =	vor.u32 s24, v1;
	_ =	sdelay $0x3  }
0x38: {  	[tilespmem:s18+$0x2A30] =	vst v2  }
0x39: {  	s26 =	simm.s32 $0x80;
	v2 =	vld.idx.msk [tilespmem:v3+s15+$0x0], $0xffff  }
0x3a: {  	v3 =	vor.u32 s26, v0;
	_ =	sdelay $0x3  }
0x3b: {  	[tilespmem:s18+$0x7A30] =	vst v2  }
0x3c: {  	v2 =	vld.idx.msk [tilespmem:v3+s15+$0x0], $0xffff  }
0x3d: {  	v3 =	vor.u32 s26, v1;
	_ =	sdelay $0x3  }
0x3e: {  	[tilespmem:s18+$0x2A40] =	vst v2  }
0x3f: {  	s20 =	simm.s32 $0xA0;
	v2 =	vld.idx.msk [tilespmem:v3+s15+$0x0], $0xffff  }
0x40: {  	v3 =	vor.u32 s20, v0;
	_ =	sdelay $0x3  }
0x41: {  	[tilespmem:s18+$0x7A40] =	vst v2  }
0x42: {  	v2 =	vld.idx.msk [tilespmem:v3+s15+$0x0], $0xffff  }
0x43: {  	v3 =	vor.u32 s20, v1;
	_ =	sdelay $0x3  }
0x44: {  	[tilespmem:s18+$0x2A50] =	vst v2  }
0x45: {  	s24 =	simm.s32 $0xC0;
	v2 =	vld.idx.msk [tilespmem:v3+s15+$0x0], $0xffff  }
0x46: {  	v3 =	vor.u32 s24, v0;
	_ =	sdelay $0x3  }
0x47: {  	[tilespmem:s18+$0x7A50] =	vst v2  }
0x48: {  	v2 =	vld.idx.msk [tilespmem:v3+s15+$0x0], $0xffff  }
0x49: {  	v3 =	vor.u32 s24, v1;
	_ =	sdelay $0x3  }
0x4a: {  	[tilespmem:s18+$0x2A60] =	vst v2  }
0x4b: {  	s26 =	simm.s32 $0xE0;
	v2 =	vld.idx.msk [tilespmem:v3+s15+$0x0], $0xffff  }
0x4c: {  	v3 =	vor.u32 s26, v0;
	_ =	sdelay $0x3  }
0x4d: {  	[tilespmem:s18+$0x7A60] =	vst v2  }
0x4e: {  	v2 =	vld.idx.msk [tilespmem:v3+s15+$0x0], $0xffff  }
0x4f: {  	v3 =	vor.u32 s26, v1;
	_ =	sdelay $0x3  }
0x50: {  	s2 =	simm.s32 $0x1E0;
	[tilespmem:s18+$0x2A70] =	vst v2  }
0x51: {  	s20 =	simm.s32 $0x200;
	s24 =	simm.s32 $0x400;
	s26 =	simm.s32 $0x100;
	v2 =	vld.idx.msk [tilespmem:v3+s15+$0x0], $0xffff  }
.LBB2_2:
0x52: {  	p1 =	sne.s32 s24, $0x4E00;
	v3 =	vor.u32 s26, v0;
	_ =	sdelay $0x3  }
0x53: {  	[tilespmem:s18+$0x7A70] =	vst v2  }
0x54: {  	v2 =	vld.idx.msk [tilespmem:v3+s15+$0x0], $0xffff;
	_ =	sdelay $0x1  }
0x55: {  	v3 =	vor.u32 s26, v1;
	_ =	sdelay $0x2  }
0x56: {  	s18 =	sshra.s32 s20, $0x2;
	s20 =	smov.u32 s24  }
0x57: {  	[tilespmem:s18+$0x2A00] =	vst v2  }
0x58: {  	v2 =	vld.idx.msk [tilespmem:v3+s15+$0x0], $0xffff  }
0x59: {  	s26 =	sadd.s32 $0xFFFFFF40, s2  }
0x5a: {  	v3 =	vor.u32 s26, v0;
	_ =	sdelay $0x3  }
0x5b: {  	[tilespmem:s18+$0x7A00] =	vst v2  }
0x5c: {  	v2 =	vld.idx.msk [tilespmem:v3+s15+$0x0], $0xffff;
	_ =	sdelay $0x1  }
0x5d: {  	v3 =	vor.u32 s26, v1;
	_ =	sdelay $0x3  }
0x5e: {  	[tilespmem:s18+$0x2A10] =	vst v2  }
0x5f: {  	v2 =	vld.idx.msk [tilespmem:v3+s15+$0x0], $0xffff  }
0x60: {  	s26 =	sadd.s32 $0xFFFFFF60, s2  }
0x61: {  	v3 =	vor.u32 s26, v0;
	_ =	sdelay $0x3  }
0x62: {  	[tilespmem:s18+$0x7A10] =	vst v2  }
0x63: {  	v2 =	vld.idx.msk [tilespmem:v3+s15+$0x0], $0xffff;
	_ =	sdelay $0x1  }
0x64: {  	v3 =	vor.u32 s26, v1;
	_ =	sdelay $0x3  }
0x65: {  	[tilespmem:s18+$0x2A20] =	vst v2  }
0x66: {  	v2 =	vld.idx.msk [tilespmem:v3+s15+$0x0], $0xffff  }
0x67: {  	s26 =	sadd.s32 $0xFFFFFF80, s2  }
0x68: {  	v3 =	vor.u32 s26, v0;
	_ =	sdelay $0x3  }
0x69: {  	[tilespmem:s18+$0x7A20] =	vst v2  }
0x6a: {  	v2 =	vld.idx.msk [tilespmem:v3+s15+$0x0], $0xffff;
	_ =	sdelay $0x1  }
0x6b: {  	v3 =	vor.u32 s26, v1;
	_ =	sdelay $0x3  }
0x6c: {  	[tilespmem:s18+$0x2A30] =	vst v2  }
0x6d: {  	v2 =	vld.idx.msk [tilespmem:v3+s15+$0x0], $0xffff  }
0x6e: {  	s26 =	sadd.s32 $0xFFFFFFA0, s2  }
0x6f: {  	v3 =	vor.u32 s26, v0;
	_ =	sdelay $0x3  }
0x70: {  	[tilespmem:s18+$0x7A30] =	vst v2  }
0x71: {  	v2 =	vld.idx.msk [tilespmem:v3+s15+$0x0], $0xffff;
	_ =	sdelay $0x1  }
0x72: {  	v3 =	vor.u32 s26, v1;
	_ =	sdelay $0x3  }
0x73: {  	[tilespmem:s18+$0x2A40] =	vst v2  }
0x74: {  	v2 =	vld.idx.msk [tilespmem:v3+s15+$0x0], $0xffff  }
0x75: {  	s26 =	sadd.s32 $0xFFFFFFC0, s2  }
0x76: {  	v3 =	vor.u32 s26, v0;
	_ =	sdelay $0x3  }
0x77: {  	[tilespmem:s18+$0x7A40] =	vst v2  }
0x78: {  	v2 =	vld.idx.msk [tilespmem:v3+s15+$0x0], $0xffff;
	_ =	sdelay $0x1  }
0x79: {  	v3 =	vor.u32 s26, v1;
	_ =	sdelay $0x3  }
0x7a: {  	[tilespmem:s18+$0x2A50] =	vst v2  }
0x7b: {  	v2 =	vld.idx.msk [tilespmem:v3+s15+$0x0], $0xffff  }
0x7c: {  	s26 =	sadd.s32 $0xFFFFFFE0, s2  }
0x7d: {  	v3 =	vor.u32 s26, v0;
	_ =	sdelay $0x3  }
0x7e: {  	[tilespmem:s18+$0x7A50] =	vst v2  }
0x7f: {  	v2 =	vld.idx.msk [tilespmem:v3+s15+$0x0], $0xffff;
	_ =	sdelay $0x1  }
0x80: {  	v3 =	vor.u32 s26, v1;
	_ =	sdelay $0x3  }
0x81: {  	[tilespmem:s18+$0x2A60] =	vst v2  }
0x82: {  	v2 =	vld.idx.msk [tilespmem:v3+s15+$0x0], $0xffff;
	_ =	sdelay $0x1  }
0x83: {  	v3 =	vor.u32 s2, v0;
	_ =	sdelay $0x3  }
0x84: {  	[tilespmem:s18+$0x7A60] =	vst v2  }
0x85: {  	v2 =	vld.idx.msk [tilespmem:v3+s15+$0x0], $0xffff;
	_ =	sdelay $0x1  }
0x86: {  	v3 =	vor.u32 s2, v1;
	_ =	sdelay $0x1  }
.Ltmp0:
0x87: {  	(pc) =	sbr.rel @p1 .LBB2_2-.Ltmp0, $4  }
0x88: {  	_ = 	snop  }
0x89: {  	[tilespmem:s18+$0x2A70] =	vst v2  }
0x8a: {  	s2 =	sadd.s32 $0x100, s2;
	v2 =	vld.idx.msk [tilespmem:v3+s15+$0x0], $0xffff  }
0x8b: {  	s24 =	sadd.s32 $0x200, s24;
	s26 =	sadd.s32 $0xFFFFFF20, s2  }
0x8c: {  	v3 =	vor.u32 s26, v0;
	_ =	sdelay $0x3  }
0x8d: {  	[tilespmem:s18+$0x7A70] =	vst v2  }
0x8e: {  	v2 =	vld.idx.msk [tilespmem:v3+s15+$0x0], $0xffff  }
0x8f: {  	v3 =	vor.u32 s26, v1;
	_ =	sdelay $0x2  }
0x90: {  	s18 =	sshra.s32 s20, $0x2  }
0x91: {  	[tilespmem:s18+$0x2A00] =	vst v2  }
0x92: {  	s24 =	sadd.s32 $0xFFFFFF40, s2;
	v2 =	vld.idx.msk [tilespmem:v3+s15+$0x0], $0xffff  }
0x93: {  	v3 =	vor.u32 s24, v0;
	_ =	sdelay $0x3  }
0x94: {  	[tilespmem:s18+$0x7A00] =	vst v2  }
0x95: {  	v2 =	vld.idx.msk [tilespmem:v3+s15+$0x0], $0xffff  }
0x96: {  	v3 =	vor.u32 s24, v1;
	_ =	sdelay $0x3  }
0x97: {  	[tilespmem:s18+$0x2A10] =	vst v2  }
0x98: {  	s26 =	sadd.s32 $0xFFFFFF60, s2;
	v2 =	vld.idx.msk [tilespmem:v3+s15+$0x0], $0xffff  }
0x99: {  	v3 =	vor.u32 s26, v0;
	_ =	sdelay $0x3  }
0x9a: {  	[tilespmem:s18+$0x7A10] =	vst v2  }
0x9b: {  	v2 =	vld.idx.msk [tilespmem:v3+s15+$0x0], $0xffff  }
0x9c: {  	v3 =	vor.u32 s26, v1;
	_ =	sdelay $0x3  }
0x9d: {  	[tilespmem:s18+$0x2A20] =	vst v2  }
0x9e: {  	s24 =	sadd.s32 $0xFFFFFF80, s2;
	v2 =	vld.idx.msk [tilespmem:v3+s15+$0x0], $0xffff  }
0x9f: {  	v3 =	vor.u32 s24, v0;
	_ =	sdelay $0x3  }
0xa0: {  	[tilespmem:s18+$0x7A20] =	vst v2  }
0xa1: {  	v2 =	vld.idx.msk [tilespmem:v3+s15+$0x0], $0xffff  }
0xa2: {  	v3 =	vor.u32 s24, v1;
	_ =	sdelay $0x3  }
0xa3: {  	[tilespmem:s18+$0x2A30] =	vst v2  }
0xa4: {  	s26 =	sadd.s32 $0xFFFFFFA0, s2;
	v2 =	vld.idx.msk [tilespmem:v3+s15+$0x0], $0xffff  }
0xa5: {  	v3 =	vor.u32 s26, v0;
	_ =	sdelay $0x3  }
0xa6: {  	[tilespmem:s18+$0x7A30] =	vst v2  }
0xa7: {  	v2 =	vld.idx.msk [tilespmem:v3+s15+$0x0], $0xffff  }
0xa8: {  	v3 =	vor.u32 s26, v1;
	_ =	sdelay $0x3  }
0xa9: {  	[tilespmem:s18+$0x2A40] =	vst v2  }
0xaa: {  	s24 =	sadd.s32 $0xFFFFFFC0, s2;
	v2 =	vld.idx.msk [tilespmem:v3+s15+$0x0], $0xffff  }
0xab: {  	v3 =	vor.u32 s24, v0;
	_ =	sdelay $0x3  }
0xac: {  	[tilespmem:s18+$0x7A40] =	vst v2  }
0xad: {  	v2 =	vld.idx.msk [tilespmem:v3+s15+$0x0], $0xffff  }
0xae: {  	v3 =	vor.u32 s24, v1;
	_ =	sdelay $0x3  }
0xaf: {  	[tilespmem:s18+$0x2A50] =	vst v2  }
0xb0: {  	s26 =	sadd.s32 $0xFFFFFFE0, s2;
	v2 =	vld.idx.msk [tilespmem:v3+s15+$0x0], $0xffff  }
0xb1: {  	v3 =	vor.u32 s26, v0;
	_ =	sdelay $0x3  }
0xb2: {  	[tilespmem:s18+$0x7A50] =	vst v2  }
0xb3: {  	v2 =	vld.idx.msk [tilespmem:v3+s15+$0x0], $0xffff  }
0xb4: {  	v3 =	vor.u32 s26, v1;
	_ =	sdelay $0x3  }
0xb5: {  	[tilespmem:s18+$0x2A60] =	vst v2  }
0xb6: {  	v2 =	vld.idx.msk [tilespmem:v3+s15+$0x0], $0xffff  }
0xb7: {  	v3 =	vor.u32 s2, v0;
	_ =	sdelay $0x3  }
0xb8: {  	[tilespmem:s18+$0x7A60] =	vst v2  }
0xb9: {  	v2 =	vld.idx.msk [tilespmem:v3+s15+$0x0], $0xffff  }
0xba: {  	v3 =	vor.u32 s2, v1;
	_ =	sdelay $0x3  }
0xbb: {  	[tilespmem:s18+$0x2A70] =	vst v2  }
0xbc: {  	v2 =	vld.idx.msk [tilespmem:v3+s15+$0x0], $0xffff;
	_ =	sdelay $0x3  }
0xbd: {  	s20 =	simm.s32 $0x0  }
0xbe: {  	s24 =	simm.s32 $0x0;
	[tilespmem:s18+$0x7A70] =	vst v2;
	v2 =	vor.u32 s20, v0  }
0xbf: {  	[tilespmem:s15], [sflag:$0x5] =	stream.linear.gather [hbm4b:s5+s24], $0x2800, $0x38;
	[tilespmem:$0x14A00] =	vst v63  }
0xc0: {  	_ =	swait.ge [sflag:s16], $0x2800  }
0xc1: {  	[sflag:s16] =	ssyncset.done $0x0  }
0xc2: {  	[sflag:s16] =	ssyncadd.s32 $0xFFFFD800  }
0xc3: {  	v2 =	vld.idx.msk [tilespmem:v2+s15+$0x0], $0xffff  }
0xc4: {  	v3 =	vor.u32 s20, v1;
	_ =	sdelay $0x2  }
0xc5: {  	s18 =	simm.s32 $0x0  }
0xc6: {  	[tilespmem:s18+$0x3E00] =	vst v2  }
0xc7: {  	s26 =	simm.s32 $0x20;
	v2 =	vld.idx.msk [tilespmem:v3+s15+$0x0], $0xffff  }
0xc8: {  	v3 =	vor.u32 s26, v0;
	_ =	sdelay $0x3  }
0xc9: {  	[tilespmem:s18+$0x8E00] =	vst v2  }
0xca: {  	v2 =	vld.idx.msk [tilespmem:v3+s15+$0x0], $0xffff  }
0xcb: {  	v3 =	vor.u32 s26, v1;
	_ =	sdelay $0x3  }
0xcc: {  	[tilespmem:s18+$0x3E10] =	vst v2  }
0xcd: {  	s20 =	simm.s32 $0x40;
	v2 =	vld.idx.msk [tilespmem:v3+s15+$0x0], $0xffff  }
0xce: {  	v3 =	vor.u32 s20, v0;
	_ =	sdelay $0x3  }
0xcf: {  	[tilespmem:s18+$0x8E10] =	vst v2  }
0xd0: {  	v2 =	vld.idx.msk [tilespmem:v3+s15+$0x0], $0xffff  }
0xd1: {  	v3 =	vor.u32 s20, v1;
	_ =	sdelay $0x3  }
0xd2: {  	[tilespmem:s18+$0x3E20] =	vst v2  }
0xd3: {  	s24 =	simm.s32 $0x60;
	v2 =	vld.idx.msk [tilespmem:v3+s15+$0x0], $0xffff  }
0xd4: {  	v3 =	vor.u32 s24, v0;
	_ =	sdelay $0x3  }
0xd5: {  	[tilespmem:s18+$0x8E20] =	vst v2  }
0xd6: {  	v2 =	vld.idx.msk [tilespmem:v3+s15+$0x0], $0xffff  }
0xd7: {  	v3 =	vor.u32 s24, v1;
	_ =	sdelay $0x3  }
0xd8: {  	[tilespmem:s18+$0x3E30] =	vst v2  }
0xd9: {  	s26 =	simm.s32 $0x80;
	v2 =	vld.idx.msk [tilespmem:v3+s15+$0x0], $0xffff  }
0xda: {  	v3 =	vor.u32 s26, v0;
	_ =	sdelay $0x3  }
0xdb: {  	[tilespmem:s18+$0x8E30] =	vst v2  }
0xdc: {  	v2 =	vld.idx.msk [tilespmem:v3+s15+$0x0], $0xffff  }
0xdd: {  	v3 =	vor.u32 s26, v1;
	_ =	sdelay $0x3  }
0xde: {  	[tilespmem:s18+$0x3E40] =	vst v2  }
0xdf: {  	s20 =	simm.s32 $0xA0;
	v2 =	vld.idx.msk [tilespmem:v3+s15+$0x0], $0xffff  }
0xe0: {  	v3 =	vor.u32 s20, v0;
	_ =	sdelay $0x3  }
0xe1: {  	[tilespmem:s18+$0x8E40] =	vst v2  }
0xe2: {  	v2 =	vld.idx.msk [tilespmem:v3+s15+$0x0], $0xffff  }
0xe3: {  	v3 =	vor.u32 s20, v1;
	_ =	sdelay $0x3  }
0xe4: {  	[tilespmem:s18+$0x3E50] =	vst v2  }
0xe5: {  	s24 =	simm.s32 $0xC0;
	v2 =	vld.idx.msk [tilespmem:v3+s15+$0x0], $0xffff  }
0xe6: {  	v3 =	vor.u32 s24, v0;
	_ =	sdelay $0x3  }
0xe7: {  	[tilespmem:s18+$0x8E50] =	vst v2  }
0xe8: {  	v2 =	vld.idx.msk [tilespmem:v3+s15+$0x0], $0xffff  }
0xe9: {  	v3 =	vor.u32 s24, v1;
	_ =	sdelay $0x3  }
0xea: {  	[tilespmem:s18+$0x3E60] =	vst v2  }
0xeb: {  	s26 =	simm.s32 $0xE0;
	v2 =	vld.idx.msk [tilespmem:v3+s15+$0x0], $0xffff  }
0xec: {  	v3 =	vor.u32 s26, v0;
	_ =	sdelay $0x3  }
0xed: {  	[tilespmem:s18+$0x8E60] =	vst v2  }
0xee: {  	v2 =	vld.idx.msk [tilespmem:v3+s15+$0x0], $0xffff  }
0xef: {  	v3 =	vor.u32 s26, v1;
	_ =	sdelay $0x3  }
0xf0: {  	s2 =	simm.s32 $0x1E0;
	[tilespmem:s18+$0x3E70] =	vst v2  }
0xf1: {  	s20 =	simm.s32 $0x200;
	s24 =	simm.s32 $0x400;
	s26 =	simm.s32 $0x100;
	v2 =	vld.idx.msk [tilespmem:v3+s15+$0x0], $0xffff  }
.LBB2_4:
0xf2: {  	p1 =	sne.s32 s24, $0x4E00;
	v3 =	vor.u32 s26, v0;
	_ =	sdelay $0x3  }
0xf3: {  	[tilespmem:s18+$0x8E70] =	vst v2  }
0xf4: {  	v2 =	vld.idx.msk [tilespmem:v3+s15+$0x0], $0xffff;
	_ =	sdelay $0x1  }
0xf5: {  	v3 =	vor.u32 s26, v1;
	_ =	sdelay $0x2  }
0xf6: {  	s18 =	sshra.s32 s20, $0x2;
	s20 =	smov.u32 s24  }
0xf7: {  	[tilespmem:s18+$0x3E00] =	vst v2  }
0xf8: {  	v2 =	vld.idx.msk [tilespmem:v3+s15+$0x0], $0xffff  }
0xf9: {  	s26 =	sadd.s32 $0xFFFFFF40, s2  }
0xfa: {  	v3 =	vor.u32 s26, v0;
	_ =	sdelay $0x3  }
0xfb: {  	[tilespmem:s18+$0x8E00] =	vst v2  }
0xfc: {  	v2 =	vld.idx.msk [tilespmem:v3+s15+$0x0], $0xffff;
	_ =	sdelay $0x1  }
0xfd: {  	v3 =	vor.u32 s26, v1;
	_ =	sdelay $0x3  }
0xfe: {  	[tilespmem:s18+$0x3E10] =	vst v2  }
0xff: {  	v2 =	vld.idx.msk [tilespmem:v3+s15+$0x0], $0xffff  }
0x100: {  	s26 =	sadd.s32 $0xFFFFFF60, s2  }
0x101: {  	v3 =	vor.u32 s26, v0;
	_ =	sdelay $0x3  }
0x102: {  	[tilespmem:s18+$0x8E10] =	vst v2  }
0x103: {  	v2 =	vld.idx.msk [tilespmem:v3+s15+$0x0], $0xffff;
	_ =	sdelay $0x1  }
0x104: {  	v3 =	vor.u32 s26, v1;
	_ =	sdelay $0x3  }
0x105: {  	[tilespmem:s18+$0x3E20] =	vst v2  }
0x106: {  	v2 =	vld.idx.msk [tilespmem:v3+s15+$0x0], $0xffff  }
0x107: {  	s26 =	sadd.s32 $0xFFFFFF80, s2  }
0x108: {  	v3 =	vor.u32 s26, v0;
	_ =	sdelay $0x3  }
0x109: {  	[tilespmem:s18+$0x8E20] =	vst v2  }
0x10a: {  	v2 =	vld.idx.msk [tilespmem:v3+s15+$0x0], $0xffff;
	_ =	sdelay $0x1  }
0x10b: {  	v3 =	vor.u32 s26, v1;
	_ =	sdelay $0x3  }
0x10c: {  	[tilespmem:s18+$0x3E30] =	vst v2  }
0x10d: {  	v2 =	vld.idx.msk [tilespmem:v3+s15+$0x0], $0xffff  }
0x10e: {  	s26 =	sadd.s32 $0xFFFFFFA0, s2  }
0x10f: {  	v3 =	vor.u32 s26, v0;
	_ =	sdelay $0x3  }
0x110: {  	[tilespmem:s18+$0x8E30] =	vst v2  }
0x111: {  	v2 =	vld.idx.msk [tilespmem:v3+s15+$0x0], $0xffff;
	_ =	sdelay $0x1  }
0x112: {  	v3 =	vor.u32 s26, v1;
	_ =	sdelay $0x3  }
0x113: {  	[tilespmem:s18+$0x3E40] =	vst v2  }
0x114: {  	v2 =	vld.idx.msk [tilespmem:v3+s15+$0x0], $0xffff  }
0x115: {  	s26 =	sadd.s32 $0xFFFFFFC0, s2  }
0x116: {  	v3 =	vor.u32 s26, v0;
	_ =	sdelay $0x3  }
0x117: {  	[tilespmem:s18+$0x8E40] =	vst v2  }
0x118: {  	v2 =	vld.idx.msk [tilespmem:v3+s15+$0x0], $0xffff;
	_ =	sdelay $0x1  }
0x119: {  	v3 =	vor.u32 s26, v1;
	_ =	sdelay $0x3  }
0x11a: {  	[tilespmem:s18+$0x3E50] =	vst v2  }
0x11b: {  	v2 =	vld.idx.msk [tilespmem:v3+s15+$0x0], $0xffff  }
0x11c: {  	s26 =	sadd.s32 $0xFFFFFFE0, s2  }
0x11d: {  	v3 =	vor.u32 s26, v0;
	_ =	sdelay $0x3  }
0x11e: {  	[tilespmem:s18+$0x8E50] =	vst v2  }
0x11f: {  	v2 =	vld.idx.msk [tilespmem:v3+s15+$0x0], $0xffff;
	_ =	sdelay $0x1  }
0x120: {  	v3 =	vor.u32 s26, v1;
	_ =	sdelay $0x3  }
0x121: {  	[tilespmem:s18+$0x3E60] =	vst v2  }
0x122: {  	v2 =	vld.idx.msk [tilespmem:v3+s15+$0x0], $0xffff;
	_ =	sdelay $0x1  }
0x123: {  	v3 =	vor.u32 s2, v0;
	_ =	sdelay $0x3  }
0x124: {  	[tilespmem:s18+$0x8E60] =	vst v2  }
0x125: {  	v2 =	vld.idx.msk [tilespmem:v3+s15+$0x0], $0xffff;
	_ =	sdelay $0x1  }
0x126: {  	v3 =	vor.u32 s2, v1;
	_ =	sdelay $0x1  }
.Ltmp1:
0x127: {  	(pc) =	sbr.rel @p1 .LBB2_4-.Ltmp1, $4  }
0x128: {  	_ = 	snop  }
0x129: {  	[tilespmem:s18+$0x3E70] =	vst v2  }
0x12a: {  	s2 =	sadd.s32 $0x100, s2;
	v2 =	vld.idx.msk [tilespmem:v3+s15+$0x0], $0xffff  }
0x12b: {  	s24 =	sadd.s32 $0x200, s24;
	s26 =	sadd.s32 $0xFFFFFF20, s2  }
0x12c: {  	v3 =	vor.u32 s26, v0;
	_ =	sdelay $0x3  }
0x12d: {  	[tilespmem:s18+$0x8E70] =	vst v2  }
0x12e: {  	v2 =	vld.idx.msk [tilespmem:v3+s15+$0x0], $0xffff  }
0x12f: {  	v3 =	vor.u32 s26, v1;
	_ =	sdelay $0x2  }
0x130: {  	s18 =	sshra.s32 s20, $0x2  }
0x131: {  	[tilespmem:s18+$0x3E00] =	vst v2  }
0x132: {  	s24 =	sadd.s32 $0xFFFFFF40, s2;
	v2 =	vld.idx.msk [tilespmem:v3+s15+$0x0], $0xffff  }
0x133: {  	v3 =	vor.u32 s24, v0;
	_ =	sdelay $0x3  }
0x134: {  	[tilespmem:s18+$0x8E00] =	vst v2  }
0x135: {  	v2 =	vld.idx.msk [tilespmem:v3+s15+$0x0], $0xffff  }
0x136: {  	v3 =	vor.u32 s24, v1;
	_ =	sdelay $0x3  }
0x137: {  	[tilespmem:s18+$0x3E10] =	vst v2  }
0x138: {  	s26 =	sadd.s32 $0xFFFFFF60, s2;
	v2 =	vld.idx.msk [tilespmem:v3+s15+$0x0], $0xffff  }
0x139: {  	v3 =	vor.u32 s26, v0;
	_ =	sdelay $0x3  }
0x13a: {  	[tilespmem:s18+$0x8E10] =	vst v2  }
0x13b: {  	v2 =	vld.idx.msk [tilespmem:v3+s15+$0x0], $0xffff  }
0x13c: {  	v3 =	vor.u32 s26, v1;
	_ =	sdelay $0x3  }
0x13d: {  	[tilespmem:s18+$0x3E20] =	vst v2  }
0x13e: {  	s24 =	sadd.s32 $0xFFFFFF80, s2;
	v2 =	vld.idx.msk [tilespmem:v3+s15+$0x0], $0xffff  }
0x13f: {  	v3 =	vor.u32 s24, v0;
	_ =	sdelay $0x3  }
0x140: {  	[tilespmem:s18+$0x8E20] =	vst v2  }
0x141: {  	v2 =	vld.idx.msk [tilespmem:v3+s15+$0x0], $0xffff  }
0x142: {  	v3 =	vor.u32 s24, v1;
	_ =	sdelay $0x3  }
0x143: {  	[tilespmem:s18+$0x3E30] =	vst v2  }
0x144: {  	s26 =	sadd.s32 $0xFFFFFFA0, s2;
	v2 =	vld.idx.msk [tilespmem:v3+s15+$0x0], $0xffff  }
0x145: {  	v3 =	vor.u32 s26, v0;
	_ =	sdelay $0x3  }
0x146: {  	[tilespmem:s18+$0x8E30] =	vst v2  }
0x147: {  	v2 =	vld.idx.msk [tilespmem:v3+s15+$0x0], $0xffff  }
0x148: {  	v3 =	vor.u32 s26, v1;
	_ =	sdelay $0x3  }
0x149: {  	[tilespmem:s18+$0x3E40] =	vst v2  }
0x14a: {  	s24 =	sadd.s32 $0xFFFFFFC0, s2;
	v2 =	vld.idx.msk [tilespmem:v3+s15+$0x0], $0xffff  }
0x14b: {  	v3 =	vor.u32 s24, v0;
	_ =	sdelay $0x3  }
0x14c: {  	[tilespmem:s18+$0x8E40] =	vst v2  }
0x14d: {  	v2 =	vld.idx.msk [tilespmem:v3+s15+$0x0], $0xffff  }
0x14e: {  	v3 =	vor.u32 s24, v1;
	_ =	sdelay $0x3  }
0x14f: {  	[tilespmem:s18+$0x3E50] =	vst v2  }
0x150: {  	s26 =	sadd.s32 $0xFFFFFFE0, s2;
	v2 =	vld.idx.msk [tilespmem:v3+s15+$0x0], $0xffff  }
0x151: {  	v3 =	vor.u32 s26, v0;
	_ =	sdelay $0x3  }
0x152: {  	[tilespmem:s18+$0x8E50] =	vst v2  }
0x153: {  	v2 =	vld.idx.msk [tilespmem:v3+s15+$0x0], $0xffff  }
0x154: {  	v3 =	vor.u32 s26, v1;
	_ =	sdelay $0x3  }
0x155: {  	[tilespmem:s18+$0x3E60] =	vst v2  }
0x156: {  	v2 =	vld.idx.msk [tilespmem:v3+s15+$0x0], $0xffff  }
0x157: {  	v3 =	vor.u32 s2, v0;
	_ =	sdelay $0x3  }
0x158: {  	[tilespmem:s18+$0x8E60] =	vst v2  }
0x159: {  	v2 =	vld.idx.msk [tilespmem:v3+s15+$0x0], $0xffff  }
0x15a: {  	v3 =	vor.u32 s2, v1;
	_ =	sdelay $0x3  }
0x15b: {  	[tilespmem:s18+$0x3E70] =	vst v2  }
0x15c: {  	v2 =	vld.idx.msk [tilespmem:v3+s15+$0x0], $0xffff;
	_ =	sdelay $0x3  }
0x15d: {  	s20 =	simm.s32 $0x0  }
0x15e: {  	s24 =	simm.s32 $0x0;
	[tilespmem:s18+$0x8E70] =	vst v2;
	v2 =	vor.u32 s20, v0  }
0x15f: {  	[tilespmem:s15], [sflag:$0x5] =	stream.linear.gather [hbm4b:s6+s24], $0x2800, $0x38;
	[tilespmem:$0x14A00] =	vst v63  }
0x160: {  	_ =	swait.ge [sflag:s16], $0x2800  }
0x161: {  	[sflag:s16] =	ssyncset.done $0x0  }
0x162: {  	[sflag:s16] =	ssyncadd.s32 $0xFFFFD800  }
0x163: {  	v2 =	vld.idx.msk [tilespmem:v2+s15+$0x0], $0xffff  }
0x164: {  	v3 =	vor.u32 s20, v1;
	_ =	sdelay $0x2  }
0x165: {  	s18 =	simm.s32 $0x0  }
0x166: {  	[tilespmem:s18+$0x5200] =	vst v2  }
0x167: {  	s26 =	simm.s32 $0x20;
	v2 =	vld.idx.msk [tilespmem:v3+s15+$0x0], $0xffff  }
0x168: {  	v3 =	vor.u32 s26, v0;
	_ =	sdelay $0x3  }
0x169: {  	[tilespmem:s18+$0xA200] =	vst v2  }
0x16a: {  	v2 =	vld.idx.msk [tilespmem:v3+s15+$0x0], $0xffff  }
0x16b: {  	v3 =	vor.u32 s26, v1;
	_ =	sdelay $0x3  }
0x16c: {  	[tilespmem:s18+$0x5210] =	vst v2  }
0x16d: {  	s20 =	simm.s32 $0x40;
	v2 =	vld.idx.msk [tilespmem:v3+s15+$0x0], $0xffff  }
0x16e: {  	v3 =	vor.u32 s20, v0;
	_ =	sdelay $0x3  }
0x16f: {  	[tilespmem:s18+$0xA210] =	vst v2  }
0x170: {  	v2 =	vld.idx.msk [tilespmem:v3+s15+$0x0], $0xffff  }
0x171: {  	v3 =	vor.u32 s20, v1;
	_ =	sdelay $0x3  }
0x172: {  	[tilespmem:s18+$0x5220] =	vst v2  }
0x173: {  	s24 =	simm.s32 $0x60;
	v2 =	vld.idx.msk [tilespmem:v3+s15+$0x0], $0xffff  }
0x174: {  	v3 =	vor.u32 s24, v0;
	_ =	sdelay $0x3  }
0x175: {  	[tilespmem:s18+$0xA220] =	vst v2  }
0x176: {  	v2 =	vld.idx.msk [tilespmem:v3+s15+$0x0], $0xffff  }
0x177: {  	v3 =	vor.u32 s24, v1;
	_ =	sdelay $0x3  }
0x178: {  	[tilespmem:s18+$0x5230] =	vst v2  }
0x179: {  	s26 =	simm.s32 $0x80;
	v2 =	vld.idx.msk [tilespmem:v3+s15+$0x0], $0xffff  }
0x17a: {  	v3 =	vor.u32 s26, v0;
	_ =	sdelay $0x3  }
0x17b: {  	[tilespmem:s18+$0xA230] =	vst v2  }
0x17c: {  	v2 =	vld.idx.msk [tilespmem:v3+s15+$0x0], $0xffff  }
0x17d: {  	v3 =	vor.u32 s26, v1;
	_ =	sdelay $0x3  }
0x17e: {  	[tilespmem:s18+$0x5240] =	vst v2  }
0x17f: {  	s20 =	simm.s32 $0xA0;
	v2 =	vld.idx.msk [tilespmem:v3+s15+$0x0], $0xffff  }
0x180: {  	v3 =	vor.u32 s20, v0;
	_ =	sdelay $0x3  }
0x181: {  	[tilespmem:s18+$0xA240] =	vst v2  }
0x182: {  	v2 =	vld.idx.msk [tilespmem:v3+s15+$0x0], $0xffff  }
0x183: {  	v3 =	vor.u32 s20, v1;
	_ =	sdelay $0x3  }
0x184: {  	[tilespmem:s18+$0x5250] =	vst v2  }
0x185: {  	s24 =	simm.s32 $0xC0;
	v2 =	vld.idx.msk [tilespmem:v3+s15+$0x0], $0xffff  }
0x186: {  	v3 =	vor.u32 s24, v0;
	_ =	sdelay $0x3  }
0x187: {  	[tilespmem:s18+$0xA250] =	vst v2  }
0x188: {  	v2 =	vld.idx.msk [tilespmem:v3+s15+$0x0], $0xffff  }
0x189: {  	v3 =	vor.u32 s24, v1;
	_ =	sdelay $0x3  }
0x18a: {  	[tilespmem:s18+$0x5260] =	vst v2  }
0x18b: {  	s26 =	simm.s32 $0xE0;
	v2 =	vld.idx.msk [tilespmem:v3+s15+$0x0], $0xffff  }
0x18c: {  	v3 =	vor.u32 s26, v0;
	_ =	sdelay $0x3  }
0x18d: {  	[tilespmem:s18+$0xA260] =	vst v2  }
0x18e: {  	v2 =	vld.idx.msk [tilespmem:v3+s15+$0x0], $0xffff  }
0x18f: {  	v3 =	vor.u32 s26, v1;
	_ =	sdelay $0x3  }
0x190: {  	s2 =	simm.s32 $0x1E0;
	[tilespmem:s18+$0x5270] =	vst v2  }
0x191: {  	s20 =	simm.s32 $0x200;
	s24 =	simm.s32 $0x400;
	s26 =	simm.s32 $0x100;
	v2 =	vld.idx.msk [tilespmem:v3+s15+$0x0], $0xffff  }
.LBB2_6:
0x192: {  	p1 =	sne.s32 s24, $0x4E00;
	v3 =	vor.u32 s26, v0;
	_ =	sdelay $0x3  }
0x193: {  	[tilespmem:s18+$0xA270] =	vst v2  }
0x194: {  	v2 =	vld.idx.msk [tilespmem:v3+s15+$0x0], $0xffff;
	_ =	sdelay $0x1  }
0x195: {  	v3 =	vor.u32 s26, v1;
	_ =	sdelay $0x2  }
0x196: {  	s18 =	sshra.s32 s20, $0x2;
	s20 =	smov.u32 s24  }
0x197: {  	[tilespmem:s18+$0x5200] =	vst v2  }
0x198: {  	v2 =	vld.idx.msk [tilespmem:v3+s15+$0x0], $0xffff  }
0x199: {  	s26 =	sadd.s32 $0xFFFFFF40, s2  }
0x19a: {  	v3 =	vor.u32 s26, v0;
	_ =	sdelay $0x3  }
0x19b: {  	[tilespmem:s18+$0xA200] =	vst v2  }
0x19c: {  	v2 =	vld.idx.msk [tilespmem:v3+s15+$0x0], $0xffff;
	_ =	sdelay $0x1  }
0x19d: {  	v3 =	vor.u32 s26, v1;
	_ =	sdelay $0x3  }
0x19e: {  	[tilespmem:s18+$0x5210] =	vst v2  }
0x19f: {  	v2 =	vld.idx.msk [tilespmem:v3+s15+$0x0], $0xffff  }
0x1a0: {  	s26 =	sadd.s32 $0xFFFFFF60, s2  }
0x1a1: {  	v3 =	vor.u32 s26, v0;
	_ =	sdelay $0x3  }
0x1a2: {  	[tilespmem:s18+$0xA210] =	vst v2  }
0x1a3: {  	v2 =	vld.idx.msk [tilespmem:v3+s15+$0x0], $0xffff;
	_ =	sdelay $0x1  }
0x1a4: {  	v3 =	vor.u32 s26, v1;
	_ =	sdelay $0x3  }
0x1a5: {  	[tilespmem:s18+$0x5220] =	vst v2  }
0x1a6: {  	v2 =	vld.idx.msk [tilespmem:v3+s15+$0x0], $0xffff  }
0x1a7: {  	s26 =	sadd.s32 $0xFFFFFF80, s2  }
0x1a8: {  	v3 =	vor.u32 s26, v0;
	_ =	sdelay $0x3  }
0x1a9: {  	[tilespmem:s18+$0xA220] =	vst v2  }
0x1aa: {  	v2 =	vld.idx.msk [tilespmem:v3+s15+$0x0], $0xffff;
	_ =	sdelay $0x1  }
0x1ab: {  	v3 =	vor.u32 s26, v1;
	_ =	sdelay $0x3  }
0x1ac: {  	[tilespmem:s18+$0x5230] =	vst v2  }
0x1ad: {  	v2 =	vld.idx.msk [tilespmem:v3+s15+$0x0], $0xffff  }
0x1ae: {  	s26 =	sadd.s32 $0xFFFFFFA0, s2  }
0x1af: {  	v3 =	vor.u32 s26, v0;
	_ =	sdelay $0x3  }
0x1b0: {  	[tilespmem:s18+$0xA230] =	vst v2  }
0x1b1: {  	v2 =	vld.idx.msk [tilespmem:v3+s15+$0x0], $0xffff;
	_ =	sdelay $0x1  }
0x1b2: {  	v3 =	vor.u32 s26, v1;
	_ =	sdelay $0x3  }
0x1b3: {  	[tilespmem:s18+$0x5240] =	vst v2  }
0x1b4: {  	v2 =	vld.idx.msk [tilespmem:v3+s15+$0x0], $0xffff  }
0x1b5: {  	s26 =	sadd.s32 $0xFFFFFFC0, s2  }
0x1b6: {  	v3 =	vor.u32 s26, v0;
	_ =	sdelay $0x3  }
0x1b7: {  	[tilespmem:s18+$0xA240] =	vst v2  }
0x1b8: {  	v2 =	vld.idx.msk [tilespmem:v3+s15+$0x0], $0xffff;
	_ =	sdelay $0x1  }
0x1b9: {  	v3 =	vor.u32 s26, v1;
	_ =	sdelay $0x3  }
0x1ba: {  	[tilespmem:s18+$0x5250] =	vst v2  }
0x1bb: {  	v2 =	vld.idx.msk [tilespmem:v3+s15+$0x0], $0xffff  }
0x1bc: {  	s26 =	sadd.s32 $0xFFFFFFE0, s2  }
0x1bd: {  	v3 =	vor.u32 s26, v0;
	_ =	sdelay $0x3  }
0x1be: {  	[tilespmem:s18+$0xA250] =	vst v2  }
0x1bf: {  	v2 =	vld.idx.msk [tilespmem:v3+s15+$0x0], $0xffff;
	_ =	sdelay $0x1  }
0x1c0: {  	v3 =	vor.u32 s26, v1;
	_ =	sdelay $0x3  }
0x1c1: {  	[tilespmem:s18+$0x5260] =	vst v2  }
0x1c2: {  	v2 =	vld.idx.msk [tilespmem:v3+s15+$0x0], $0xffff;
	_ =	sdelay $0x1  }
0x1c3: {  	v3 =	vor.u32 s2, v0;
	_ =	sdelay $0x3  }
0x1c4: {  	[tilespmem:s18+$0xA260] =	vst v2  }
0x1c5: {  	v2 =	vld.idx.msk [tilespmem:v3+s15+$0x0], $0xffff;
	_ =	sdelay $0x1  }
0x1c6: {  	v3 =	vor.u32 s2, v1;
	_ =	sdelay $0x1  }
.Ltmp2:
0x1c7: {  	(pc) =	sbr.rel @p1 .LBB2_6-.Ltmp2, $4  }
0x1c8: {  	_ = 	snop  }
0x1c9: {  	[tilespmem:s18+$0x5270] =	vst v2  }
0x1ca: {  	s2 =	sadd.s32 $0x100, s2;
	v2 =	vld.idx.msk [tilespmem:v3+s15+$0x0], $0xffff  }
0x1cb: {  	s24 =	sadd.s32 $0x200, s24;
	s26 =	sadd.s32 $0xFFFFFF20, s2  }
0x1cc: {  	v3 =	vor.u32 s26, v0;
	_ =	sdelay $0x3  }
0x1cd: {  	[tilespmem:s18+$0xA270] =	vst v2  }
0x1ce: {  	v2 =	vld.idx.msk [tilespmem:v3+s15+$0x0], $0xffff  }
0x1cf: {  	v3 =	vor.u32 s26, v1;
	_ =	sdelay $0x2  }
0x1d0: {  	s18 =	sshra.s32 s20, $0x2  }
0x1d1: {  	[tilespmem:s18+$0x5200] =	vst v2  }
0x1d2: {  	s24 =	sadd.s32 $0xFFFFFF40, s2;
	v2 =	vld.idx.msk [tilespmem:v3+s15+$0x0], $0xffff  }
0x1d3: {  	v3 =	vor.u32 s24, v0;
	_ =	sdelay $0x3  }
0x1d4: {  	[tilespmem:s18+$0xA200] =	vst v2  }
0x1d5: {  	v2 =	vld.idx.msk [tilespmem:v3+s15+$0x0], $0xffff  }
0x1d6: {  	v3 =	vor.u32 s24, v1;
	_ =	sdelay $0x3  }
0x1d7: {  	[tilespmem:s18+$0x5210] =	vst v2  }
0x1d8: {  	s26 =	sadd.s32 $0xFFFFFF60, s2;
	v2 =	vld.idx.msk [tilespmem:v3+s15+$0x0], $0xffff  }
0x1d9: {  	v3 =	vor.u32 s26, v0;
	_ =	sdelay $0x3  }
0x1da: {  	[tilespmem:s18+$0xA210] =	vst v2  }
0x1db: {  	v2 =	vld.idx.msk [tilespmem:v3+s15+$0x0], $0xffff  }
0x1dc: {  	v3 =	vor.u32 s26, v1;
	_ =	sdelay $0x3  }
0x1dd: {  	[tilespmem:s18+$0x5220] =	vst v2  }
0x1de: {  	s24 =	sadd.s32 $0xFFFFFF80, s2;
	v2 =	vld.idx.msk [tilespmem:v3+s15+$0x0], $0xffff  }
0x1df: {  	v3 =	vor.u32 s24, v0;
	_ =	sdelay $0x3  }
0x1e0: {  	[tilespmem:s18+$0xA220] =	vst v2  }
0x1e1: {  	v2 =	vld.idx.msk [tilespmem:v3+s15+$0x0], $0xffff  }
0x1e2: {  	v3 =	vor.u32 s24, v1;
	_ =	sdelay $0x3  }
0x1e3: {  	[tilespmem:s18+$0x5230] =	vst v2  }
0x1e4: {  	s26 =	sadd.s32 $0xFFFFFFA0, s2;
	v2 =	vld.idx.msk [tilespmem:v3+s15+$0x0], $0xffff  }
0x1e5: {  	v3 =	vor.u32 s26, v0;
	_ =	sdelay $0x3  }
0x1e6: {  	[tilespmem:s18+$0xA230] =	vst v2  }
0x1e7: {  	v2 =	vld.idx.msk [tilespmem:v3+s15+$0x0], $0xffff  }
0x1e8: {  	v3 =	vor.u32 s26, v1;
	_ =	sdelay $0x3  }
0x1e9: {  	[tilespmem:s18+$0x5240] =	vst v2  }
0x1ea: {  	s24 =	sadd.s32 $0xFFFFFFC0, s2;
	v2 =	vld.idx.msk [tilespmem:v3+s15+$0x0], $0xffff  }
0x1eb: {  	v3 =	vor.u32 s24, v0;
	_ =	sdelay $0x3  }
0x1ec: {  	[tilespmem:s18+$0xA240] =	vst v2  }
0x1ed: {  	v2 =	vld.idx.msk [tilespmem:v3+s15+$0x0], $0xffff  }
0x1ee: {  	v3 =	vor.u32 s24, v1;
	_ =	sdelay $0x3  }
0x1ef: {  	[tilespmem:s18+$0x5250] =	vst v2  }
0x1f0: {  	s26 =	sadd.s32 $0xFFFFFFE0, s2;
	v2 =	vld.idx.msk [tilespmem:v3+s15+$0x0], $0xffff  }
0x1f1: {  	v3 =	vor.u32 s26, v0;
	_ =	sdelay $0x3  }
0x1f2: {  	[tilespmem:s18+$0xA250] =	vst v2  }
0x1f3: {  	v2 =	vld.idx.msk [tilespmem:v3+s15+$0x0], $0xffff  }
0x1f4: {  	v3 =	vor.u32 s26, v1;
	_ =	sdelay $0x3  }
0x1f5: {  	[tilespmem:s18+$0x5260] =	vst v2  }
0x1f6: {  	v2 =	vld.idx.msk [tilespmem:v3+s15+$0x0], $0xffff  }
0x1f7: {  	v3 =	vor.u32 s2, v0;
	_ =	sdelay $0x3  }
0x1f8: {  	[tilespmem:s18+$0xA260] =	vst v2  }
0x1f9: {  	v2 =	vld.idx.msk [tilespmem:v3+s15+$0x0], $0xffff  }
0x1fa: {  	v3 =	vor.u32 s2, v1;
	_ =	sdelay $0x3  }
0x1fb: {  	[tilespmem:s18+$0x5270] =	vst v2  }
0x1fc: {  	v2 =	vld.idx.msk [tilespmem:v3+s15+$0x0], $0xffff;
	_ =	sdelay $0x3  }
0x1fd: {  	s20 =	simm.s32 $0x0  }
0x1fe: {  	s24 =	simm.s32 $0x0;
	[tilespmem:s18+$0xA270] =	vst v2;
	v2 =	vor.u32 s20, v0  }
0x1ff: {  	[tilespmem:s15], [sflag:$0x5] =	stream.linear.gather [hbm4b:s7+s24], $0x2800, $0x38;
	[tilespmem:$0x14A00] =	vst v63  }
0x200: {  	_ =	swait.ge [sflag:s16], $0x2800  }
0x201: {  	[sflag:s16] =	ssyncset.done $0x0  }
0x202: {  	[sflag:s16] =	ssyncadd.s32 $0xFFFFD800  }
0x203: {  	v2 =	vld.idx.msk [tilespmem:v2+s15+$0x0], $0xffff  }
0x204: {  	v3 =	vor.u32 s20, v1;
	_ =	sdelay $0x2  }
0x205: {  	s18 =	simm.s32 $0x0  }
0x206: {  	[tilespmem:s18+$0x6600] =	vst v2  }
0x207: {  	s26 =	simm.s32 $0x20;
	v2 =	vld.idx.msk [tilespmem:v3+s15+$0x0], $0xffff  }
0x208: {  	v3 =	vor.u32 s26, v0;
	_ =	sdelay $0x3  }
0x209: {  	[tilespmem:s18+$0xB600] =	vst v2  }
0x20a: {  	v2 =	vld.idx.msk [tilespmem:v3+s15+$0x0], $0xffff  }
0x20b: {  	v3 =	vor.u32 s26, v1;
	_ =	sdelay $0x3  }
0x20c: {  	[tilespmem:s18+$0x6610] =	vst v2  }
0x20d: {  	s20 =	simm.s32 $0x40;
	v2 =	vld.idx.msk [tilespmem:v3+s15+$0x0], $0xffff  }
0x20e: {  	v3 =	vor.u32 s20, v0;
	_ =	sdelay $0x3  }
0x20f: {  	[tilespmem:s18+$0xB610] =	vst v2  }
0x210: {  	v2 =	vld.idx.msk [tilespmem:v3+s15+$0x0], $0xffff  }
0x211: {  	v3 =	vor.u32 s20, v1;
	_ =	sdelay $0x3  }
0x212: {  	[tilespmem:s18+$0x6620] =	vst v2  }
0x213: {  	s24 =	simm.s32 $0x60;
	v2 =	vld.idx.msk [tilespmem:v3+s15+$0x0], $0xffff  }
0x214: {  	v3 =	vor.u32 s24, v0;
	_ =	sdelay $0x3  }
0x215: {  	[tilespmem:s18+$0xB620] =	vst v2  }
0x216: {  	v2 =	vld.idx.msk [tilespmem:v3+s15+$0x0], $0xffff  }
0x217: {  	v3 =	vor.u32 s24, v1;
	_ =	sdelay $0x3  }
0x218: {  	[tilespmem:s18+$0x6630] =	vst v2  }
0x219: {  	s26 =	simm.s32 $0x80;
	v2 =	vld.idx.msk [tilespmem:v3+s15+$0x0], $0xffff  }
0x21a: {  	v3 =	vor.u32 s26, v0;
	_ =	sdelay $0x3  }
0x21b: {  	[tilespmem:s18+$0xB630] =	vst v2  }
0x21c: {  	v2 =	vld.idx.msk [tilespmem:v3+s15+$0x0], $0xffff  }
0x21d: {  	v3 =	vor.u32 s26, v1;
	_ =	sdelay $0x3  }
0x21e: {  	[tilespmem:s18+$0x6640] =	vst v2  }
0x21f: {  	s20 =	simm.s32 $0xA0;
	v2 =	vld.idx.msk [tilespmem:v3+s15+$0x0], $0xffff  }
0x220: {  	v3 =	vor.u32 s20, v0;
	_ =	sdelay $0x3  }
0x221: {  	[tilespmem:s18+$0xB640] =	vst v2  }
0x222: {  	v2 =	vld.idx.msk [tilespmem:v3+s15+$0x0], $0xffff  }
0x223: {  	v3 =	vor.u32 s20, v1;
	_ =	sdelay $0x3  }
0x224: {  	[tilespmem:s18+$0x6650] =	vst v2  }
0x225: {  	s24 =	simm.s32 $0xC0;
	v2 =	vld.idx.msk [tilespmem:v3+s15+$0x0], $0xffff  }
0x226: {  	v3 =	vor.u32 s24, v0;
	_ =	sdelay $0x3  }
0x227: {  	[tilespmem:s18+$0xB650] =	vst v2  }
0x228: {  	v2 =	vld.idx.msk [tilespmem:v3+s15+$0x0], $0xffff  }
0x229: {  	v3 =	vor.u32 s24, v1;
	_ =	sdelay $0x3  }
0x22a: {  	[tilespmem:s18+$0x6660] =	vst v2  }
0x22b: {  	s26 =	simm.s32 $0xE0;
	v2 =	vld.idx.msk [tilespmem:v3+s15+$0x0], $0xffff  }
0x22c: {  	v3 =	vor.u32 s26, v0;
	_ =	sdelay $0x3  }
0x22d: {  	[tilespmem:s18+$0xB660] =	vst v2  }
0x22e: {  	v2 =	vld.idx.msk [tilespmem:v3+s15+$0x0], $0xffff  }
0x22f: {  	v3 =	vor.u32 s26, v1;
	_ =	sdelay $0x3  }
0x230: {  	s2 =	simm.s32 $0x1E0;
	[tilespmem:s18+$0x6670] =	vst v2  }
0x231: {  	s20 =	simm.s32 $0x200;
	s24 =	simm.s32 $0x400;
	s26 =	simm.s32 $0x100;
	v2 =	vld.idx.msk [tilespmem:v3+s15+$0x0], $0xffff  }
.LBB2_8:
0x232: {  	p1 =	sne.s32 s24, $0x4E00;
	v3 =	vor.u32 s26, v0;
	_ =	sdelay $0x3  }
0x233: {  	[tilespmem:s18+$0xB670] =	vst v2  }
0x234: {  	v2 =	vld.idx.msk [tilespmem:v3+s15+$0x0], $0xffff;
	_ =	sdelay $0x1  }
0x235: {  	v3 =	vor.u32 s26, v1;
	_ =	sdelay $0x2  }
0x236: {  	s18 =	sshra.s32 s20, $0x2;
	s20 =	smov.u32 s24  }
0x237: {  	[tilespmem:s18+$0x6600] =	vst v2  }
0x238: {  	v2 =	vld.idx.msk [tilespmem:v3+s15+$0x0], $0xffff  }
0x239: {  	s26 =	sadd.s32 $0xFFFFFF40, s2  }
0x23a: {  	v3 =	vor.u32 s26, v0;
	_ =	sdelay $0x3  }
0x23b: {  	[tilespmem:s18+$0xB600] =	vst v2  }
0x23c: {  	v2 =	vld.idx.msk [tilespmem:v3+s15+$0x0], $0xffff;
	_ =	sdelay $0x1  }
0x23d: {  	v3 =	vor.u32 s26, v1;
	_ =	sdelay $0x3  }
0x23e: {  	[tilespmem:s18+$0x6610] =	vst v2  }
0x23f: {  	v2 =	vld.idx.msk [tilespmem:v3+s15+$0x0], $0xffff  }
0x240: {  	s26 =	sadd.s32 $0xFFFFFF60, s2  }
0x241: {  	v3 =	vor.u32 s26, v0;
	_ =	sdelay $0x3  }
0x242: {  	[tilespmem:s18+$0xB610] =	vst v2  }
0x243: {  	v2 =	vld.idx.msk [tilespmem:v3+s15+$0x0], $0xffff;
	_ =	sdelay $0x1  }
0x244: {  	v3 =	vor.u32 s26, v1;
	_ =	sdelay $0x3  }
0x245: {  	[tilespmem:s18+$0x6620] =	vst v2  }
0x246: {  	v2 =	vld.idx.msk [tilespmem:v3+s15+$0x0], $0xffff  }
0x247: {  	s26 =	sadd.s32 $0xFFFFFF80, s2  }
0x248: {  	v3 =	vor.u32 s26, v0;
	_ =	sdelay $0x3  }
0x249: {  	[tilespmem:s18+$0xB620] =	vst v2  }
0x24a: {  	v2 =	vld.idx.msk [tilespmem:v3+s15+$0x0], $0xffff;
	_ =	sdelay $0x1  }
0x24b: {  	v3 =	vor.u32 s26, v1;
	_ =	sdelay $0x3  }
0x24c: {  	[tilespmem:s18+$0x6630] =	vst v2  }
0x24d: {  	v2 =	vld.idx.msk [tilespmem:v3+s15+$0x0], $0xffff  }
0x24e: {  	s26 =	sadd.s32 $0xFFFFFFA0, s2  }
0x24f: {  	v3 =	vor.u32 s26, v0;
	_ =	sdelay $0x3  }
0x250: {  	[tilespmem:s18+$0xB630] =	vst v2  }
0x251: {  	v2 =	vld.idx.msk [tilespmem:v3+s15+$0x0], $0xffff;
	_ =	sdelay $0x1  }
0x252: {  	v3 =	vor.u32 s26, v1;
	_ =	sdelay $0x3  }
0x253: {  	[tilespmem:s18+$0x6640] =	vst v2  }
0x254: {  	v2 =	vld.idx.msk [tilespmem:v3+s15+$0x0], $0xffff  }
0x255: {  	s26 =	sadd.s32 $0xFFFFFFC0, s2  }
0x256: {  	v3 =	vor.u32 s26, v0;
	_ =	sdelay $0x3  }
0x257: {  	[tilespmem:s18+$0xB640] =	vst v2  }
0x258: {  	v2 =	vld.idx.msk [tilespmem:v3+s15+$0x0], $0xffff;
	_ =	sdelay $0x1  }
0x259: {  	v3 =	vor.u32 s26, v1;
	_ =	sdelay $0x3  }
0x25a: {  	[tilespmem:s18+$0x6650] =	vst v2  }
0x25b: {  	v2 =	vld.idx.msk [tilespmem:v3+s15+$0x0], $0xffff  }
0x25c: {  	s26 =	sadd.s32 $0xFFFFFFE0, s2  }
0x25d: {  	v3 =	vor.u32 s26, v0;
	_ =	sdelay $0x3  }
0x25e: {  	[tilespmem:s18+$0xB650] =	vst v2  }
0x25f: {  	v2 =	vld.idx.msk [tilespmem:v3+s15+$0x0], $0xffff;
	_ =	sdelay $0x1  }
0x260: {  	v3 =	vor.u32 s26, v1;
	_ =	sdelay $0x3  }
0x261: {  	[tilespmem:s18+$0x6660] =	vst v2  }
0x262: {  	v2 =	vld.idx.msk [tilespmem:v3+s15+$0x0], $0xffff;
	_ =	sdelay $0x1  }
0x263: {  	v3 =	vor.u32 s2, v0;
	_ =	sdelay $0x3  }
0x264: {  	[tilespmem:s18+$0xB660] =	vst v2  }
0x265: {  	v2 =	vld.idx.msk [tilespmem:v3+s15+$0x0], $0xffff;
	_ =	sdelay $0x1  }
0x266: {  	v3 =	vor.u32 s2, v1;
	_ =	sdelay $0x1  }
.Ltmp3:
0x267: {  	(pc) =	sbr.rel @p1 .LBB2_8-.Ltmp3, $4  }
0x268: {  	_ = 	snop  }
0x269: {  	[tilespmem:s18+$0x6670] =	vst v2  }
0x26a: {  	s2 =	sadd.s32 $0x100, s2;
	v2 =	vld.idx.msk [tilespmem:v3+s15+$0x0], $0xffff  }
0x26b: {  	s24 =	sadd.s32 $0x200, s24;
	s26 =	sadd.s32 $0xFFFFFF20, s2  }
0x26c: {  	v3 =	vor.u32 s26, v0;
	_ =	sdelay $0x3  }
0x26d: {  	[tilespmem:s18+$0xB670] =	vst v2  }
0x26e: {  	v2 =	vld.idx.msk [tilespmem:v3+s15+$0x0], $0xffff  }
0x26f: {  	v3 =	vor.u32 s26, v1;
	_ =	sdelay $0x2  }
0x270: {  	s18 =	sshra.s32 s20, $0x2  }
0x271: {  	[tilespmem:s18+$0x6600] =	vst v2  }
0x272: {  	s24 =	sadd.s32 $0xFFFFFF40, s2;
	v2 =	vld.idx.msk [tilespmem:v3+s15+$0x0], $0xffff  }
0x273: {  	v3 =	vor.u32 s24, v0;
	_ =	sdelay $0x3  }
0x274: {  	[tilespmem:s18+$0xB600] =	vst v2  }
0x275: {  	v2 =	vld.idx.msk [tilespmem:v3+s15+$0x0], $0xffff  }
0x276: {  	v3 =	vor.u32 s24, v1;
	_ =	sdelay $0x3  }
0x277: {  	[tilespmem:s18+$0x6610] =	vst v2  }
0x278: {  	s26 =	sadd.s32 $0xFFFFFF60, s2;
	v2 =	vld.idx.msk [tilespmem:v3+s15+$0x0], $0xffff  }
0x279: {  	v3 =	vor.u32 s26, v0;
	_ =	sdelay $0x3  }
0x27a: {  	[tilespmem:s18+$0xB610] =	vst v2  }
0x27b: {  	v2 =	vld.idx.msk [tilespmem:v3+s15+$0x0], $0xffff  }
0x27c: {  	v3 =	vor.u32 s26, v1;
	_ =	sdelay $0x3  }
0x27d: {  	[tilespmem:s18+$0x6620] =	vst v2  }
0x27e: {  	s24 =	sadd.s32 $0xFFFFFF80, s2;
	v2 =	vld.idx.msk [tilespmem:v3+s15+$0x0], $0xffff  }
0x27f: {  	v3 =	vor.u32 s24, v0;
	_ =	sdelay $0x3  }
0x280: {  	[tilespmem:s18+$0xB620] =	vst v2  }
0x281: {  	v2 =	vld.idx.msk [tilespmem:v3+s15+$0x0], $0xffff  }
0x282: {  	v3 =	vor.u32 s24, v1;
	_ =	sdelay $0x3  }
0x283: {  	[tilespmem:s18+$0x6630] =	vst v2  }
0x284: {  	s26 =	sadd.s32 $0xFFFFFFA0, s2;
	v2 =	vld.idx.msk [tilespmem:v3+s15+$0x0], $0xffff  }
0x285: {  	v3 =	vor.u32 s26, v0;
	_ =	sdelay $0x3  }
0x286: {  	[tilespmem:s18+$0xB630] =	vst v2  }
0x287: {  	v2 =	vld.idx.msk [tilespmem:v3+s15+$0x0], $0xffff  }
0x288: {  	v3 =	vor.u32 s26, v1;
	_ =	sdelay $0x3  }
0x289: {  	[tilespmem:s18+$0x6640] =	vst v2  }
0x28a: {  	s24 =	sadd.s32 $0xFFFFFFC0, s2;
	v2 =	vld.idx.msk [tilespmem:v3+s15+$0x0], $0xffff  }
0x28b: {  	v3 =	vor.u32 s24, v0;
	_ =	sdelay $0x3  }
0x28c: {  	[tilespmem:s18+$0xB640] =	vst v2  }
0x28d: {  	v2 =	vld.idx.msk [tilespmem:v3+s15+$0x0], $0xffff  }
0x28e: {  	v3 =	vor.u32 s24, v1;
	_ =	sdelay $0x3  }
0x28f: {  	[tilespmem:s18+$0x6650] =	vst v2  }
0x290: {  	s26 =	sadd.s32 $0xFFFFFFE0, s2;
	v2 =	vld.idx.msk [tilespmem:v3+s15+$0x0], $0xffff  }
0x291: {  	v3 =	vor.u32 s26, v0;
	_ =	sdelay $0x3  }
0x292: {  	[tilespmem:s18+$0xB650] =	vst v2  }
0x293: {  	v2 =	vld.idx.msk [tilespmem:v3+s15+$0x0], $0xffff  }
0x294: {  	v3 =	vor.u32 s26, v1;
	_ =	sdelay $0x3  }
0x295: {  	[tilespmem:s18+$0x6660] =	vst v2  }
0x296: {  	v2 =	vld.idx.msk [tilespmem:v3+s15+$0x0], $0xffff  }
0x297: {  	v3 =	vor.u32 s2, v0;
	_ =	sdelay $0x3  }
0x298: {  	[tilespmem:s18+$0xB660] =	vst v2  }
0x299: {  	v2 =	vld.idx.msk [tilespmem:v3+s15+$0x0], $0xffff  }
0x29a: {  	v3 =	vor.u32 s2, v1;
	_ =	sdelay $0x3  }
0x29b: {  	[tilespmem:s18+$0x6670] =	vst v2  }
0x29c: {  	v2 =	vld.idx.msk [tilespmem:v3+s15+$0x0], $0xffff;
	_ =	sdelay $0x4  }
0x29d: {  	[tilespmem:s18+$0xB670] =	vst v2  }
0x29e: {  	s20 =	simm.s32 $0x2A00;
	[bflag:$0x0] =	sbarrier.arrive $0xFFFF  }
0x29f: {  	[tilespmem:s19], [sflag:$0x1] =	stream.indirect.gather [spmem:s1], $0x40, s20, s17, $0xb8;
	[tilespmem:$0x14A00] =	vst v63  }
0x2a0: {  	s24 =	simm.s32 $0x7A00  }
0x2a1: {  	[tilespmem:s21], [sflag:$0x1] =	stream.indirect.gather [spmem:s1], $0x40, s24, s17, $0xb8;
	[tilespmem:$0x14A00] =	vst v63  }
0x2a2: {  	_ =	swait.ge [sflag:s22], $0x2000  }
0x2a3: {  	[sflag:s22] =	ssyncset.done $0x0  }
0x2a4: {  	[sflag:s22] =	ssyncadd.s32 $0xFFFFE000  }
0x2a5: {  	_ =	swait.ge [sflag:s22], $0x2000  }
0x2a6: {  	[sflag:s22] =	ssyncset.done $0x0  }
0x2a7: {  	[sflag:s22] =	ssyncadd.s32 $0xFFFFE000  }
0x2a8: {  	[hbm4b:s8+s23] =	stream.strided.scatter [tilespmem:s19], [sflag:$0x3], $0x2000, s17, s23, $0x38;
	[tilespmem:$0x14A00] =	vst v63  }
0x2a9: {  	_ = 	snop  }
0x2aa: {  	[hbm4b:s10+s23] =	stream.strided.scatter [tilespmem:s21], [sflag:$0x3], $0x2000, s17, s23, $0x38;
	[tilespmem:$0x14A00] =	vst v63  }
0x2ab: {  	s26 =	simm.s32 $0x2A80  }
0x2ac: {  	[tilespmem:s25], [sflag:$0x2] =	stream.indirect.gather [spmem:s1], $0x40, s26, s17, $0xb8;
	[tilespmem:$0x14A00] =	vst v63  }
0x2ad: {  	s18 =	simm.s32 $0x7A80  }
0x2ae: {  	[tilespmem:s28], [sflag:$0x2] =	stream.indirect.gather [spmem:s1], $0x40, s18, s17, $0xb8;
	[tilespmem:$0x14A00] =	vst v63  }
0x2af: {  	_ =	swait.ge [sflag:s29], $0x2000  }
0x2b0: {  	[sflag:s29] =	ssyncset.done $0x0  }
0x2b1: {  	[sflag:s29] =	ssyncadd.s32 $0xFFFFE000  }
0x2b2: {  	_ =	swait.ge [sflag:s29], $0x2000  }
0x2b3: {  	[sflag:s29] =	ssyncset.done $0x0  }
0x2b4: {  	[sflag:s29] =	ssyncadd.s32 $0xFFFFE000  }
0x2b5: {  	[hbm4b:s9+s23] =	stream.strided.scatter [tilespmem:s25], [sflag:$0x4], $0x2000, s17, s23, $0x38;
	[tilespmem:$0x14A00] =	vst v63  }
0x2b6: {  	_ = 	snop  }
0x2b7: {  	[hbm4b:s11+s23] =	stream.strided.scatter [tilespmem:s28], [sflag:$0x4], $0x2000, s17, s23, $0x38;
	[tilespmem:$0x14A00] =	vst v63  }
0x2b8: {  	_ =	swait.ge [sflag:s30], $0x2000  }
0x2b9: {  	[sflag:s30] =	ssyncset.done $0x0  }
0x2ba: {  	[sflag:s30] =	ssyncadd.s32 $0xFFFFE000  }
0x2bb: {  	_ =	swait.ge [sflag:s30], $0x2000  }
0x2bc: {  	[sflag:s30] =	ssyncset.done $0x0  }
0x2bd: {  	s20 =	simm.s32 $0x2B00;
	[sflag:s30] =	ssyncadd.s32 $0xFFFFE000  }
0x2be: {  	[tilespmem:s19], [sflag:$0x1] =	stream.indirect.gather [spmem:s1], $0x40, s20, s17, $0xb8;
	[tilespmem:$0x14A00] =	vst v63  }
0x2bf: {  	s24 =	simm.s32 $0x7B00  }
0x2c0: {  	[tilespmem:s21], [sflag:$0x1] =	stream.indirect.gather [spmem:s1], $0x40, s24, s17, $0xb8;
	[tilespmem:$0x14A00] =	vst v63  }
0x2c1: {  	_ =	swait.ge [sflag:s22], $0x2000  }
0x2c2: {  	[sflag:s22] =	ssyncset.done $0x0  }
0x2c3: {  	[sflag:s22] =	ssyncadd.s32 $0xFFFFE000  }
0x2c4: {  	_ =	swait.ge [sflag:s22], $0x2000  }
0x2c5: {  	[sflag:s22] =	ssyncset.done $0x0  }
0x2c6: {  	s26 =	sadd.s32 $0x0, s13;
	[sflag:s22] =	ssyncadd.s32 $0xFFFFE000  }
0x2c7: {  	[hbm4b:s26+s23] =	stream.strided.scatter [tilespmem:s19], [sflag:$0x3], $0x2000, s17, s23, $0x38;
	[tilespmem:$0x14A00] =	vst v63  }
0x2c8: {  	s2 =	sadd.s32 $0x8, s26  }
0x2c9: {  	[hbm4b:s2+s23] =	stream.strided.scatter [tilespmem:s21], [sflag:$0x3], $0x2000, s17, s23, $0x38;
	[tilespmem:$0x14A00] =	vst v63  }
0x2ca: {  	_ =	swait.ge [sflag:s31], $0x2000  }
0x2cb: {  	[sflag:s31] =	ssyncset.done $0x0  }
0x2cc: {  	[sflag:s31] =	ssyncadd.s32 $0xFFFFE000  }
0x2cd: {  	_ =	swait.ge [sflag:s31], $0x2000  }
0x2ce: {  	[sflag:s31] =	ssyncset.done $0x0  }
0x2cf: {  	s18 =	simm.s32 $0x2B80;
	[sflag:s31] =	ssyncadd.s32 $0xFFFFE000  }
0x2d0: {  	[tilespmem:s25], [sflag:$0x2] =	stream.indirect.gather [spmem:s1], $0x40, s18, s17, $0xb8;
	[tilespmem:$0x14A00] =	vst v63  }
0x2d1: {  	s20 =	simm.s32 $0x7B80  }
0x2d2: {  	[tilespmem:s28], [sflag:$0x2] =	stream.indirect.gather [spmem:s1], $0x40, s20, s17, $0xb8;
	[tilespmem:$0x14A00] =	vst v63  }
0x2d3: {  	_ =	swait.ge [sflag:s29], $0x2000  }
0x2d4: {  	[sflag:s29] =	ssyncset.done $0x0  }
0x2d5: {  	[sflag:s29] =	ssyncadd.s32 $0xFFFFE000  }
0x2d6: {  	s24 =	sadd.s32 $0x0, s14;
	_ =	swait.ge [sflag:s29], $0x2000  }
0x2d7: {  	s26 =	sadd.s32 $0x1800, s24;
	s2 =	simm.s32 $0x1000;
	[sflag:s29] =	ssyncset.done $0x0  }
0x2d8: {  	s18 =	simm.s32 $0x7C80;
	s20 =	sadd.s32 $0x1808, s24;
	[sflag:s29] =	ssyncadd.s32 $0xFFFFE000  }
0x2d9: {  	[hbm4b:s26+s23] =	stream.strided.scatter [tilespmem:s25], [sflag:$0x4], $0x2000, s17, s23, $0x38;
	[tilespmem:$0x14A00] =	vst v63  }
.LBB2_10:
0x2da: {  	[hbm4b:s20+s23] =	stream.strided.scatter [tilespmem:s28], [sflag:$0x4], $0x2000, s17, s23, $0x38;
	[tilespmem:$0x14A00] =	vst v63  }
0x2db: {  	s20 =	smov.u32 s2  }
0x2dc: {  	p1 =	sne.s32 s2, $0x4E000;
	s2 =	sadd.s32 $0x1000, s2;
	_ =	swait.ge [sflag:s30], $0x2000  }
0x2dd: {  	[sflag:s30] =	ssyncset.done $0x0  }
0x2de: {  	[sflag:s30] =	ssyncadd.s32 $0xFFFFE000  }
0x2df: {  	_ =	swait.ge [sflag:s30], $0x2000  }
0x2e0: {  	[sflag:s30] =	ssyncset.done $0x0  }
0x2e1: {  	s24 =	sadd.s32 $0xFFFFAF80, s18;
	[sflag:s30] =	ssyncadd.s32 $0xFFFFE000  }
0x2e2: {  	[tilespmem:s19], [sflag:$0x1] =	stream.indirect.gather [spmem:s1], $0x40, s24, s17, $0xb8;
	[tilespmem:$0x14A00] =	vst v63  }
0x2e3: {  	s24 =	sadd.s32 $0xFFFFFF80, s18  }
0x2e4: {  	[tilespmem:s21], [sflag:$0x1] =	stream.indirect.gather [spmem:s1], $0x40, s24, s17, $0xb8;
	[tilespmem:$0x14A00] =	vst v63  }
0x2e5: {  	_ =	swait.ge [sflag:s22], $0x2000  }
0x2e6: {  	[sflag:s22] =	ssyncset.done $0x0  }
0x2e7: {  	[sflag:s22] =	ssyncadd.s32 $0xFFFFE000  }
0x2e8: {  	_ =	swait.ge [sflag:s22], $0x2000  }
0x2e9: {  	[sflag:s22] =	ssyncset.done $0x0  }
0x2ea: {  	s24 =	sadd.s32 s20, s13;
	[sflag:s22] =	ssyncadd.s32 $0xFFFFE000  }
0x2eb: {  	[hbm4b:s24+s23] =	stream.strided.scatter [tilespmem:s19], [sflag:$0x3], $0x2000, s17, s23, $0x38;
	[tilespmem:$0x14A00] =	vst v63  }
0x2ec: {  	s24 =	sadd.s32 $0x8, s24  }
0x2ed: {  	[hbm4b:s24+s23] =	stream.strided.scatter [tilespmem:s21], [sflag:$0x3], $0x2000, s17, s23, $0x38;
	[tilespmem:$0x14A00] =	vst v63  }
0x2ee: {  	_ =	swait.ge [sflag:s31], $0x2000  }
0x2ef: {  	[sflag:s31] =	ssyncset.done $0x0  }
0x2f0: {  	[sflag:s31] =	ssyncadd.s32 $0xFFFFE000  }
0x2f1: {  	_ =	swait.ge [sflag:s31], $0x2000  }
0x2f2: {  	[sflag:s31] =	ssyncset.done $0x0  }
0x2f3: {  	s24 =	sadd.s32 $0xFFFFB000, s18;
	[sflag:s31] =	ssyncadd.s32 $0xFFFFE000  }
0x2f4: {  	[tilespmem:s25], [sflag:$0x2] =	stream.indirect.gather [spmem:s1], $0x40, s24, s17, $0xb8;
	[tilespmem:$0x14A00] =	vst v63  }
0x2f5: {  	_ = 	snop  }
0x2f6: {  	[tilespmem:s28], [sflag:$0x2] =	stream.indirect.gather [spmem:s1], $0x40, s18, s17, $0xb8;
	[tilespmem:$0x14A00] =	vst v63  }
0x2f7: {  	_ =	swait.ge [sflag:s29], $0x2000  }
0x2f8: {  	[sflag:s29] =	ssyncset.done $0x0  }
0x2f9: {  	[sflag:s29] =	ssyncadd.s32 $0xFFFFE000  }
.Ltmp4:
0x2fa: {  	_ =	swait.ge [sflag:s29], $0x2000;
	(pc) =	sbr.rel @p1 .LBB2_10-.Ltmp4, $4  }
0x2fb: {  	s20 =	sadd.s32 s20, s14;
	[sflag:s29] =	ssyncset.done $0x0  }
0x2fc: {  	s24 =	sadd.s32 $0x1800, s20;
	[sflag:s29] =	ssyncadd.s32 $0xFFFFE000  }
0x2fd: {  	[hbm4b:s24+s23] =	stream.strided.scatter [tilespmem:s25], [sflag:$0x4], $0x2000, s17, s23, $0x38;
	[tilespmem:$0x14A00] =	vst v63  }
0x2fe: {  	s20 =	sadd.s32 $0x1808, s20;
	s18 =	sadd.s32 $0x100, s18  }
0x2ff: {  	[hbm4b:s20+s23] =	stream.strided.scatter [tilespmem:s28], [sflag:$0x4], $0x2000, s17, s23, $0x38;
	[tilespmem:$0x14A00] =	vst v63  }
0x300: {  	_ =	swait.ge [sflag:s30], $0x2000  }
0x301: {  	[sflag:s30] =	ssyncset.done $0x0  }
0x302: {  	[sflag:s30] =	ssyncadd.s32 $0xFFFFE000  }
0x303: {  	_ =	swait.ge [sflag:s30], $0x2000  }
0x304: {  	[sflag:s30] =	ssyncset.done $0x0  }
0x305: {  	s0 =	sadd.s32 $0x1, s0;
	[sflag:s30] =	ssyncadd.s32 $0xFFFFE000  }
0x306: {  	p1 =	sne.s32 s0, s12;
	_ =	swait.ge [sflag:s31], $0x2000  }
.Ltmp5:
0x307: {  	[sflag:s31] =	ssyncset.done $0x0;
	(pc) =	sbr.rel @p1 .LBB2_1-.Ltmp5, $4  }
0x308: {  	[sflag:s31] =	ssyncadd.s32 $0xFFFFE000  }
0x309: {  	_ =	swait.ge [sflag:s31], $0x2000  }
0x30a: {  	[sflag:s31] =	ssyncset.done $0x0  }
0x30b: {  	[sflag:s31] =	ssyncadd.s32 $0xFFFFE000  }
0x30c: {  	_ =	sfence.sel $0x180000  }
0x30d: {  	[bflag:$0x0] =	sbarrier.arrive $0xFFFF  }
0x30e: {  	_ =	strace $0x90000047  }
0x30f: {  	[bflag:$0x2] =	sbarrier.arrive $0xFFFF  }
0x310: {  	s0 =	rddreg [dreg:$0x3]  }
0x311: {  	s0 =	sadd.s32 @!p0 $0x100000, s0  }
0x312: {  	[sflag:s0] =	ssyncadd.tile.s32 @!p0 $0x1;
	_ =	shalt  }
.Lfunc_end2:
_tile_overlayer_lowered:
.L_overlay_start_2:
0x313: {  	(tag) =	ssettag $0x2  }
0x314: {  	s0 =	rddreg [dreg:$0x0];
	s2 =	stileid.u32  }
0x315: {  	s1 =	rddreg [dreg:$0x1];
	p0 =	sne.s32 s2, $0x0  }
0x316: {  	s3 =	rddreg [dreg:$0x2];
	[bflag:$0x3] =	sbarrier.arrive $0xFFFF;
	s2 =	simm.s32 @!p0 $0x1C05  }
0x317: {  	[timem:s3], [sflag:s2] =	dma.local @!p0 [hbm:s0], s1  }
0x318: {  	s0 =	simm.s32 @!p0 $0x5  }
0x319: {  	_ =	swait.ge @!p0 [sflag:s0], s1  }
0x31a: {  	s1 =	ssub.s32 @!p0 $0x0, s1;
	[sflag:s0] =	ssyncset.done @!p0 $0x0  }
0x31b: {  	[sflag:s0] =	ssyncadd.s32 @!p0 s1  }
0x31c: {  	[bflag:$0x3] =	sbarrier.arrive $0xFFFF  }
0x31d: {  	_ =	shalt  }

</sc_bundles>
